<compile_context>
chip_gen: v7x
topology: tpu7x:2x2x1
jax: 0.10.2.dev20260603
libtpu: 0.0.44.dev20260713+nightly
codegen_flags: <defaults>
</compile_context>

<pallas_src>
import functools

import jax
import jax.numpy as jnp
from jax import lax
from jax.experimental import pallas as pl
from jax.experimental.pallas import tpu as pltpu
from jax.experimental.pallas import tpu_sc as plsc

N = 10000
E = 160000
D = 16
B = 64

NC = 2
NS = 16
NW = NC * NS
CHUNK = 128
E_PAD = 163840
CHUNKS_PER_TILE = E_PAD // (NW * CHUNK)
EDGES_PER_TILE = CHUNKS_PER_TILE * CHUNK
N_PAD = 10240
ROWS_PER_SUB = N_PAD // NS

@functools.cache
def _sc_mesh():
    return plsc.VectorSubcoreMesh(
        core_axis_name="c", subcore_axis_name="s", num_cores=NC,
        num_subcores=NS)


@functools.cache
def _make_sc_gather():
    def body(table_hbm, idx_hbm, out_hbm, idx_v, rows_v, sem):
        c = lax.axis_index("c")
        s = lax.axis_index("s")
        wid = s * NC + c

        pltpu.sync_copy(
            idx_hbm.at[pl.ds(wid * CHUNKS_PER_TILE, CHUNKS_PER_TILE)], idx_v)

        def step(j, carry):
            pltpu.async_copy(
                table_hbm.at[idx_v.at[j]],
                rows_v.at[pl.ds(j * CHUNK, CHUNK)], sem).wait()
            return carry

        lax.fori_loop(0, CHUNKS_PER_TILE, step, 0)
        pltpu.sync_copy(
            rows_v, out_hbm.at[pl.ds(wid * EDGES_PER_TILE, EDGES_PER_TILE)])

    return pl.kernel(
        body,
        out_type=jax.ShapeDtypeStruct((E_PAD, D), jnp.float32),
        mesh=_sc_mesh(),
        scratch_types=[
            pltpu.VMEM((CHUNKS_PER_TILE, CHUNK), jnp.int32),
            pltpu.VMEM((EDGES_PER_TILE, D), jnp.float32),
            pltpu.SemaphoreType.DMA,
        ],
        compiler_params=pltpu.CompilerParams(use_tc_tiling_on_sc=False),
    )


def _sc_gather(table, idx2d):
    return _make_sc_gather()(table, idx2d)


@functools.cache
def _make_sc_scatter():
    def body(vals_hbm, idx_hbm, zeros_hbm, out_hbm, idx_v, rows_v, acc_sh):
        c = lax.axis_index("c")
        s = lax.axis_index("s")
        wid = s * NC + c

        pltpu.sync_copy(zeros_hbm,
                        acc_sh.at[pl.ds(s * ROWS_PER_SUB, ROWS_PER_SUB)])
        pltpu.sync_copy(
            idx_hbm.at[pl.ds(wid * CHUNKS_PER_TILE, CHUNKS_PER_TILE)], idx_v)
        pltpu.sync_copy(
            vals_hbm.at[pl.ds(wid * EDGES_PER_TILE, EDGES_PER_TILE)], rows_v)
        plsc.subcore_barrier()

        def step(j, carry):
            pltpu.sync_copy(rows_v.at[pl.ds(j * CHUNK, CHUNK)],
                            acc_sh.at[idx_v.at[j]], add=True)
            return carry

        lax.fori_loop(0, CHUNKS_PER_TILE, step, 0)
        plsc.subcore_barrier()

        pltpu.sync_copy(
            acc_sh.at[pl.ds(s * ROWS_PER_SUB, ROWS_PER_SUB)],
            out_hbm.at[c, pl.ds(s * ROWS_PER_SUB, ROWS_PER_SUB)],
        )

    return pl.kernel(
        body,
        out_type=jax.ShapeDtypeStruct((NC, N_PAD, D), jnp.float32),
        mesh=_sc_mesh(),
        scratch_types=[
            pltpu.VMEM((CHUNKS_PER_TILE, CHUNK), jnp.int32),
            pltpu.VMEM((EDGES_PER_TILE, D), jnp.float32),
            pltpu.VMEM_SHARED((N_PAD, D), jnp.float32),
        ],
        compiler_params=pltpu.CompilerParams(use_tc_tiling_on_sc=False),
    )


def _sc_scatter(vals, idx2d, zeros_rows):
    return _make_sc_scatter()(vals, idx2d, zeros_rows)


def _pre_body(x_ref, w_ref, b_ref, degp_ref, out_ref, rdeg_ref):
    out_ref[...] = jax.nn.relu(
        jnp.dot(x_ref[...], w_ref[...], preferred_element_type=jnp.float32)
        + b_ref[...]
    )
    deg = degp_ref[0] + degp_ref[1]
    rdeg_ref[...] = 1.0 / jnp.maximum(deg, 1.0)


def _pre(x, lin0_W, lin0_b2, deg_parts):
    blk = 2000
    grid = N // blk
    return pl.pallas_call(
        _pre_body,
        grid=(grid,),
        in_specs=[
            pl.BlockSpec((blk, 128), lambda i: (i, 0)),
            pl.BlockSpec((128, D), lambda i: (0, 0)),
            pl.BlockSpec((1, D), lambda i: (0, 0)),
            pl.BlockSpec((NC, blk, D), lambda i: (0, i, 0)),
        ],
        out_specs=[
            pl.BlockSpec((blk, D), lambda i: (i, 0)),
            pl.BlockSpec((blk, D), lambda i: (i, 0)),
        ],
        out_shape=[
            jax.ShapeDtypeStruct((N, D), jnp.float32),
            jax.ShapeDtypeStruct((N, D), jnp.float32),
        ],
    )(x, lin0_W, lin0_b2, deg_parts)


def _msg_body(ea_ref, sf_ref, w1_ref, b1_ref, w2_ref, b2_ref, t_ref, g_ref,
              msg_ref, *, blk):
    eh = jax.nn.relu(
        jnp.dot(ea_ref[...], w1_ref[...], preferred_element_type=jnp.float32)
        + b1_ref[...]
    )
    we = jnp.dot(eh, w2_ref[...], preferred_element_type=jnp.float32) + b2_ref[...]
    src_t = jnp.dot(sf_ref[...], t_ref[...], preferred_element_type=jnp.float32,
                    precision=lax.Precision.HIGHEST)
    msg = jnp.dot(src_t * we, g_ref[...], preferred_element_type=jnp.float32,
                  precision=lax.Precision.HIGHEST)
    rows = blk * pl.program_id(0) + lax.broadcasted_iota(jnp.int32, (blk, 1), 0)
    msg_ref[...] = jnp.where(rows < E, msg, 0.0)


def _msg(ea_p, src_feat, e1_W, e1_b2, e2_W2, e2_b2, t_mat, g_mat):
    blk = 2048
    grid = E_PAD // blk
    return pl.pallas_call(
        functools.partial(_msg_body, blk=blk),
        grid=(grid,),
        in_specs=[
            pl.BlockSpec((blk, 16), lambda i: (i, 0)),
            pl.BlockSpec((blk, D), lambda i: (i, 0)),
            pl.BlockSpec((16, 128), lambda i: (0, 0)),
            pl.BlockSpec((1, 128), lambda i: (0, 0)),
            pl.BlockSpec((128, 256), lambda i: (0, 0)),
            pl.BlockSpec((1, 256), lambda i: (0, 0)),
            pl.BlockSpec((D, 256), lambda i: (0, 0)),
            pl.BlockSpec((256, D), lambda i: (0, 0)),
        ],
        out_specs=pl.BlockSpec((blk, D), lambda i: (i, 0)),
        out_shape=jax.ShapeDtypeStruct((E_PAD, D), jnp.float32),
    )(ea_p, src_feat, e1_W, e1_b2, e2_W2, e2_b2, t_mat, g_mat)


def _update_body(h_ref, aggp_ref, rdeg_ref, rw_ref, cb_ref, wih_ref, bih_ref,
                 whh_ref, bhh_ref, out_ref):
    h = h_ref[...]
    agg = (aggp_ref[0] + aggp_ref[1]) * rdeg_ref[...]
    m = jax.nn.relu(
        jnp.dot(h, rw_ref[...], preferred_element_type=jnp.float32)
        + agg + cb_ref[...]
    )
    gi = jnp.dot(m, wih_ref[...], preferred_element_type=jnp.float32) + bih_ref[...]
    gh = jnp.dot(h, whh_ref[...], preferred_element_type=jnp.float32) + bhh_ref[...]
    r = jax.nn.sigmoid(gi[:, 0:D] + gh[:, 0:D])
    z = jax.nn.sigmoid(gi[:, D:2 * D] + gh[:, D:2 * D])
    n = jnp.tanh(gi[:, 2 * D:3 * D] + r * gh[:, 2 * D:3 * D])
    out_ref[...] = (1.0 - z) * n + z * h


def _update(h, agg_parts, rdeg, root_W, conv_b2, gru_Wih, gru_bih2, gru_Whh,
            gru_bhh2):
    blk = 2000
    grid = N // blk
    return pl.pallas_call(
        _update_body,
        grid=(grid,),
        in_specs=[
            pl.BlockSpec((blk, D), lambda i: (i, 0)),
            pl.BlockSpec((NC, blk, D), lambda i: (0, i, 0)),
            pl.BlockSpec((blk, D), lambda i: (i, 0)),
            pl.BlockSpec((D, D), lambda i: (0, 0)),
            pl.BlockSpec((1, D), lambda i: (0, 0)),
            pl.BlockSpec((D, 3 * D), lambda i: (0, 0)),
            pl.BlockSpec((1, 3 * D), lambda i: (0, 0)),
            pl.BlockSpec((D, 3 * D), lambda i: (0, 0)),
            pl.BlockSpec((1, 3 * D), lambda i: (0, 0)),
        ],
        out_specs=pl.BlockSpec((blk, D), lambda i: (i, 0)),
        out_shape=jax.ShapeDtypeStruct((N, D), jnp.float32),
    )(h, agg_parts, rdeg, root_W, conv_b2, gru_Wih, gru_bih2, gru_Whh,
      gru_bhh2)


def _s2s_body(out_ref, bcol_ref, brow_ref, wih_ref, bih_ref, whh_ref,
              bhh_ref, fc1w_ref, fc1b_ref, fc2w_ref, fc2b_ref, y_ref):
    nodes = out_ref[...]
    oh = (bcol_ref[...] == lax.broadcasted_iota(jnp.int32, (N, B), 1)
          ).astype(jnp.float32)
    oht = (brow_ref[...] == lax.broadcasted_iota(jnp.int32, (B, N), 0)
           ).astype(jnp.float32)
    q_star = jnp.zeros((B, 2 * D), jnp.float32)
    hs = jnp.zeros((B, D), jnp.float32)
    cs = jnp.zeros((B, D), jnp.float32)
    for _ in range(3):
        gates = (
            jnp.dot(q_star, wih_ref[...], preferred_element_type=jnp.float32)
            + bih_ref[...]
            + jnp.dot(hs, whh_ref[...], preferred_element_type=jnp.float32)
            + bhh_ref[...]
        )
        i_g = jax.nn.sigmoid(gates[:, 0:D])
        f_g = jax.nn.sigmoid(gates[:, D:2 * D])
        g_g = jnp.tanh(gates[:, 2 * D:3 * D])
        o_g = jax.nn.sigmoid(gates[:, 3 * D:4 * D])
        cs = f_g * cs + i_g * g_g
        hs = o_g * jnp.tanh(cs)
        q = hs
        qb = jnp.dot(oh, q, preferred_element_type=jnp.float32)
        e = jnp.sum(nodes * qb, axis=1, keepdims=True)
        a = jnp.exp(e)
        z = jnp.concatenate([a, a * nodes], axis=1)
        u = jnp.dot(oht, z, preferred_element_type=jnp.float32)
        denom = u[:, 0:1]
        r_read = u[:, 1:1 + D] / (denom + 1e-16)
        q_star = jnp.concatenate([q, r_read], axis=1)
    hid = jax.nn.relu(
        jnp.dot(q_star, fc1w_ref[...], preferred_element_type=jnp.float32)
        + fc1b_ref[...]
    )
    y_ref[...] = (
        jnp.dot(hid, fc2w_ref[...], preferred_element_type=jnp.float32)
        + fc2b_ref[...]
    )


def _s2s(out, bcol, brow, lstm_Wih, lstm_bih2, lstm_Whh, lstm_bhh2, fc1_W,
         fc1_b2, fc2_W, fc2_b2):
    return pl.pallas_call(
        _s2s_body,
        out_shape=jax.ShapeDtypeStruct((B, 1), jnp.float32),
    )(out, bcol, brow, lstm_Wih, lstm_bih2, lstm_Whh, lstm_bhh2, fc1_W,
      fc1_b2, fc2_W, fc2_b2)


def kernel(x, edge_index, edge_attr, batch, lin0_W, lin0_b, e1_W, e1_b,
           e2_W, e2_b, root_W, conv_b, gru_Wih, gru_bih, gru_Whh, gru_bhh,
           lstm_Wih, lstm_bih, lstm_Whh, lstm_bhh, fc1_W, fc1_b, fc2_W,
           fc2_b):
    pad = E_PAD - E
    src = jnp.concatenate([edge_index[0], jnp.zeros((pad,), jnp.int32)])
    dst = jnp.concatenate([edge_index[1], jnp.zeros((pad,), jnp.int32)])
    src2d = src.reshape(E_PAD // CHUNK, CHUNK)
    dst2d = dst.reshape(E_PAD // CHUNK, CHUNK)
    ea_p = jnp.concatenate(
        [edge_attr, jnp.zeros((pad, edge_attr.shape[1]), jnp.float32)])
    ones_p = jnp.concatenate(
        [jnp.ones((E, D), jnp.float32), jnp.zeros((pad, D), jnp.float32)])
    zeros_rows = jnp.zeros((ROWS_PER_SUB, D), jnp.float32)

    e2_W2 = e2_W.reshape(128, D, D).transpose(0, 2, 1).reshape(128, D * D)
    e2_b2 = e2_b.reshape(D, D).T.reshape(1, D * D)
    eye = jnp.eye(D, dtype=jnp.float32)
    t_mat = jnp.tile(eye, (1, D))
    g_mat = jnp.repeat(eye, D, axis=0)

    deg_parts = _sc_scatter(ones_p, dst2d, zeros_rows)
    h, rdeg = _pre(x, lin0_W, lin0_b.reshape(1, D), deg_parts)

    for _ in range(3):
        src_feat = _sc_gather(h, src2d)
        msg = _msg(ea_p, src_feat, e1_W, e1_b.reshape(1, 128), e2_W2, e2_b2,
                   t_mat, g_mat)
        agg_parts = _sc_scatter(msg, dst2d, zeros_rows)
        h = _update(h, agg_parts, rdeg, root_W, conv_b.reshape(1, D),
                    gru_Wih, gru_bih.reshape(1, 3 * D), gru_Whh,
                    gru_bhh.reshape(1, 3 * D))

    return _s2s(h, batch.reshape(N, 1), batch.reshape(1, N), lstm_Wih,
                lstm_bih.reshape(1, 4 * D), lstm_Whh,
                lstm_bhh.reshape(1, 4 * D), fc1_W, fc1_b.reshape(1, 128),
                fc2_W, fc2_b.reshape(1, 1))

# --- scband reference (transcript-rebuilt; emitter-appended) ---
"""Pipeline reference for scband-mpnn-78632261256134 (READ-ONLY COPY).

The authoritative reference and input builder live on the scoring server;
editing this copy changes nothing except your own understanding.
"""

import jax, jax.numpy as jnp
import numpy as np

N = 10000
E = 160000
F_IN = 128
D = 16
NEDGE = 16
EH = 128
LH = 128
OUT = 1
B = 64


def setup_inputs(seed: int = 0):
    key = jax.random.key(seed)
    ks = jax.random.split(key, 16)
    def rn(k, shape, scale):
        return jax.random.normal(k, shape, dtype=jnp.float32) * scale
    inp = {}
    inp["x"] = jax.random.normal(ks[0], (N, F_IN), dtype=jnp.float32)
    inp["edge_index"] = jax.random.randint(ks[1], (2, E), 0, N, dtype=jnp.int32)
    inp["edge_attr"] = jax.random.normal(ks[2], (E, NEDGE), dtype=jnp.float32)
    inp["batch"] = jnp.sort(jax.random.randint(ks[3], (N,), 0, B, dtype=jnp.int32))
    inp["lin0_W"] = rn(ks[4], (F_IN, D), 0.05)
    inp["lin0_b"] = jnp.zeros((D,), jnp.float32)
    inp["e1_W"] = rn(ks[5], (NEDGE, EH), 0.1)
    inp["e1_b"] = jnp.zeros((EH,), jnp.float32)
    inp["e2_W"] = rn(ks[6], (EH, D * D), 0.05)
    inp["e2_b"] = jnp.zeros((D * D,), jnp.float32)
    inp["root_W"] = rn(ks[7], (D, D), 0.1)
    inp["conv_b"] = jnp.zeros((D,), jnp.float32)
    inp["gru_Wih"] = rn(ks[8], (D, 3 * D), 0.1)
    inp["gru_bih"] = jnp.zeros((3 * D,), jnp.float32)
    inp["gru_Whh"] = rn(ks[9], (D, 3 * D), 0.1)
    inp["gru_bhh"] = jnp.zeros((3 * D,), jnp.float32)
    inp["lstm_Wih"] = rn(ks[10], (2 * D, 4 * D), 0.1)
    inp["lstm_bih"] = jnp.zeros((4 * D,), jnp.float32)
    inp["lstm_Whh"] = rn(ks[11], (D, 4 * D), 0.1)
    inp["lstm_bhh"] = jnp.zeros((4 * D,), jnp.float32)
    inp["fc1_W"] = rn(ks[12], (2 * D, LH), 0.1)
    inp["fc1_b"] = jnp.zeros((LH,), jnp.float32)
    inp["fc2_W"] = rn(ks[13], (LH, OUT), 0.1)
    inp["fc2_b"] = jnp.zeros((OUT,), jnp.float32)
    return inp


def reference(x, edge_index, edge_attr, batch, lin0_W, lin0_b, e1_W, e1_b, e2_W, e2_b, root_W, conv_b, gru_Wih, gru_bih, gru_Whh, gru_bhh, lstm_Wih, lstm_bih, lstm_Whh, lstm_bhh, fc1_W, fc1_b, fc2_W, fc2_b):
    src = edge_index[0]
    dst = edge_index[1]
    # lin0 + relu; GRU hidden initialized from it (requires gcn_in == gru_out)
    out = jax.nn.relu(x @ lin0_W + lin0_b)
    h = out
    # NNConv edge network: edge_attr -> per-edge [D, D] weight (same every iteration)
    eh = jax.nn.relu(edge_attr @ e1_W + e1_b)
    W_e = (eh @ e2_W + e2_b).reshape(E, D, D)
    deg = jax.ops.segment_sum(jnp.ones((E,), jnp.float32), dst, num_segments=N)
    deg = jnp.clip(deg, 1.0, None)
    for _ in range(3):
        # message: x_src @ W_e, mean-aggregated at dst; plus root weight and bias
        msg = jnp.einsum('ei,eio->eo', out[src], W_e)
        agg = jax.ops.segment_sum(msg, dst, num_segments=N) / deg[:, None]
        m = jax.nn.relu(out @ root_W + agg + conv_b)
        # single-step GRU (torch gate order r, z, n)
        gi = m @ gru_Wih + gru_bih
        gh = h @ gru_Whh + gru_bhh
        ir, iz, inn = jnp.split(gi, 3, axis=-1)
        hr, hz, hn = jnp.split(gh, 3, axis=-1)
        r = jax.nn.sigmoid(ir + hr)
        z = jax.nn.sigmoid(iz + hz)
        n = jnp.tanh(inn + r * hn)
        h = (1.0 - z) * n + z * h
        out = h
    # Set2Set with processing_steps=3 (LSTM gate order i, f, g, o)
    q_star = jnp.zeros((B, 2 * D), jnp.float32)
    hs = jnp.zeros((B, D), jnp.float32)
    cs = jnp.zeros((B, D), jnp.float32)
    for _ in range(3):
        gates = q_star @ lstm_Wih + lstm_bih + hs @ lstm_Whh + lstm_bhh
        i_g, f_g, g_g, o_g = jnp.split(gates, 4, axis=-1)
        i_g = jax.nn.sigmoid(i_g)
        f_g = jax.nn.sigmoid(f_g)
        g_g = jnp.tanh(g_g)
        o_g = jax.nn.sigmoid(o_g)
        cs = f_g * cs + i_g * g_g
        hs = o_g * jnp.tanh(cs)
        q = hs
        e = jnp.sum(out * q[batch], axis=-1)
        e_max = jax.ops.segment_max(e, batch, num_segments=B)
        e_max = jnp.where(jnp.isfinite(e_max), e_max, 0.0)
        a = jnp.exp(e - e_max[batch])
        denom = jax.ops.segment_sum(a, batch, num_segments=B)
        a = a / (denom[batch] + 1e-16)
        r_read = jax.ops.segment_sum(a[:, None] * out, batch, num_segments=B)
        q_star = jnp.concatenate([q, r_read], axis=-1)
    hid = jax.nn.relu(q_star @ fc1_W + fc1_b)
    return hid @ fc2_W + fc2_b

if __name__ == "__main__":
    import jax
    _d = setup_inputs()
    print(jax.jit(kernel)(*tuple(_d.values())))

</pallas_src>

<mosaic_0001>
#map = affine_map<(d0, d1) -> (0, 0)>
module attributes {stable_mosaic.version = 14 : i64} {
  func.func @body(%arg0: i32, %arg1: i32, %arg2: memref<10000x16xf32, #tpu.memory_space<hbm>>, %arg3: memref<1280x128xi32, #tpu.memory_space<hbm>>, %arg4: memref<163840x16xf32, #tpu.memory_space<hbm>>, %arg5: memref<40x128xi32, #tpu.memory_space<vmem>>, %arg6: memref<5120x16xf32, #tpu.memory_space<vmem>>, %arg7: memref<!tpu.dma_semaphore, #tpu.memory_space<semaphore_mem>>) attributes {dimension_semantics = [#tpu.dimension_semantics<core_parallel>, #tpu.dimension_semantics<subcore_parallel>], iteration_bounds = array<i64: 2, 16>, scalar_prefetch = 0 : i64, scratch_operands = 3 : i64, tpu.core_type = #tpu.core_type<sc_vector_subcore>, window_params = [{transform_indices = #map}, {transform_indices = #map}, {transform_indices = #map}]} {
    %mul3A = arith.constant 2 : i32
    %mul3A_0 = arith.muli %arg1, %mul3A : i32
    %add3A = arith.addi %mul3A_0, %arg0 : i32
    %mul3A_1 = arith.constant 40 : i32
    %mul3A_2 = arith.muli %add3A, %mul3A_1 : i32
    "tpu.region"() ({
      %run_scoped3A = tpu.sem_alloc : memref<!tpu.dma_semaphore, #tpu.memory_space<semaphore_mem>>
      %dma_start3A = arith.constant 0 : i32
      %dma_start3A_10 = tpu.memref_slice %arg3[%mul3A_2, %dma_start3A] : memref<1280x128xi32, #tpu.memory_space<hbm>> -> memref<40x128xi32, #tpu.memory_space<hbm>>
      %dma_start3A_11 = arith.constant 0 : i32
      %dma_start3A_12 = tpu.memref_slice %arg3[%mul3A_2, %dma_start3A_11] : memref<1280x128xi32, #tpu.memory_space<hbm>> -> memref<40x128xi32, #tpu.memory_space<hbm>>
      tpu.enqueue_dma source(%dma_start3A_12 : memref<40x128xi32, #tpu.memory_space<hbm>>) target(%arg5 : memref<40x128xi32, #tpu.memory_space<vmem>>) target_semaphore(%run_scoped3A : memref<!tpu.dma_semaphore, #tpu.memory_space<semaphore_mem>>)
      %dma_wait3A = arith.constant 0 : i32
      %dma_wait3A_13 = tpu.memref_slice %arg3[%mul3A_2, %dma_wait3A] : memref<1280x128xi32, #tpu.memory_space<hbm>> -> memref<40x128xi32, #tpu.memory_space<hbm>>
      %dma_wait3A_14 = arith.constant 0 : i32
      %dma_wait3A_15 = tpu.memref_slice %arg3[%mul3A_2, %dma_wait3A_14] : memref<1280x128xi32, #tpu.memory_space<hbm>> -> memref<40x128xi32, #tpu.memory_space<hbm>>
      tpu.wait_dma2 semaphore(%run_scoped3A : memref<!tpu.dma_semaphore, #tpu.memory_space<semaphore_mem>>) src(%dma_wait3A_15 : memref<40x128xi32, #tpu.memory_space<hbm>>) dst(%arg5 : memref<40x128xi32, #tpu.memory_space<vmem>>)
      tpu.yield
    }) : () -> ()
    %scan3A = arith.constant 0 : i32
    %scan3A_3 = arith.constant 0 : i32
    %scan3A_4 = arith.constant 40 : i32
    %scan3A_5 = arith.addi %scan3A_3, %scan3A_4 : i32
    %scan3A_6 = arith.constant 1 : i32
    scf.for %scan3A_10 = %scan3A_3 to %scan3A_5 step %scan3A_6  : i32 {
      %mul3A_11 = arith.constant 128 : i32
      %mul3A_12 = arith.muli %scan3A_10, %mul3A_11 : i32
      %dma_start3A = arith.constant 0 : i32
      %dma_start3A_13 = tpu.memref_slice %arg6[%mul3A_12, %dma_start3A] : memref<5120x16xf32, #tpu.memory_space<vmem>> -> memref<128x16xf32, #tpu.memory_space<vmem>>
      %dma_start3A_14 = arith.constant 0 : i32
      %dma_start3A_15 = tpu.memref_slice %arg5[%scan3A_10, %dma_start3A_14] : memref<40x128xi32, #tpu.memory_space<vmem>> -> memref<1x128xi32, #tpu.memory_space<vmem>>
      %dma_start3A_16 = tpu.memref_squeeze %dma_start3A_15 : memref<1x128xi32, #tpu.memory_space<vmem>> -> memref<128xi32, #tpu.memory_space<vmem>>
      %dma_start3A_17 = arith.constant 0 : i32
      %dma_start3A_18 = arith.constant 0 : i32
      %dma_start3A_19 = tpu.memref_slice %arg2[%dma_start3A_17, %dma_start3A_18] : memref<10000x16xf32, #tpu.memory_space<hbm>> -> memref<10000x16xf32, #tpu.memory_space<hbm>>
      tpu.enqueue_indirect_dma source(%dma_start3A_19 : memref<10000x16xf32, #tpu.memory_space<hbm>>) target(%dma_start3A_13 : memref<128x16xf32, #tpu.memory_space<vmem>>) offsets(%dma_start3A_16 : memref<128xi32, #tpu.memory_space<vmem>>) semaphore(%arg7 : memref<!tpu.dma_semaphore, #tpu.memory_space<semaphore_mem>>)
      %dma_wait3A = arith.constant 0 : i32
      %dma_wait3A_20 = tpu.memref_slice %arg6[%mul3A_12, %dma_wait3A] : memref<5120x16xf32, #tpu.memory_space<vmem>> -> memref<128x16xf32, #tpu.memory_space<vmem>>
      %dma_wait3A_21 = arith.constant 0 : i32
      %dma_wait3A_22 = tpu.memref_slice %arg5[%scan3A_10, %dma_wait3A_21] : memref<40x128xi32, #tpu.memory_space<vmem>> -> memref<1x128xi32, #tpu.memory_space<vmem>>
      %dma_wait3A_23 = tpu.memref_squeeze %dma_wait3A_22 : memref<1x128xi32, #tpu.memory_space<vmem>> -> memref<128xi32, #tpu.memory_space<vmem>>
      %dma_wait3A_24 = arith.constant 0 : i32
      %dma_wait3A_25 = arith.constant 0 : i32
      %dma_wait3A_26 = tpu.memref_slice %arg2[%dma_wait3A_24, %dma_wait3A_25] : memref<10000x16xf32, #tpu.memory_space<hbm>> -> memref<10000x16xf32, #tpu.memory_space<hbm>>
      tpu.wait_indirect_dma semaphore(%arg7 : memref<!tpu.dma_semaphore, #tpu.memory_space<semaphore_mem>>) src(%dma_wait3A_26 : memref<10000x16xf32, #tpu.memory_space<hbm>>) dst(%dma_wait3A_20 : memref<128x16xf32, #tpu.memory_space<vmem>>)
    }
    %scan3A_7 = arith.constant 40 : i32
    %mul3A_8 = arith.constant 5120 : i32
    %mul3A_9 = arith.muli %add3A, %mul3A_8 : i32
    "tpu.region"() ({
      %run_scoped3A = tpu.sem_alloc : memref<!tpu.dma_semaphore, #tpu.memory_space<semaphore_mem>>
      %dma_start3A = arith.constant 0 : i32
      %dma_start3A_10 = tpu.memref_slice %arg4[%mul3A_9, %dma_start3A] : memref<163840x16xf32, #tpu.memory_space<hbm>> -> memref<5120x16xf32, #tpu.memory_space<hbm>>
      %dma_start3A_11 = arith.constant 0 : i32
      %dma_start3A_12 = tpu.memref_slice %arg4[%mul3A_9, %dma_start3A_11] : memref<163840x16xf32, #tpu.memory_space<hbm>> -> memref<5120x16xf32, #tpu.memory_space<hbm>>
      tpu.enqueue_dma source(%arg6 : memref<5120x16xf32, #tpu.memory_space<vmem>>) target(%dma_start3A_12 : memref<5120x16xf32, #tpu.memory_space<hbm>>) target_semaphore(%run_scoped3A : memref<!tpu.dma_semaphore, #tpu.memory_space<semaphore_mem>>)
      %dma_wait3A = arith.constant 0 : i32
      %dma_wait3A_13 = tpu.memref_slice %arg4[%mul3A_9, %dma_wait3A] : memref<163840x16xf32, #tpu.memory_space<hbm>> -> memref<5120x16xf32, #tpu.memory_space<hbm>>
      %dma_wait3A_14 = arith.constant 0 : i32
      %dma_wait3A_15 = tpu.memref_slice %arg4[%mul3A_9, %dma_wait3A_14] : memref<163840x16xf32, #tpu.memory_space<hbm>> -> memref<5120x16xf32, #tpu.memory_space<hbm>>
      tpu.wait_dma2 semaphore(%run_scoped3A : memref<!tpu.dma_semaphore, #tpu.memory_space<semaphore_mem>>) src(%arg6 : memref<5120x16xf32, #tpu.memory_space<vmem>>) dst(%dma_wait3A_15 : memref<5120x16xf32, #tpu.memory_space<hbm>>)
      tpu.yield
    }) : () -> ()
    return
  }
}

#map = affine_map<(d0, d1) -> (0, 0)>
#map1 = affine_map<(d0, d1) -> (0, 0, 0)>
module attributes {stable_mosaic.version = 14 : i64} {
  func.func @body(%arg0: i32, %arg1: i32, %arg2: memref<163840x16xf32, #tpu.memory_space<hbm>>, %arg3: memref<1280x128xi32, #tpu.memory_space<hbm>>, %arg4: memref<640x16xf32, #tpu.memory_space<hbm>>, %arg5: memref<2x10240x16xf32, #tpu.memory_space<hbm>>, %arg6: memref<40x128xi32, #tpu.memory_space<vmem>>, %arg7: memref<5120x16xf32, #tpu.memory_space<vmem>>, %arg8: memref<10240x16xf32, #tpu.memory_space<vmem_shared>>) attributes {dimension_semantics = [#tpu.dimension_semantics<core_parallel>, #tpu.dimension_semantics<subcore_parallel>], iteration_bounds = array<i64: 2, 16>, scalar_prefetch = 0 : i64, scratch_operands = 3 : i64, tpu.core_type = #tpu.core_type<sc_vector_subcore>, window_params = [{transform_indices = #map}, {transform_indices = #map}, {transform_indices = #map}, {transform_indices = #map1}]} {
    %mul3A = arith.constant 2 : i32
    %mul3A_0 = arith.muli %arg1, %mul3A : i32
    %add3A = arith.addi %mul3A_0, %arg0 : i32
    %mul3A_1 = arith.constant 640 : i32
    %mul3A_2 = arith.muli %arg1, %mul3A_1 : i32
    "tpu.region"() ({
      %run_scoped3A = tpu.sem_alloc : memref<!tpu.dma_semaphore, #tpu.memory_space<semaphore_mem>>
      %dma_start3A = arith.constant 0 : i32
      %dma_start3A_17 = tpu.memref_slice %arg8[%mul3A_2, %dma_start3A] : memref<10240x16xf32, #tpu.memory_space<vmem_shared>> -> memref<640x16xf32, #tpu.memory_space<vmem_shared>>
      tpu.enqueue_dma source(%arg4 : memref<640x16xf32, #tpu.memory_space<hbm>>) target(%dma_start3A_17 : memref<640x16xf32, #tpu.memory_space<vmem_shared>>) target_semaphore(%run_scoped3A : memref<!tpu.dma_semaphore, #tpu.memory_space<semaphore_mem>>)
      %dma_wait3A = arith.constant 0 : i32
      %dma_wait3A_18 = tpu.memref_slice %arg8[%mul3A_2, %dma_wait3A] : memref<10240x16xf32, #tpu.memory_space<vmem_shared>> -> memref<640x16xf32, #tpu.memory_space<vmem_shared>>
      tpu.wait_dma2 semaphore(%run_scoped3A : memref<!tpu.dma_semaphore, #tpu.memory_space<semaphore_mem>>) src(%arg4 : memref<640x16xf32, #tpu.memory_space<hbm>>) dst(%dma_wait3A_18 : memref<640x16xf32, #tpu.memory_space<vmem_shared>>)
      tpu.yield
    }) : () -> ()
    %mul3A_3 = arith.constant 40 : i32
    %mul3A_4 = arith.muli %add3A, %mul3A_3 : i32
    "tpu.region"() ({
      %run_scoped3A = tpu.sem_alloc : memref<!tpu.dma_semaphore, #tpu.memory_space<semaphore_mem>>
      %dma_start3A = arith.constant 0 : i32
      %dma_start3A_17 = tpu.memref_slice %arg3[%mul3A_4, %dma_start3A] : memref<1280x128xi32, #tpu.memory_space<hbm>> -> memref<40x128xi32, #tpu.memory_space<hbm>>
      %dma_start3A_18 = arith.constant 0 : i32
      %dma_start3A_19 = tpu.memref_slice %arg3[%mul3A_4, %dma_start3A_18] : memref<1280x128xi32, #tpu.memory_space<hbm>> -> memref<40x128xi32, #tpu.memory_space<hbm>>
      tpu.enqueue_dma source(%dma_start3A_19 : memref<40x128xi32, #tpu.memory_space<hbm>>) target(%arg6 : memref<40x128xi32, #tpu.memory_space<vmem>>) target_semaphore(%run_scoped3A : memref<!tpu.dma_semaphore, #tpu.memory_space<semaphore_mem>>)
      %dma_wait3A = arith.constant 0 : i32
      %dma_wait3A_20 = tpu.memref_slice %arg3[%mul3A_4, %dma_wait3A] : memref<1280x128xi32, #tpu.memory_space<hbm>> -> memref<40x128xi32, #tpu.memory_space<hbm>>
      %dma_wait3A_21 = arith.constant 0 : i32
      %dma_wait3A_22 = tpu.memref_slice %arg3[%mul3A_4, %dma_wait3A_21] : memref<1280x128xi32, #tpu.memory_space<hbm>> -> memref<40x128xi32, #tpu.memory_space<hbm>>
      tpu.wait_dma2 semaphore(%run_scoped3A : memref<!tpu.dma_semaphore, #tpu.memory_space<semaphore_mem>>) src(%dma_wait3A_22 : memref<40x128xi32, #tpu.memory_space<hbm>>) dst(%arg6 : memref<40x128xi32, #tpu.memory_space<vmem>>)
      tpu.yield
    }) : () -> ()
    %mul3A_5 = arith.constant 5120 : i32
    %mul3A_6 = arith.muli %add3A, %mul3A_5 : i32
    "tpu.region"() ({
      %run_scoped3A = tpu.sem_alloc : memref<!tpu.dma_semaphore, #tpu.memory_space<semaphore_mem>>
      %dma_start3A = arith.constant 0 : i32
      %dma_start3A_17 = tpu.memref_slice %arg2[%mul3A_6, %dma_start3A] : memref<163840x16xf32, #tpu.memory_space<hbm>> -> memref<5120x16xf32, #tpu.memory_space<hbm>>
      %dma_start3A_18 = arith.constant 0 : i32
      %dma_start3A_19 = tpu.memref_slice %arg2[%mul3A_6, %dma_start3A_18] : memref<163840x16xf32, #tpu.memory_space<hbm>> -> memref<5120x16xf32, #tpu.memory_space<hbm>>
      tpu.enqueue_dma source(%dma_start3A_19 : memref<5120x16xf32, #tpu.memory_space<hbm>>) target(%arg7 : memref<5120x16xf32, #tpu.memory_space<vmem>>) target_semaphore(%run_scoped3A : memref<!tpu.dma_semaphore, #tpu.memory_space<semaphore_mem>>)
      %dma_wait3A = arith.constant 0 : i32
      %dma_wait3A_20 = tpu.memref_slice %arg2[%mul3A_6, %dma_wait3A] : memref<163840x16xf32, #tpu.memory_space<hbm>> -> memref<5120x16xf32, #tpu.memory_space<hbm>>
      %dma_wait3A_21 = arith.constant 0 : i32
      %dma_wait3A_22 = tpu.memref_slice %arg2[%mul3A_6, %dma_wait3A_21] : memref<163840x16xf32, #tpu.memory_space<hbm>> -> memref<5120x16xf32, #tpu.memory_space<hbm>>
      tpu.wait_dma2 semaphore(%run_scoped3A : memref<!tpu.dma_semaphore, #tpu.memory_space<semaphore_mem>>) src(%dma_wait3A_22 : memref<5120x16xf32, #tpu.memory_space<hbm>>) dst(%arg7 : memref<5120x16xf32, #tpu.memory_space<vmem>>)
      tpu.yield
    }) : () -> ()
    %barrier3A = arith.constant 0 : index
    tpu.barrier barrier_id(%barrier3A)
    %scan3A = arith.constant 0 : i32
    %scan3A_7 = arith.constant 0 : i32
    %scan3A_8 = arith.constant 40 : i32
    %scan3A_9 = arith.addi %scan3A_7, %scan3A_8 : i32
    %scan3A_10 = arith.constant 1 : i32
    scf.for %scan3A_17 = %scan3A_7 to %scan3A_9 step %scan3A_10  : i32 {
      %mul3A_18 = arith.constant 128 : i32
      %mul3A_19 = arith.muli %scan3A_17, %mul3A_18 : i32
      "tpu.region"() ({
        %run_scoped3A = tpu.sem_alloc : memref<!tpu.dma_semaphore, #tpu.memory_space<semaphore_mem>>
        %dma_start3A = arith.constant 0 : i32
        %dma_start3A_20 = tpu.memref_slice %arg7[%mul3A_19, %dma_start3A] : memref<5120x16xf32, #tpu.memory_space<vmem>> -> memref<128x16xf32, #tpu.memory_space<vmem>>
        %dma_start3A_21 = arith.constant 0 : i32
        %dma_start3A_22 = tpu.memref_slice %arg6[%scan3A_17, %dma_start3A_21] : memref<40x128xi32, #tpu.memory_space<vmem>> -> memref<1x128xi32, #tpu.memory_space<vmem>>
        %dma_start3A_23 = tpu.memref_squeeze %dma_start3A_22 : memref<1x128xi32, #tpu.memory_space<vmem>> -> memref<128xi32, #tpu.memory_space<vmem>>
        %dma_start3A_24 = arith.constant 0 : i32
        %dma_start3A_25 = arith.constant 0 : i32
        %dma_start3A_26 = tpu.memref_slice %arg8[%dma_start3A_24, %dma_start3A_25] : memref<10240x16xf32, #tpu.memory_space<vmem_shared>> -> memref<10240x16xf32, #tpu.memory_space<vmem_shared>>
        tpu.enqueue_indirect_dma source(%dma_start3A_20 : memref<128x16xf32, #tpu.memory_space<vmem>>) target(%dma_start3A_26 : memref<10240x16xf32, #tpu.memory_space<vmem_shared>>) offsets(%dma_start3A_23 : memref<128xi32, #tpu.memory_space<vmem>>) semaphore(%run_scoped3A : memref<!tpu.dma_semaphore, #tpu.memory_space<semaphore_mem>>) {add = true}
        %dma_wait3A = arith.constant 0 : i32
        %dma_wait3A_27 = tpu.memref_slice %arg7[%mul3A_19, %dma_wait3A] : memref<5120x16xf32, #tpu.memory_space<vmem>> -> memref<128x16xf32, #tpu.memory_space<vmem>>
        %dma_wait3A_28 = arith.constant 0 : i32
        %dma_wait3A_29 = tpu.memref_slice %arg6[%scan3A_17, %dma_wait3A_28] : memref<40x128xi32, #tpu.memory_space<vmem>> -> memref<1x128xi32, #tpu.memory_space<vmem>>
        %dma_wait3A_30 = tpu.memref_squeeze %dma_wait3A_29 : memref<1x128xi32, #tpu.memory_space<vmem>> -> memref<128xi32, #tpu.memory_space<vmem>>
        %dma_wait3A_31 = arith.constant 0 : i32
        %dma_wait3A_32 = arith.constant 0 : i32
        %dma_wait3A_33 = tpu.memref_slice %arg8[%dma_wait3A_31, %dma_wait3A_32] : memref<10240x16xf32, #tpu.memory_space<vmem_shared>> -> memref<10240x16xf32, #tpu.memory_space<vmem_shared>>
        tpu.wait_indirect_dma semaphore(%run_scoped3A : memref<!tpu.dma_semaphore, #tpu.memory_space<semaphore_mem>>) src(%dma_wait3A_27 : memref<128x16xf32, #tpu.memory_space<vmem>>) dst(%dma_wait3A_33 : memref<10240x16xf32, #tpu.memory_space<vmem_shared>>)
        tpu.yield
      }) : () -> ()
    }
    %scan3A_11 = arith.constant 40 : i32
    %barrier3A_12 = arith.constant 0 : index
    tpu.barrier barrier_id(%barrier3A_12)
    %mul3A_13 = arith.constant 640 : i32
    %mul3A_14 = arith.muli %arg1, %mul3A_13 : i32
    %mul3A_15 = arith.constant 640 : i32
    %mul3A_16 = arith.muli %arg1, %mul3A_15 : i32
    "tpu.region"() ({
      %run_scoped3A = tpu.sem_alloc : memref<!tpu.dma_semaphore, #tpu.memory_space<semaphore_mem>>
      %dma_start3A = arith.constant 0 : i32
      %dma_start3A_17 = tpu.memref_slice %arg5[%arg0, %mul3A_16, %dma_start3A] : memref<2x10240x16xf32, #tpu.memory_space<hbm>> -> memref<1x640x16xf32, #tpu.memory_space<hbm>>
      %dma_start3A_18 = tpu.memref_squeeze %dma_start3A_17 : memref<1x640x16xf32, #tpu.memory_space<hbm>> -> memref<640x16xf32, #tpu.memory_space<hbm>>
      %dma_start3A_19 = arith.constant 0 : i32
      %dma_start3A_20 = tpu.memref_slice %arg8[%mul3A_14, %dma_start3A_19] : memref<10240x16xf32, #tpu.memory_space<vmem_shared>> -> memref<640x16xf32, #tpu.memory_space<vmem_shared>>
      tpu.enqueue_dma source(%dma_start3A_20 : memref<640x16xf32, #tpu.memory_space<vmem_shared>>) target(%dma_start3A_18 : memref<640x16xf32, #tpu.memory_space<hbm>>) target_semaphore(%run_scoped3A : memref<!tpu.dma_semaphore, #tpu.memory_space<semaphore_mem>>)
      %dma_wait3A = arith.constant 0 : i32
      %dma_wait3A_21 = tpu.memref_slice %arg5[%arg0, %mul3A_16, %dma_wait3A] : memref<2x10240x16xf32, #tpu.memory_space<hbm>> -> memref<1x640x16xf32, #tpu.memory_space<hbm>>
      %dma_wait3A_22 = tpu.memref_squeeze %dma_wait3A_21 : memref<1x640x16xf32, #tpu.memory_space<hbm>> -> memref<640x16xf32, #tpu.memory_space<hbm>>
      %dma_wait3A_23 = arith.constant 0 : i32
      %dma_wait3A_24 = tpu.memref_slice %arg8[%mul3A_14, %dma_wait3A_23] : memref<10240x16xf32, #tpu.memory_space<vmem_shared>> -> memref<640x16xf32, #tpu.memory_space<vmem_shared>>
      tpu.wait_dma2 semaphore(%run_scoped3A : memref<!tpu.dma_semaphore, #tpu.memory_space<semaphore_mem>>) src(%dma_wait3A_24 : memref<640x16xf32, #tpu.memory_space<vmem_shared>>) dst(%dma_wait3A_22 : memref<640x16xf32, #tpu.memory_space<hbm>>)
      tpu.yield
    }) : () -> ()
    return
  }
}

#map = affine_map<(d0, d1) -> (0, 0)>
module attributes {stable_mosaic.version = 14 : i64} {
  func.func @body(%arg0: i32, %arg1: i32, %arg2: memref<10000x16xf32, #tpu.memory_space<hbm>>, %arg3: memref<1280x128xi32, #tpu.memory_space<hbm>>, %arg4: memref<163840x16xf32, #tpu.memory_space<hbm>>, %arg5: memref<40x128xi32, #tpu.memory_space<vmem>>, %arg6: memref<5120x16xf32, #tpu.memory_space<vmem>>, %arg7: memref<!tpu.dma_semaphore, #tpu.memory_space<semaphore_mem>>) attributes {dimension_semantics = [#tpu.dimension_semantics<core_parallel>, #tpu.dimension_semantics<subcore_parallel>], iteration_bounds = array<i64: 2, 16>, scalar_prefetch = 0 : i64, scratch_operands = 3 : i64, tpu.core_type = #tpu.core_type<sc_vector_subcore>, window_params = [{transform_indices = #map}, {transform_indices = #map}, {transform_indices = #map}]} {
    %mul3A = arith.constant 2 : i32
    %mul3A_0 = arith.muli %arg1, %mul3A : i32
    %add3A = arith.addi %mul3A_0, %arg0 : i32
    %mul3A_1 = arith.constant 40 : i32
    %mul3A_2 = arith.muli %add3A, %mul3A_1 : i32
    "tpu.region"() ({
      %run_scoped3A = tpu.sem_alloc : memref<!tpu.dma_semaphore, #tpu.memory_space<semaphore_mem>>
      %dma_start3A = arith.constant 0 : i32
      %dma_start3A_10 = tpu.memref_slice %arg3[%mul3A_2, %dma_start3A] : memref<1280x128xi32, #tpu.memory_space<hbm>> -> memref<40x128xi32, #tpu.memory_space<hbm>>
      %dma_start3A_11 = arith.constant 0 : i32
      %dma_start3A_12 = tpu.memref_slice %arg3[%mul3A_2, %dma_start3A_11] : memref<1280x128xi32, #tpu.memory_space<hbm>> -> memref<40x128xi32, #tpu.memory_space<hbm>>
      tpu.enqueue_dma source(%dma_start3A_12 : memref<40x128xi32, #tpu.memory_space<hbm>>) target(%arg5 : memref<40x128xi32, #tpu.memory_space<vmem>>) target_semaphore(%run_scoped3A : memref<!tpu.dma_semaphore, #tpu.memory_space<semaphore_mem>>)
      %dma_wait3A = arith.constant 0 : i32
      %dma_wait3A_13 = tpu.memref_slice %arg3[%mul3A_2, %dma_wait3A] : memref<1280x128xi32, #tpu.memory_space<hbm>> -> memref<40x128xi32, #tpu.memory_space<hbm>>
      %dma_wait3A_14 = arith.constant 0 : i32
      %dma_wait3A_15 = tpu.memref_slice %arg3[%mul3A_2, %dma_wait3A_14] : memref<1280x128xi32, #tpu.memory_space<hbm>> -> memref<40x128xi32, #tpu.memory_space<hbm>>
      tpu.wait_dma2 semaphore(%run_scoped3A : memref<!tpu.dma_semaphore, #tpu.memory_space<semaphore_mem>>) src(%dma_wait3A_15 : memref<40x128xi32, #tpu.memory_space<hbm>>) dst(%arg5 : memref<40x128xi32, #tpu.memory_space<vmem>>)
      tpu.yield
    }) : () -> ()
    %scan3A = arith.constant 0 : i32
    %scan3A_3 = arith.constant 0 : i32
    %scan3A_4 = arith.constant 40 : i32
    %scan3A_5 = arith.addi %scan3A_3, %scan3A_4 : i32
    %scan3A_6 = arith.constant 1 : i32
    scf.for %scan3A_10 = %scan3A_3 to %scan3A_5 step %scan3A_6  : i32 {
      %mul3A_11 = arith.constant 128 : i32
      %mul3A_12 = arith.muli %scan3A_10, %mul3A_11 : i32
      %dma_start3A = arith.constant 0 : i32
      %dma_start3A_13 = tpu.memref_slice %arg6[%mul3A_12, %dma_start3A] : memref<5120x16xf32, #tpu.memory_space<vmem>> -> memref<128x16xf32, #tpu.memory_space<vmem>>
      %dma_start3A_14 = arith.constant 0 : i32
      %dma_start3A_15 = tpu.memref_slice %arg5[%scan3A_10, %dma_start3A_14] : memref<40x128xi32, #tpu.memory_space<vmem>> -> memref<1x128xi32, #tpu.memory_space<vmem>>
      %dma_start3A_16 = tpu.memref_squeeze %dma_start3A_15 : memref<1x128xi32, #tpu.memory_space<vmem>> -> memref<128xi32, #tpu.memory_space<vmem>>
      %dma_start3A_17 = arith.constant 0 : i32
      %dma_start3A_18 = arith.constant 0 : i32
      %dma_start3A_19 = tpu.memref_slice %arg2[%dma_start3A_17, %dma_start3A_18] : memref<10000x16xf32, #tpu.memory_space<hbm>> -> memref<10000x16xf32, #tpu.memory_space<hbm>>
      tpu.enqueue_indirect_dma source(%dma_start3A_19 : memref<10000x16xf32, #tpu.memory_space<hbm>>) target(%dma_start3A_13 : memref<128x16xf32, #tpu.memory_space<vmem>>) offsets(%dma_start3A_16 : memref<128xi32, #tpu.memory_space<vmem>>) semaphore(%arg7 : memref<!tpu.dma_semaphore, #tpu.memory_space<semaphore_mem>>)
      %dma_wait3A = arith.constant 0 : i32
      %dma_wait3A_20 = tpu.memref_slice %arg6[%mul3A_12, %dma_wait3A] : memref<5120x16xf32, #tpu.memory_space<vmem>> -> memref<128x16xf32, #tpu.memory_space<vmem>>
      %dma_wait3A_21 = arith.constant 0 : i32
      %dma_wait3A_22 = tpu.memref_slice %arg5[%scan3A_10, %dma_wait3A_21] : memref<40x128xi32, #tpu.memory_space<vmem>> -> memref<1x128xi32, #tpu.memory_space<vmem>>
      %dma_wait3A_23 = tpu.memref_squeeze %dma_wait3A_22 : memref<1x128xi32, #tpu.memory_space<vmem>> -> memref<128xi32, #tpu.memory_space<vmem>>
      %dma_wait3A_24 = arith.constant 0 : i32
      %dma_wait3A_25 = arith.constant 0 : i32
      %dma_wait3A_26 = tpu.memref_slice %arg2[%dma_wait3A_24, %dma_wait3A_25] : memref<10000x16xf32, #tpu.memory_space<hbm>> -> memref<10000x16xf32, #tpu.memory_space<hbm>>
      tpu.wait_indirect_dma semaphore(%arg7 : memref<!tpu.dma_semaphore, #tpu.memory_space<semaphore_mem>>) src(%dma_wait3A_26 : memref<10000x16xf32, #tpu.memory_space<hbm>>) dst(%dma_wait3A_20 : memref<128x16xf32, #tpu.memory_space<vmem>>)
    }
    %scan3A_7 = arith.constant 40 : i32
    %mul3A_8 = arith.constant 5120 : i32
    %mul3A_9 = arith.muli %add3A, %mul3A_8 : i32
    "tpu.region"() ({
      %run_scoped3A = tpu.sem_alloc : memref<!tpu.dma_semaphore, #tpu.memory_space<semaphore_mem>>
      %dma_start3A = arith.constant 0 : i32
      %dma_start3A_10 = tpu.memref_slice %arg4[%mul3A_9, %dma_start3A] : memref<163840x16xf32, #tpu.memory_space<hbm>> -> memref<5120x16xf32, #tpu.memory_space<hbm>>
      %dma_start3A_11 = arith.constant 0 : i32
      %dma_start3A_12 = tpu.memref_slice %arg4[%mul3A_9, %dma_start3A_11] : memref<163840x16xf32, #tpu.memory_space<hbm>> -> memref<5120x16xf32, #tpu.memory_space<hbm>>
      tpu.enqueue_dma source(%arg6 : memref<5120x16xf32, #tpu.memory_space<vmem>>) target(%dma_start3A_12 : memref<5120x16xf32, #tpu.memory_space<hbm>>) target_semaphore(%run_scoped3A : memref<!tpu.dma_semaphore, #tpu.memory_space<semaphore_mem>>)
      %dma_wait3A = arith.constant 0 : i32
      %dma_wait3A_13 = tpu.memref_slice %arg4[%mul3A_9, %dma_wait3A] : memref<163840x16xf32, #tpu.memory_space<hbm>> -> memref<5120x16xf32, #tpu.memory_space<hbm>>
      %dma_wait3A_14 = arith.constant 0 : i32
      %dma_wait3A_15 = tpu.memref_slice %arg4[%mul3A_9, %dma_wait3A_14] : memref<163840x16xf32, #tpu.memory_space<hbm>> -> memref<5120x16xf32, #tpu.memory_space<hbm>>
      tpu.wait_dma2 semaphore(%run_scoped3A : memref<!tpu.dma_semaphore, #tpu.memory_space<semaphore_mem>>) src(%arg6 : memref<5120x16xf32, #tpu.memory_space<vmem>>) dst(%dma_wait3A_15 : memref<5120x16xf32, #tpu.memory_space<hbm>>)
      tpu.yield
    }) : () -> ()
    return
  }
}

#map = affine_map<(d0, d1) -> (0, 0)>
#map1 = affine_map<(d0, d1) -> (0, 0, 0)>
module attributes {stable_mosaic.version = 14 : i64} {
  func.func @body(%arg0: i32, %arg1: i32, %arg2: memref<163840x16xf32, #tpu.memory_space<hbm>>, %arg3: memref<1280x128xi32, #tpu.memory_space<hbm>>, %arg4: memref<640x16xf32, #tpu.memory_space<hbm>>, %arg5: memref<2x10240x16xf32, #tpu.memory_space<hbm>>, %arg6: memref<40x128xi32, #tpu.memory_space<vmem>>, %arg7: memref<5120x16xf32, #tpu.memory_space<vmem>>, %arg8: memref<10240x16xf32, #tpu.memory_space<vmem_shared>>) attributes {dimension_semantics = [#tpu.dimension_semantics<core_parallel>, #tpu.dimension_semantics<subcore_parallel>], iteration_bounds = array<i64: 2, 16>, scalar_prefetch = 0 : i64, scratch_operands = 3 : i64, tpu.core_type = #tpu.core_type<sc_vector_subcore>, window_params = [{transform_indices = #map}, {transform_indices = #map}, {transform_indices = #map}, {transform_indices = #map1}]} {
    %mul3A = arith.constant 2 : i32
    %mul3A_0 = arith.muli %arg1, %mul3A : i32
    %add3A = arith.addi %mul3A_0, %arg0 : i32
    %mul3A_1 = arith.constant 640 : i32
    %mul3A_2 = arith.muli %arg1, %mul3A_1 : i32
    "tpu.region"() ({
      %run_scoped3A = tpu.sem_alloc : memref<!tpu.dma_semaphore, #tpu.memory_space<semaphore_mem>>
      %dma_start3A = arith.constant 0 : i32
      %dma_start3A_17 = tpu.memref_slice %arg8[%mul3A_2, %dma_start3A] : memref<10240x16xf32, #tpu.memory_space<vmem_shared>> -> memref<640x16xf32, #tpu.memory_space<vmem_shared>>
      tpu.enqueue_dma source(%arg4 : memref<640x16xf32, #tpu.memory_space<hbm>>) target(%dma_start3A_17 : memref<640x16xf32, #tpu.memory_space<vmem_shared>>) target_semaphore(%run_scoped3A : memref<!tpu.dma_semaphore, #tpu.memory_space<semaphore_mem>>)
      %dma_wait3A = arith.constant 0 : i32
      %dma_wait3A_18 = tpu.memref_slice %arg8[%mul3A_2, %dma_wait3A] : memref<10240x16xf32, #tpu.memory_space<vmem_shared>> -> memref<640x16xf32, #tpu.memory_space<vmem_shared>>
      tpu.wait_dma2 semaphore(%run_scoped3A : memref<!tpu.dma_semaphore, #tpu.memory_space<semaphore_mem>>) src(%arg4 : memref<640x16xf32, #tpu.memory_space<hbm>>) dst(%dma_wait3A_18 : memref<640x16xf32, #tpu.memory_space<vmem_shared>>)
      tpu.yield
    }) : () -> ()
    %mul3A_3 = arith.constant 40 : i32
    %mul3A_4 = arith.muli %add3A, %mul3A_3 : i32
    "tpu.region"() ({
      %run_scoped3A = tpu.sem_alloc : memref<!tpu.dma_semaphore, #tpu.memory_space<semaphore_mem>>
      %dma_start3A = arith.constant 0 : i32
      %dma_start3A_17 = tpu.memref_slice %arg3[%mul3A_4, %dma_start3A] : memref<1280x128xi32, #tpu.memory_space<hbm>> -> memref<40x128xi32, #tpu.memory_space<hbm>>
      %dma_start3A_18 = arith.constant 0 : i32
      %dma_start3A_19 = tpu.memref_slice %arg3[%mul3A_4, %dma_start3A_18] : memref<1280x128xi32, #tpu.memory_space<hbm>> -> memref<40x128xi32, #tpu.memory_space<hbm>>
      tpu.enqueue_dma source(%dma_start3A_19 : memref<40x128xi32, #tpu.memory_space<hbm>>) target(%arg6 : memref<40x128xi32, #tpu.memory_space<vmem>>) target_semaphore(%run_scoped3A : memref<!tpu.dma_semaphore, #tpu.memory_space<semaphore_mem>>)
      %dma_wait3A = arith.constant 0 : i32
      %dma_wait3A_20 = tpu.memref_slice %arg3[%mul3A_4, %dma_wait3A] : memref<1280x128xi32, #tpu.memory_space<hbm>> -> memref<40x128xi32, #tpu.memory_space<hbm>>
      %dma_wait3A_21 = arith.constant 0 : i32
      %dma_wait3A_22 = tpu.memref_slice %arg3[%mul3A_4, %dma_wait3A_21] : memref<1280x128xi32, #tpu.memory_space<hbm>> -> memref<40x128xi32, #tpu.memory_space<hbm>>
      tpu.wait_dma2 semaphore(%run_scoped3A : memref<!tpu.dma_semaphore, #tpu.memory_space<semaphore_mem>>) src(%dma_wait3A_22 : memref<40x128xi32, #tpu.memory_space<hbm>>) dst(%arg6 : memref<40x128xi32, #tpu.memory_space<vmem>>)
      tpu.yield
    }) : () -> ()
    %mul3A_5 = arith.constant 5120 : i32
    %mul3A_6 = arith.muli %add3A, %mul3A_5 : i32
    "tpu.region"() ({
      %run_scoped3A = tpu.sem_alloc : memref<!tpu.dma_semaphore, #tpu.memory_space<semaphore_mem>>
      %dma_start3A = arith.constant 0 : i32
      %dma_start3A_17 = tpu.memref_slice %arg2[%mul3A_6, %dma_start3A] : memref<163840x16xf32, #tpu.memory_space<hbm>> -> memref<5120x16xf32, #tpu.memory_space<hbm>>
      %dma_start3A_18 = arith.constant 0 : i32
      %dma_start3A_19 = tpu.memref_slice %arg2[%mul3A_6, %dma_start3A_18] : memref<163840x16xf32, #tpu.memory_space<hbm>> -> memref<5120x16xf32, #tpu.memory_space<hbm>>
      tpu.enqueue_dma source(%dma_start3A_19 : memref<5120x16xf32, #tpu.memory_space<hbm>>) target(%arg7 : memref<5120x16xf32, #tpu.memory_space<vmem>>) target_semaphore(%run_scoped3A : memref<!tpu.dma_semaphore, #tpu.memory_space<semaphore_mem>>)
      %dma_wait3A = arith.constant 0 : i32
      %dma_wait3A_20 = tpu.memref_slice %arg2[%mul3A_6, %dma_wait3A] : memref<163840x16xf32, #tpu.memory_space<hbm>> -> memref<5120x16xf32, #tpu.memory_space<hbm>>
      %dma_wait3A_21 = arith.constant 0 : i32
      %dma_wait3A_22 = tpu.memref_slice %arg2[%mul3A_6, %dma_wait3A_21] : memref<163840x16xf32, #tpu.memory_space<hbm>> -> memref<5120x16xf32, #tpu.memory_space<hbm>>
      tpu.wait_dma2 semaphore(%run_scoped3A : memref<!tpu.dma_semaphore, #tpu.memory_space<semaphore_mem>>) src(%dma_wait3A_22 : memref<5120x16xf32, #tpu.memory_space<hbm>>) dst(%arg7 : memref<5120x16xf32, #tpu.memory_space<vmem>>)
      tpu.yield
    }) : () -> ()
    %barrier3A = arith.constant 0 : index
    tpu.barrier barrier_id(%barrier3A)
    %scan3A = arith.constant 0 : i32
    %scan3A_7 = arith.constant 0 : i32
    %scan3A_8 = arith.constant 40 : i32
    %scan3A_9 = arith.addi %scan3A_7, %scan3A_8 : i32
    %scan3A_10 = arith.constant 1 : i32
    scf.for %scan3A_17 = %scan3A_7 to %scan3A_9 step %scan3A_10  : i32 {
      %mul3A_18 = arith.constant 128 : i32
      %mul3A_19 = arith.muli %scan3A_17, %mul3A_18 : i32
      "tpu.region"() ({
        %run_scoped3A = tpu.sem_alloc : memref<!tpu.dma_semaphore, #tpu.memory_space<semaphore_mem>>
        %dma_start3A = arith.constant 0 : i32
        %dma_start3A_20 = tpu.memref_slice %arg7[%mul3A_19, %dma_start3A] : memref<5120x16xf32, #tpu.memory_space<vmem>> -> memref<128x16xf32, #tpu.memory_space<vmem>>
        %dma_start3A_21 = arith.constant 0 : i32
        %dma_start3A_22 = tpu.memref_slice %arg6[%scan3A_17, %dma_start3A_21] : memref<40x128xi32, #tpu.memory_space<vmem>> -> memref<1x128xi32, #tpu.memory_space<vmem>>
        %dma_start3A_23 = tpu.memref_squeeze %dma_start3A_22 : memref<1x128xi32, #tpu.memory_space<vmem>> -> memref<128xi32, #tpu.memory_space<vmem>>
        %dma_start3A_24 = arith.constant 0 : i32
        %dma_start3A_25 = arith.constant 0 : i32
        %dma_start3A_26 = tpu.memref_slice %arg8[%dma_start3A_24, %dma_start3A_25] : memref<10240x16xf32, #tpu.memory_space<vmem_shared>> -> memref<10240x16xf32, #tpu.memory_space<vmem_shared>>
        tpu.enqueue_indirect_dma source(%dma_start3A_20 : memref<128x16xf32, #tpu.memory_space<vmem>>) target(%dma_start3A_26 : memref<10240x16xf32, #tpu.memory_space<vmem_shared>>) offsets(%dma_start3A_23 : memref<128xi32, #tpu.memory_space<vmem>>) semaphore(%run_scoped3A : memref<!tpu.dma_semaphore, #tpu.memory_space<semaphore_mem>>) {add = true}
        %dma_wait3A = arith.constant 0 : i32
        %dma_wait3A_27 = tpu.memref_slice %arg7[%mul3A_19, %dma_wait3A] : memref<5120x16xf32, #tpu.memory_space<vmem>> -> memref<128x16xf32, #tpu.memory_space<vmem>>
        %dma_wait3A_28 = arith.constant 0 : i32
        %dma_wait3A_29 = tpu.memref_slice %arg6[%scan3A_17, %dma_wait3A_28] : memref<40x128xi32, #tpu.memory_space<vmem>> -> memref<1x128xi32, #tpu.memory_space<vmem>>
        %dma_wait3A_30 = tpu.memref_squeeze %dma_wait3A_29 : memref<1x128xi32, #tpu.memory_space<vmem>> -> memref<128xi32, #tpu.memory_space<vmem>>
        %dma_wait3A_31 = arith.constant 0 : i32
        %dma_wait3A_32 = arith.constant 0 : i32
        %dma_wait3A_33 = tpu.memref_slice %arg8[%dma_wait3A_31, %dma_wait3A_32] : memref<10240x16xf32, #tpu.memory_space<vmem_shared>> -> memref<10240x16xf32, #tpu.memory_space<vmem_shared>>
        tpu.wait_indirect_dma semaphore(%run_scoped3A : memref<!tpu.dma_semaphore, #tpu.memory_space<semaphore_mem>>) src(%dma_wait3A_27 : memref<128x16xf32, #tpu.memory_space<vmem>>) dst(%dma_wait3A_33 : memref<10240x16xf32, #tpu.memory_space<vmem_shared>>)
        tpu.yield
      }) : () -> ()
    }
    %scan3A_11 = arith.constant 40 : i32
    %barrier3A_12 = arith.constant 0 : index
    tpu.barrier barrier_id(%barrier3A_12)
    %mul3A_13 = arith.constant 640 : i32
    %mul3A_14 = arith.muli %arg1, %mul3A_13 : i32
    %mul3A_15 = arith.constant 640 : i32
    %mul3A_16 = arith.muli %arg1, %mul3A_15 : i32
    "tpu.region"() ({
      %run_scoped3A = tpu.sem_alloc : memref<!tpu.dma_semaphore, #tpu.memory_space<semaphore_mem>>
      %dma_start3A = arith.constant 0 : i32
      %dma_start3A_17 = tpu.memref_slice %arg5[%arg0, %mul3A_16, %dma_start3A] : memref<2x10240x16xf32, #tpu.memory_space<hbm>> -> memref<1x640x16xf32, #tpu.memory_space<hbm>>
      %dma_start3A_18 = tpu.memref_squeeze %dma_start3A_17 : memref<1x640x16xf32, #tpu.memory_space<hbm>> -> memref<640x16xf32, #tpu.memory_space<hbm>>
      %dma_start3A_19 = arith.constant 0 : i32
      %dma_start3A_20 = tpu.memref_slice %arg8[%mul3A_14, %dma_start3A_19] : memref<10240x16xf32, #tpu.memory_space<vmem_shared>> -> memref<640x16xf32, #tpu.memory_space<vmem_shared>>
      tpu.enqueue_dma source(%dma_start3A_20 : memref<640x16xf32, #tpu.memory_space<vmem_shared>>) target(%dma_start3A_18 : memref<640x16xf32, #tpu.memory_space<hbm>>) target_semaphore(%run_scoped3A : memref<!tpu.dma_semaphore, #tpu.memory_space<semaphore_mem>>)
      %dma_wait3A = arith.constant 0 : i32
      %dma_wait3A_21 = tpu.memref_slice %arg5[%arg0, %mul3A_16, %dma_wait3A] : memref<2x10240x16xf32, #tpu.memory_space<hbm>> -> memref<1x640x16xf32, #tpu.memory_space<hbm>>
      %dma_wait3A_22 = tpu.memref_squeeze %dma_wait3A_21 : memref<1x640x16xf32, #tpu.memory_space<hbm>> -> memref<640x16xf32, #tpu.memory_space<hbm>>
      %dma_wait3A_23 = arith.constant 0 : i32
      %dma_wait3A_24 = tpu.memref_slice %arg8[%mul3A_14, %dma_wait3A_23] : memref<10240x16xf32, #tpu.memory_space<vmem_shared>> -> memref<640x16xf32, #tpu.memory_space<vmem_shared>>
      tpu.wait_dma2 semaphore(%run_scoped3A : memref<!tpu.dma_semaphore, #tpu.memory_space<semaphore_mem>>) src(%dma_wait3A_24 : memref<640x16xf32, #tpu.memory_space<vmem_shared>>) dst(%dma_wait3A_22 : memref<640x16xf32, #tpu.memory_space<hbm>>)
      tpu.yield
    }) : () -> ()
    return
  }
}

#map = affine_map<(d0, d1) -> (0, 0)>
#map1 = affine_map<(d0, d1) -> (0, 0, 0)>
module attributes {stable_mosaic.version = 14 : i64} {
  func.func @body(%arg0: i32, %arg1: i32, %arg2: memref<163840x16xf32, #tpu.memory_space<hbm>>, %arg3: memref<1280x128xi32, #tpu.memory_space<hbm>>, %arg4: memref<640x16xf32, #tpu.memory_space<hbm>>, %arg5: memref<2x10240x16xf32, #tpu.memory_space<hbm>>, %arg6: memref<40x128xi32, #tpu.memory_space<vmem>>, %arg7: memref<5120x16xf32, #tpu.memory_space<vmem>>, %arg8: memref<10240x16xf32, #tpu.memory_space<vmem_shared>>) attributes {dimension_semantics = [#tpu.dimension_semantics<core_parallel>, #tpu.dimension_semantics<subcore_parallel>], iteration_bounds = array<i64: 2, 16>, scalar_prefetch = 0 : i64, scratch_operands = 3 : i64, tpu.core_type = #tpu.core_type<sc_vector_subcore>, window_params = [{transform_indices = #map}, {transform_indices = #map}, {transform_indices = #map}, {transform_indices = #map1}]} {
    %mul3A = arith.constant 2 : i32
    %mul3A_0 = arith.muli %arg1, %mul3A : i32
    %add3A = arith.addi %mul3A_0, %arg0 : i32
    %mul3A_1 = arith.constant 640 : i32
    %mul3A_2 = arith.muli %arg1, %mul3A_1 : i32
    "tpu.region"() ({
      %run_scoped3A = tpu.sem_alloc : memref<!tpu.dma_semaphore, #tpu.memory_space<semaphore_mem>>
      %dma_start3A = arith.constant 0 : i32
      %dma_start3A_17 = tpu.memref_slice %arg8[%mul3A_2, %dma_start3A] : memref<10240x16xf32, #tpu.memory_space<vmem_shared>> -> memref<640x16xf32, #tpu.memory_space<vmem_shared>>
      tpu.enqueue_dma source(%arg4 : memref<640x16xf32, #tpu.memory_space<hbm>>) target(%dma_start3A_17 : memref<640x16xf32, #tpu.memory_space<vmem_shared>>) target_semaphore(%run_scoped3A : memref<!tpu.dma_semaphore, #tpu.memory_space<semaphore_mem>>)
      %dma_wait3A = arith.constant 0 : i32
      %dma_wait3A_18 = tpu.memref_slice %arg8[%mul3A_2, %dma_wait3A] : memref<10240x16xf32, #tpu.memory_space<vmem_shared>> -> memref<640x16xf32, #tpu.memory_space<vmem_shared>>
      tpu.wait_dma2 semaphore(%run_scoped3A : memref<!tpu.dma_semaphore, #tpu.memory_space<semaphore_mem>>) src(%arg4 : memref<640x16xf32, #tpu.memory_space<hbm>>) dst(%dma_wait3A_18 : memref<640x16xf32, #tpu.memory_space<vmem_shared>>)
      tpu.yield
    }) : () -> ()
    %mul3A_3 = arith.constant 40 : i32
    %mul3A_4 = arith.muli %add3A, %mul3A_3 : i32
    "tpu.region"() ({
      %run_scoped3A = tpu.sem_alloc : memref<!tpu.dma_semaphore, #tpu.memory_space<semaphore_mem>>
      %dma_start3A = arith.constant 0 : i32
      %dma_start3A_17 = tpu.memref_slice %arg3[%mul3A_4, %dma_start3A] : memref<1280x128xi32, #tpu.memory_space<hbm>> -> memref<40x128xi32, #tpu.memory_space<hbm>>
      %dma_start3A_18 = arith.constant 0 : i32
      %dma_start3A_19 = tpu.memref_slice %arg3[%mul3A_4, %dma_start3A_18] : memref<1280x128xi32, #tpu.memory_space<hbm>> -> memref<40x128xi32, #tpu.memory_space<hbm>>
      tpu.enqueue_dma source(%dma_start3A_19 : memref<40x128xi32, #tpu.memory_space<hbm>>) target(%arg6 : memref<40x128xi32, #tpu.memory_space<vmem>>) target_semaphore(%run_scoped3A : memref<!tpu.dma_semaphore, #tpu.memory_space<semaphore_mem>>)
      %dma_wait3A = arith.constant 0 : i32
      %dma_wait3A_20 = tpu.memref_slice %arg3[%mul3A_4, %dma_wait3A] : memref<1280x128xi32, #tpu.memory_space<hbm>> -> memref<40x128xi32, #tpu.memory_space<hbm>>
      %dma_wait3A_21 = arith.constant 0 : i32
      %dma_wait3A_22 = tpu.memref_slice %arg3[%mul3A_4, %dma_wait3A_21] : memref<1280x128xi32, #tpu.memory_space<hbm>> -> memref<40x128xi32, #tpu.memory_space<hbm>>
      tpu.wait_dma2 semaphore(%run_scoped3A : memref<!tpu.dma_semaphore, #tpu.memory_space<semaphore_mem>>) src(%dma_wait3A_22 : memref<40x128xi32, #tpu.memory_space<hbm>>) dst(%arg6 : memref<40x128xi32, #tpu.memory_space<vmem>>)
      tpu.yield
    }) : () -> ()
    %mul3A_5 = arith.constant 5120 : i32
    %mul3A_6 = arith.muli %add3A, %mul3A_5 : i32
    "tpu.region"() ({
      %run_scoped3A = tpu.sem_alloc : memref<!tpu.dma_semaphore, #tpu.memory_space<semaphore_mem>>
      %dma_start3A = arith.constant 0 : i32
      %dma_start3A_17 = tpu.memref_slice %arg2[%mul3A_6, %dma_start3A] : memref<163840x16xf32, #tpu.memory_space<hbm>> -> memref<5120x16xf32, #tpu.memory_space<hbm>>
      %dma_start3A_18 = arith.constant 0 : i32
      %dma_start3A_19 = tpu.memref_slice %arg2[%mul3A_6, %dma_start3A_18] : memref<163840x16xf32, #tpu.memory_space<hbm>> -> memref<5120x16xf32, #tpu.memory_space<hbm>>
      tpu.enqueue_dma source(%dma_start3A_19 : memref<5120x16xf32, #tpu.memory_space<hbm>>) target(%arg7 : memref<5120x16xf32, #tpu.memory_space<vmem>>) target_semaphore(%run_scoped3A : memref<!tpu.dma_semaphore, #tpu.memory_space<semaphore_mem>>)
      %dma_wait3A = arith.constant 0 : i32
      %dma_wait3A_20 = tpu.memref_slice %arg2[%mul3A_6, %dma_wait3A] : memref<163840x16xf32, #tpu.memory_space<hbm>> -> memref<5120x16xf32, #tpu.memory_space<hbm>>
      %dma_wait3A_21 = arith.constant 0 : i32
      %dma_wait3A_22 = tpu.memref_slice %arg2[%mul3A_6, %dma_wait3A_21] : memref<163840x16xf32, #tpu.memory_space<hbm>> -> memref<5120x16xf32, #tpu.memory_space<hbm>>
      tpu.wait_dma2 semaphore(%run_scoped3A : memref<!tpu.dma_semaphore, #tpu.memory_space<semaphore_mem>>) src(%dma_wait3A_22 : memref<5120x16xf32, #tpu.memory_space<hbm>>) dst(%arg7 : memref<5120x16xf32, #tpu.memory_space<vmem>>)
      tpu.yield
    }) : () -> ()
    %barrier3A = arith.constant 0 : index
    tpu.barrier barrier_id(%barrier3A)
    %scan3A = arith.constant 0 : i32
    %scan3A_7 = arith.constant 0 : i32
    %scan3A_8 = arith.constant 40 : i32
    %scan3A_9 = arith.addi %scan3A_7, %scan3A_8 : i32
    %scan3A_10 = arith.constant 1 : i32
    scf.for %scan3A_17 = %scan3A_7 to %scan3A_9 step %scan3A_10  : i32 {
      %mul3A_18 = arith.constant 128 : i32
      %mul3A_19 = arith.muli %scan3A_17, %mul3A_18 : i32
      "tpu.region"() ({
        %run_scoped3A = tpu.sem_alloc : memref<!tpu.dma_semaphore, #tpu.memory_space<semaphore_mem>>
        %dma_start3A = arith.constant 0 : i32
        %dma_start3A_20 = tpu.memref_slice %arg7[%mul3A_19, %dma_start3A] : memref<5120x16xf32, #tpu.memory_space<vmem>> -> memref<128x16xf32, #tpu.memory_space<vmem>>
        %dma_start3A_21 = arith.constant 0 : i32
        %dma_start3A_22 = tpu.memref_slice %arg6[%scan3A_17, %dma_start3A_21] : memref<40x128xi32, #tpu.memory_space<vmem>> -> memref<1x128xi32, #tpu.memory_space<vmem>>
        %dma_start3A_23 = tpu.memref_squeeze %dma_start3A_22 : memref<1x128xi32, #tpu.memory_space<vmem>> -> memref<128xi32, #tpu.memory_space<vmem>>
        %dma_start3A_24 = arith.constant 0 : i32
        %dma_start3A_25 = arith.constant 0 : i32
        %dma_start3A_26 = tpu.memref_slice %arg8[%dma_start3A_24, %dma_start3A_25] : memref<10240x16xf32, #tpu.memory_space<vmem_shared>> -> memref<10240x16xf32, #tpu.memory_space<vmem_shared>>
        tpu.enqueue_indirect_dma source(%dma_start3A_20 : memref<128x16xf32, #tpu.memory_space<vmem>>) target(%dma_start3A_26 : memref<10240x16xf32, #tpu.memory_space<vmem_shared>>) offsets(%dma_start3A_23 : memref<128xi32, #tpu.memory_space<vmem>>) semaphore(%run_scoped3A : memref<!tpu.dma_semaphore, #tpu.memory_space<semaphore_mem>>) {add = true}
        %dma_wait3A = arith.constant 0 : i32
        %dma_wait3A_27 = tpu.memref_slice %arg7[%mul3A_19, %dma_wait3A] : memref<5120x16xf32, #tpu.memory_space<vmem>> -> memref<128x16xf32, #tpu.memory_space<vmem>>
        %dma_wait3A_28 = arith.constant 0 : i32
        %dma_wait3A_29 = tpu.memref_slice %arg6[%scan3A_17, %dma_wait3A_28] : memref<40x128xi32, #tpu.memory_space<vmem>> -> memref<1x128xi32, #tpu.memory_space<vmem>>
        %dma_wait3A_30 = tpu.memref_squeeze %dma_wait3A_29 : memref<1x128xi32, #tpu.memory_space<vmem>> -> memref<128xi32, #tpu.memory_space<vmem>>
        %dma_wait3A_31 = arith.constant 0 : i32
        %dma_wait3A_32 = arith.constant 0 : i32
        %dma_wait3A_33 = tpu.memref_slice %arg8[%dma_wait3A_31, %dma_wait3A_32] : memref<10240x16xf32, #tpu.memory_space<vmem_shared>> -> memref<10240x16xf32, #tpu.memory_space<vmem_shared>>
        tpu.wait_indirect_dma semaphore(%run_scoped3A : memref<!tpu.dma_semaphore, #tpu.memory_space<semaphore_mem>>) src(%dma_wait3A_27 : memref<128x16xf32, #tpu.memory_space<vmem>>) dst(%dma_wait3A_33 : memref<10240x16xf32, #tpu.memory_space<vmem_shared>>)
        tpu.yield
      }) : () -> ()
    }
    %scan3A_11 = arith.constant 40 : i32
    %barrier3A_12 = arith.constant 0 : index
    tpu.barrier barrier_id(%barrier3A_12)
    %mul3A_13 = arith.constant 640 : i32
    %mul3A_14 = arith.muli %arg1, %mul3A_13 : i32
    %mul3A_15 = arith.constant 640 : i32
    %mul3A_16 = arith.muli %arg1, %mul3A_15 : i32
    "tpu.region"() ({
      %run_scoped3A = tpu.sem_alloc : memref<!tpu.dma_semaphore, #tpu.memory_space<semaphore_mem>>
      %dma_start3A = arith.constant 0 : i32
      %dma_start3A_17 = tpu.memref_slice %arg5[%arg0, %mul3A_16, %dma_start3A] : memref<2x10240x16xf32, #tpu.memory_space<hbm>> -> memref<1x640x16xf32, #tpu.memory_space<hbm>>
      %dma_start3A_18 = tpu.memref_squeeze %dma_start3A_17 : memref<1x640x16xf32, #tpu.memory_space<hbm>> -> memref<640x16xf32, #tpu.memory_space<hbm>>
      %dma_start3A_19 = arith.constant 0 : i32
      %dma_start3A_20 = tpu.memref_slice %arg8[%mul3A_14, %dma_start3A_19] : memref<10240x16xf32, #tpu.memory_space<vmem_shared>> -> memref<640x16xf32, #tpu.memory_space<vmem_shared>>
      tpu.enqueue_dma source(%dma_start3A_20 : memref<640x16xf32, #tpu.memory_space<vmem_shared>>) target(%dma_start3A_18 : memref<640x16xf32, #tpu.memory_space<hbm>>) target_semaphore(%run_scoped3A : memref<!tpu.dma_semaphore, #tpu.memory_space<semaphore_mem>>)
      %dma_wait3A = arith.constant 0 : i32
      %dma_wait3A_21 = tpu.memref_slice %arg5[%arg0, %mul3A_16, %dma_wait3A] : memref<2x10240x16xf32, #tpu.memory_space<hbm>> -> memref<1x640x16xf32, #tpu.memory_space<hbm>>
      %dma_wait3A_22 = tpu.memref_squeeze %dma_wait3A_21 : memref<1x640x16xf32, #tpu.memory_space<hbm>> -> memref<640x16xf32, #tpu.memory_space<hbm>>
      %dma_wait3A_23 = arith.constant 0 : i32
      %dma_wait3A_24 = tpu.memref_slice %arg8[%mul3A_14, %dma_wait3A_23] : memref<10240x16xf32, #tpu.memory_space<vmem_shared>> -> memref<640x16xf32, #tpu.memory_space<vmem_shared>>
      tpu.wait_dma2 semaphore(%run_scoped3A : memref<!tpu.dma_semaphore, #tpu.memory_space<semaphore_mem>>) src(%dma_wait3A_24 : memref<640x16xf32, #tpu.memory_space<vmem_shared>>) dst(%dma_wait3A_22 : memref<640x16xf32, #tpu.memory_space<hbm>>)
      tpu.yield
    }) : () -> ()
    return
  }
}

#map = affine_map<(d0, d1) -> (0, 0)>
module attributes {stable_mosaic.version = 14 : i64} {
  func.func @body(%arg0: i32, %arg1: i32, %arg2: memref<10000x16xf32, #tpu.memory_space<hbm>>, %arg3: memref<1280x128xi32, #tpu.memory_space<hbm>>, %arg4: memref<163840x16xf32, #tpu.memory_space<hbm>>, %arg5: memref<40x128xi32, #tpu.memory_space<vmem>>, %arg6: memref<5120x16xf32, #tpu.memory_space<vmem>>, %arg7: memref<!tpu.dma_semaphore, #tpu.memory_space<semaphore_mem>>) attributes {dimension_semantics = [#tpu.dimension_semantics<core_parallel>, #tpu.dimension_semantics<subcore_parallel>], iteration_bounds = array<i64: 2, 16>, scalar_prefetch = 0 : i64, scratch_operands = 3 : i64, tpu.core_type = #tpu.core_type<sc_vector_subcore>, window_params = [{transform_indices = #map}, {transform_indices = #map}, {transform_indices = #map}]} {
    %mul3A = arith.constant 2 : i32
    %mul3A_0 = arith.muli %arg1, %mul3A : i32
    %add3A = arith.addi %mul3A_0, %arg0 : i32
    %mul3A_1 = arith.constant 40 : i32
    %mul3A_2 = arith.muli %add3A, %mul3A_1 : i32
    "tpu.region"() ({
      %run_scoped3A = tpu.sem_alloc : memref<!tpu.dma_semaphore, #tpu.memory_space<semaphore_mem>>
      %dma_start3A = arith.constant 0 : i32
      %dma_start3A_10 = tpu.memref_slice %arg3[%mul3A_2, %dma_start3A] : memref<1280x128xi32, #tpu.memory_space<hbm>> -> memref<40x128xi32, #tpu.memory_space<hbm>>
      %dma_start3A_11 = arith.constant 0 : i32
      %dma_start3A_12 = tpu.memref_slice %arg3[%mul3A_2, %dma_start3A_11] : memref<1280x128xi32, #tpu.memory_space<hbm>> -> memref<40x128xi32, #tpu.memory_space<hbm>>
      tpu.enqueue_dma source(%dma_start3A_12 : memref<40x128xi32, #tpu.memory_space<hbm>>) target(%arg5 : memref<40x128xi32, #tpu.memory_space<vmem>>) target_semaphore(%run_scoped3A : memref<!tpu.dma_semaphore, #tpu.memory_space<semaphore_mem>>)
      %dma_wait3A = arith.constant 0 : i32
      %dma_wait3A_13 = tpu.memref_slice %arg3[%mul3A_2, %dma_wait3A] : memref<1280x128xi32, #tpu.memory_space<hbm>> -> memref<40x128xi32, #tpu.memory_space<hbm>>
      %dma_wait3A_14 = arith.constant 0 : i32
      %dma_wait3A_15 = tpu.memref_slice %arg3[%mul3A_2, %dma_wait3A_14] : memref<1280x128xi32, #tpu.memory_space<hbm>> -> memref<40x128xi32, #tpu.memory_space<hbm>>
      tpu.wait_dma2 semaphore(%run_scoped3A : memref<!tpu.dma_semaphore, #tpu.memory_space<semaphore_mem>>) src(%dma_wait3A_15 : memref<40x128xi32, #tpu.memory_space<hbm>>) dst(%arg5 : memref<40x128xi32, #tpu.memory_space<vmem>>)
      tpu.yield
    }) : () -> ()
    %scan3A = arith.constant 0 : i32
    %scan3A_3 = arith.constant 0 : i32
    %scan3A_4 = arith.constant 40 : i32
    %scan3A_5 = arith.addi %scan3A_3, %scan3A_4 : i32
    %scan3A_6 = arith.constant 1 : i32
    scf.for %scan3A_10 = %scan3A_3 to %scan3A_5 step %scan3A_6  : i32 {
      %mul3A_11 = arith.constant 128 : i32
      %mul3A_12 = arith.muli %scan3A_10, %mul3A_11 : i32
      %dma_start3A = arith.constant 0 : i32
      %dma_start3A_13 = tpu.memref_slice %arg6[%mul3A_12, %dma_start3A] : memref<5120x16xf32, #tpu.memory_space<vmem>> -> memref<128x16xf32, #tpu.memory_space<vmem>>
      %dma_start3A_14 = arith.constant 0 : i32
      %dma_start3A_15 = tpu.memref_slice %arg5[%scan3A_10, %dma_start3A_14] : memref<40x128xi32, #tpu.memory_space<vmem>> -> memref<1x128xi32, #tpu.memory_space<vmem>>
      %dma_start3A_16 = tpu.memref_squeeze %dma_start3A_15 : memref<1x128xi32, #tpu.memory_space<vmem>> -> memref<128xi32, #tpu.memory_space<vmem>>
      %dma_start3A_17 = arith.constant 0 : i32
      %dma_start3A_18 = arith.constant 0 : i32
      %dma_start3A_19 = tpu.memref_slice %arg2[%dma_start3A_17, %dma_start3A_18] : memref<10000x16xf32, #tpu.memory_space<hbm>> -> memref<10000x16xf32, #tpu.memory_space<hbm>>
      tpu.enqueue_indirect_dma source(%dma_start3A_19 : memref<10000x16xf32, #tpu.memory_space<hbm>>) target(%dma_start3A_13 : memref<128x16xf32, #tpu.memory_space<vmem>>) offsets(%dma_start3A_16 : memref<128xi32, #tpu.memory_space<vmem>>) semaphore(%arg7 : memref<!tpu.dma_semaphore, #tpu.memory_space<semaphore_mem>>)
      %dma_wait3A = arith.constant 0 : i32
      %dma_wait3A_20 = tpu.memref_slice %arg6[%mul3A_12, %dma_wait3A] : memref<5120x16xf32, #tpu.memory_space<vmem>> -> memref<128x16xf32, #tpu.memory_space<vmem>>
      %dma_wait3A_21 = arith.constant 0 : i32
      %dma_wait3A_22 = tpu.memref_slice %arg5[%scan3A_10, %dma_wait3A_21] : memref<40x128xi32, #tpu.memory_space<vmem>> -> memref<1x128xi32, #tpu.memory_space<vmem>>
      %dma_wait3A_23 = tpu.memref_squeeze %dma_wait3A_22 : memref<1x128xi32, #tpu.memory_space<vmem>> -> memref<128xi32, #tpu.memory_space<vmem>>
      %dma_wait3A_24 = arith.constant 0 : i32
      %dma_wait3A_25 = arith.constant 0 : i32
      %dma_wait3A_26 = tpu.memref_slice %arg2[%dma_wait3A_24, %dma_wait3A_25] : memref<10000x16xf32, #tpu.memory_space<hbm>> -> memref<10000x16xf32, #tpu.memory_space<hbm>>
      tpu.wait_indirect_dma semaphore(%arg7 : memref<!tpu.dma_semaphore, #tpu.memory_space<semaphore_mem>>) src(%dma_wait3A_26 : memref<10000x16xf32, #tpu.memory_space<hbm>>) dst(%dma_wait3A_20 : memref<128x16xf32, #tpu.memory_space<vmem>>)
    }
    %scan3A_7 = arith.constant 40 : i32
    %mul3A_8 = arith.constant 5120 : i32
    %mul3A_9 = arith.muli %add3A, %mul3A_8 : i32
    "tpu.region"() ({
      %run_scoped3A = tpu.sem_alloc : memref<!tpu.dma_semaphore, #tpu.memory_space<semaphore_mem>>
      %dma_start3A = arith.constant 0 : i32
      %dma_start3A_10 = tpu.memref_slice %arg4[%mul3A_9, %dma_start3A] : memref<163840x16xf32, #tpu.memory_space<hbm>> -> memref<5120x16xf32, #tpu.memory_space<hbm>>
      %dma_start3A_11 = arith.constant 0 : i32
      %dma_start3A_12 = tpu.memref_slice %arg4[%mul3A_9, %dma_start3A_11] : memref<163840x16xf32, #tpu.memory_space<hbm>> -> memref<5120x16xf32, #tpu.memory_space<hbm>>
      tpu.enqueue_dma source(%arg6 : memref<5120x16xf32, #tpu.memory_space<vmem>>) target(%dma_start3A_12 : memref<5120x16xf32, #tpu.memory_space<hbm>>) target_semaphore(%run_scoped3A : memref<!tpu.dma_semaphore, #tpu.memory_space<semaphore_mem>>)
      %dma_wait3A = arith.constant 0 : i32
      %dma_wait3A_13 = tpu.memref_slice %arg4[%mul3A_9, %dma_wait3A] : memref<163840x16xf32, #tpu.memory_space<hbm>> -> memref<5120x16xf32, #tpu.memory_space<hbm>>
      %dma_wait3A_14 = arith.constant 0 : i32
      %dma_wait3A_15 = tpu.memref_slice %arg4[%mul3A_9, %dma_wait3A_14] : memref<163840x16xf32, #tpu.memory_space<hbm>> -> memref<5120x16xf32, #tpu.memory_space<hbm>>
      tpu.wait_dma2 semaphore(%run_scoped3A : memref<!tpu.dma_semaphore, #tpu.memory_space<semaphore_mem>>) src(%arg6 : memref<5120x16xf32, #tpu.memory_space<vmem>>) dst(%dma_wait3A_15 : memref<5120x16xf32, #tpu.memory_space<hbm>>)
      tpu.yield
    }) : () -> ()
    return
  }
}

#map = affine_map<(d0, d1) -> (0, 0)>
#map1 = affine_map<(d0, d1) -> (0, 0, 0)>
module attributes {stable_mosaic.version = 14 : i64} {
  func.func @body(%arg0: i32, %arg1: i32, %arg2: memref<163840x16xf32, #tpu.memory_space<hbm>>, %arg3: memref<1280x128xi32, #tpu.memory_space<hbm>>, %arg4: memref<640x16xf32, #tpu.memory_space<hbm>>, %arg5: memref<2x10240x16xf32, #tpu.memory_space<hbm>>, %arg6: memref<40x128xi32, #tpu.memory_space<vmem>>, %arg7: memref<5120x16xf32, #tpu.memory_space<vmem>>, %arg8: memref<10240x16xf32, #tpu.memory_space<vmem_shared>>) attributes {dimension_semantics = [#tpu.dimension_semantics<core_parallel>, #tpu.dimension_semantics<subcore_parallel>], iteration_bounds = array<i64: 2, 16>, scalar_prefetch = 0 : i64, scratch_operands = 3 : i64, tpu.core_type = #tpu.core_type<sc_vector_subcore>, window_params = [{transform_indices = #map}, {transform_indices = #map}, {transform_indices = #map}, {transform_indices = #map1}]} {
    %mul3A = arith.constant 2 : i32
    %mul3A_0 = arith.muli %arg1, %mul3A : i32
    %add3A = arith.addi %mul3A_0, %arg0 : i32
    %mul3A_1 = arith.constant 640 : i32
    %mul3A_2 = arith.muli %arg1, %mul3A_1 : i32
    "tpu.region"() ({
      %run_scoped3A = tpu.sem_alloc : memref<!tpu.dma_semaphore, #tpu.memory_space<semaphore_mem>>
      %dma_start3A = arith.constant 0 : i32
      %dma_start3A_17 = tpu.memref_slice %arg8[%mul3A_2, %dma_start3A] : memref<10240x16xf32, #tpu.memory_space<vmem_shared>> -> memref<640x16xf32, #tpu.memory_space<vmem_shared>>
      tpu.enqueue_dma source(%arg4 : memref<640x16xf32, #tpu.memory_space<hbm>>) target(%dma_start3A_17 : memref<640x16xf32, #tpu.memory_space<vmem_shared>>) target_semaphore(%run_scoped3A : memref<!tpu.dma_semaphore, #tpu.memory_space<semaphore_mem>>)
      %dma_wait3A = arith.constant 0 : i32
      %dma_wait3A_18 = tpu.memref_slice %arg8[%mul3A_2, %dma_wait3A] : memref<10240x16xf32, #tpu.memory_space<vmem_shared>> -> memref<640x16xf32, #tpu.memory_space<vmem_shared>>
      tpu.wait_dma2 semaphore(%run_scoped3A : memref<!tpu.dma_semaphore, #tpu.memory_space<semaphore_mem>>) src(%arg4 : memref<640x16xf32, #tpu.memory_space<hbm>>) dst(%dma_wait3A_18 : memref<640x16xf32, #tpu.memory_space<vmem_shared>>)
      tpu.yield
    }) : () -> ()
    %mul3A_3 = arith.constant 40 : i32
    %mul3A_4 = arith.muli %add3A, %mul3A_3 : i32
    "tpu.region"() ({
      %run_scoped3A = tpu.sem_alloc : memref<!tpu.dma_semaphore, #tpu.memory_space<semaphore_mem>>
      %dma_start3A = arith.constant 0 : i32
      %dma_start3A_17 = tpu.memref_slice %arg3[%mul3A_4, %dma_start3A] : memref<1280x128xi32, #tpu.memory_space<hbm>> -> memref<40x128xi32, #tpu.memory_space<hbm>>
      %dma_start3A_18 = arith.constant 0 : i32
      %dma_start3A_19 = tpu.memref_slice %arg3[%mul3A_4, %dma_start3A_18] : memref<1280x128xi32, #tpu.memory_space<hbm>> -> memref<40x128xi32, #tpu.memory_space<hbm>>
      tpu.enqueue_dma source(%dma_start3A_19 : memref<40x128xi32, #tpu.memory_space<hbm>>) target(%arg6 : memref<40x128xi32, #tpu.memory_space<vmem>>) target_semaphore(%run_scoped3A : memref<!tpu.dma_semaphore, #tpu.memory_space<semaphore_mem>>)
      %dma_wait3A = arith.constant 0 : i32
      %dma_wait3A_20 = tpu.memref_slice %arg3[%mul3A_4, %dma_wait3A] : memref<1280x128xi32, #tpu.memory_space<hbm>> -> memref<40x128xi32, #tpu.memory_space<hbm>>
      %dma_wait3A_21 = arith.constant 0 : i32
      %dma_wait3A_22 = tpu.memref_slice %arg3[%mul3A_4, %dma_wait3A_21] : memref<1280x128xi32, #tpu.memory_space<hbm>> -> memref<40x128xi32, #tpu.memory_space<hbm>>
      tpu.wait_dma2 semaphore(%run_scoped3A : memref<!tpu.dma_semaphore, #tpu.memory_space<semaphore_mem>>) src(%dma_wait3A_22 : memref<40x128xi32, #tpu.memory_space<hbm>>) dst(%arg6 : memref<40x128xi32, #tpu.memory_space<vmem>>)
      tpu.yield
    }) : () -> ()
    %mul3A_5 = arith.constant 5120 : i32
    %mul3A_6 = arith.muli %add3A, %mul3A_5 : i32
    "tpu.region"() ({
      %run_scoped3A = tpu.sem_alloc : memref<!tpu.dma_semaphore, #tpu.memory_space<semaphore_mem>>
      %dma_start3A = arith.constant 0 : i32
      %dma_start3A_17 = tpu.memref_slice %arg2[%mul3A_6, %dma_start3A] : memref<163840x16xf32, #tpu.memory_space<hbm>> -> memref<5120x16xf32, #tpu.memory_space<hbm>>
      %dma_start3A_18 = arith.constant 0 : i32
      %dma_start3A_19 = tpu.memref_slice %arg2[%mul3A_6, %dma_start3A_18] : memref<163840x16xf32, #tpu.memory_space<hbm>> -> memref<5120x16xf32, #tpu.memory_space<hbm>>
      tpu.enqueue_dma source(%dma_start3A_19 : memref<5120x16xf32, #tpu.memory_space<hbm>>) target(%arg7 : memref<5120x16xf32, #tpu.memory_space<vmem>>) target_semaphore(%run_scoped3A : memref<!tpu.dma_semaphore, #tpu.memory_space<semaphore_mem>>)
      %dma_wait3A = arith.constant 0 : i32
      %dma_wait3A_20 = tpu.memref_slice %arg2[%mul3A_6, %dma_wait3A] : memref<163840x16xf32, #tpu.memory_space<hbm>> -> memref<5120x16xf32, #tpu.memory_space<hbm>>
      %dma_wait3A_21 = arith.constant 0 : i32
      %dma_wait3A_22 = tpu.memref_slice %arg2[%mul3A_6, %dma_wait3A_21] : memref<163840x16xf32, #tpu.memory_space<hbm>> -> memref<5120x16xf32, #tpu.memory_space<hbm>>
      tpu.wait_dma2 semaphore(%run_scoped3A : memref<!tpu.dma_semaphore, #tpu.memory_space<semaphore_mem>>) src(%dma_wait3A_22 : memref<5120x16xf32, #tpu.memory_space<hbm>>) dst(%arg7 : memref<5120x16xf32, #tpu.memory_space<vmem>>)
      tpu.yield
    }) : () -> ()
    %barrier3A = arith.constant 0 : index
    tpu.barrier barrier_id(%barrier3A)
    %scan3A = arith.constant 0 : i32
    %scan3A_7 = arith.constant 0 : i32
    %scan3A_8 = arith.constant 40 : i32
    %scan3A_9 = arith.addi %scan3A_7, %scan3A_8 : i32
    %scan3A_10 = arith.constant 1 : i32
    scf.for %scan3A_17 = %scan3A_7 to %scan3A_9 step %scan3A_10  : i32 {
      %mul3A_18 = arith.constant 128 : i32
      %mul3A_19 = arith.muli %scan3A_17, %mul3A_18 : i32
      "tpu.region"() ({
        %run_scoped3A = tpu.sem_alloc : memref<!tpu.dma_semaphore, #tpu.memory_space<semaphore_mem>>
        %dma_start3A = arith.constant 0 : i32
        %dma_start3A_20 = tpu.memref_slice %arg7[%mul3A_19, %dma_start3A] : memref<5120x16xf32, #tpu.memory_space<vmem>> -> memref<128x16xf32, #tpu.memory_space<vmem>>
        %dma_start3A_21 = arith.constant 0 : i32
        %dma_start3A_22 = tpu.memref_slice %arg6[%scan3A_17, %dma_start3A_21] : memref<40x128xi32, #tpu.memory_space<vmem>> -> memref<1x128xi32, #tpu.memory_space<vmem>>
        %dma_start3A_23 = tpu.memref_squeeze %dma_start3A_22 : memref<1x128xi32, #tpu.memory_space<vmem>> -> memref<128xi32, #tpu.memory_space<vmem>>
        %dma_start3A_24 = arith.constant 0 : i32
        %dma_start3A_25 = arith.constant 0 : i32
        %dma_start3A_26 = tpu.memref_slice %arg8[%dma_start3A_24, %dma_start3A_25] : memref<10240x16xf32, #tpu.memory_space<vmem_shared>> -> memref<10240x16xf32, #tpu.memory_space<vmem_shared>>
        tpu.enqueue_indirect_dma source(%dma_start3A_20 : memref<128x16xf32, #tpu.memory_space<vmem>>) target(%dma_start3A_26 : memref<10240x16xf32, #tpu.memory_space<vmem_shared>>) offsets(%dma_start3A_23 : memref<128xi32, #tpu.memory_space<vmem>>) semaphore(%run_scoped3A : memref<!tpu.dma_semaphore, #tpu.memory_space<semaphore_mem>>) {add = true}
        %dma_wait3A = arith.constant 0 : i32
        %dma_wait3A_27 = tpu.memref_slice %arg7[%mul3A_19, %dma_wait3A] : memref<5120x16xf32, #tpu.memory_space<vmem>> -> memref<128x16xf32, #tpu.memory_space<vmem>>
        %dma_wait3A_28 = arith.constant 0 : i32
        %dma_wait3A_29 = tpu.memref_slice %arg6[%scan3A_17, %dma_wait3A_28] : memref<40x128xi32, #tpu.memory_space<vmem>> -> memref<1x128xi32, #tpu.memory_space<vmem>>
        %dma_wait3A_30 = tpu.memref_squeeze %dma_wait3A_29 : memref<1x128xi32, #tpu.memory_space<vmem>> -> memref<128xi32, #tpu.memory_space<vmem>>
        %dma_wait3A_31 = arith.constant 0 : i32
        %dma_wait3A_32 = arith.constant 0 : i32
        %dma_wait3A_33 = tpu.memref_slice %arg8[%dma_wait3A_31, %dma_wait3A_32] : memref<10240x16xf32, #tpu.memory_space<vmem_shared>> -> memref<10240x16xf32, #tpu.memory_space<vmem_shared>>
        tpu.wait_indirect_dma semaphore(%run_scoped3A : memref<!tpu.dma_semaphore, #tpu.memory_space<semaphore_mem>>) src(%dma_wait3A_27 : memref<128x16xf32, #tpu.memory_space<vmem>>) dst(%dma_wait3A_33 : memref<10240x16xf32, #tpu.memory_space<vmem_shared>>)
        tpu.yield
      }) : () -> ()
    }
    %scan3A_11 = arith.constant 40 : i32
    %barrier3A_12 = arith.constant 0 : index
    tpu.barrier barrier_id(%barrier3A_12)
    %mul3A_13 = arith.constant 640 : i32
    %mul3A_14 = arith.muli %arg1, %mul3A_13 : i32
    %mul3A_15 = arith.constant 640 : i32
    %mul3A_16 = arith.muli %arg1, %mul3A_15 : i32
    "tpu.region"() ({
      %run_scoped3A = tpu.sem_alloc : memref<!tpu.dma_semaphore, #tpu.memory_space<semaphore_mem>>
      %dma_start3A = arith.constant 0 : i32
      %dma_start3A_17 = tpu.memref_slice %arg5[%arg0, %mul3A_16, %dma_start3A] : memref<2x10240x16xf32, #tpu.memory_space<hbm>> -> memref<1x640x16xf32, #tpu.memory_space<hbm>>
      %dma_start3A_18 = tpu.memref_squeeze %dma_start3A_17 : memref<1x640x16xf32, #tpu.memory_space<hbm>> -> memref<640x16xf32, #tpu.memory_space<hbm>>
      %dma_start3A_19 = arith.constant 0 : i32
      %dma_start3A_20 = tpu.memref_slice %arg8[%mul3A_14, %dma_start3A_19] : memref<10240x16xf32, #tpu.memory_space<vmem_shared>> -> memref<640x16xf32, #tpu.memory_space<vmem_shared>>
      tpu.enqueue_dma source(%dma_start3A_20 : memref<640x16xf32, #tpu.memory_space<vmem_shared>>) target(%dma_start3A_18 : memref<640x16xf32, #tpu.memory_space<hbm>>) target_semaphore(%run_scoped3A : memref<!tpu.dma_semaphore, #tpu.memory_space<semaphore_mem>>)
      %dma_wait3A = arith.constant 0 : i32
      %dma_wait3A_21 = tpu.memref_slice %arg5[%arg0, %mul3A_16, %dma_wait3A] : memref<2x10240x16xf32, #tpu.memory_space<hbm>> -> memref<1x640x16xf32, #tpu.memory_space<hbm>>
      %dma_wait3A_22 = tpu.memref_squeeze %dma_wait3A_21 : memref<1x640x16xf32, #tpu.memory_space<hbm>> -> memref<640x16xf32, #tpu.memory_space<hbm>>
      %dma_wait3A_23 = arith.constant 0 : i32
      %dma_wait3A_24 = tpu.memref_slice %arg8[%mul3A_14, %dma_wait3A_23] : memref<10240x16xf32, #tpu.memory_space<vmem_shared>> -> memref<640x16xf32, #tpu.memory_space<vmem_shared>>
      tpu.wait_dma2 semaphore(%run_scoped3A : memref<!tpu.dma_semaphore, #tpu.memory_space<semaphore_mem>>) src(%dma_wait3A_24 : memref<640x16xf32, #tpu.memory_space<vmem_shared>>) dst(%dma_wait3A_22 : memref<640x16xf32, #tpu.memory_space<hbm>>)
      tpu.yield
    }) : () -> ()
    return
  }
}

module attributes {stable_mosaic.version = 14 : i64} {
  func.func @_pre_body(%arg0: i32, %arg1: memref<2000x128xf32, #tpu.memory_space<vmem>>, %arg2: memref<128x16xf32, #tpu.memory_space<vmem>>, %arg3: memref<1x16xf32, #tpu.memory_space<vmem>>, %arg4: memref<2x2000x16xf32, #tpu.memory_space<vmem>>, %arg5: memref<2000x16xf32, #tpu.memory_space<vmem>>, %arg6: memref<2000x16xf32, #tpu.memory_space<vmem>>) attributes {dimension_semantics = [#tpu.dimension_semantics<arbitrary>], iteration_bounds = array<i64: 5>, scalar_prefetch = 0 : i64, scratch_operands = 0 : i64, tpu.core_type = #tpu.core_type<tc>, window_params = [{transform_indices = @transform_0, window_bounds = array<i64: 2000, 128>}, {pipeline_mode = #tpu.pipeline_mode<synchronous>, transform_indices = @transform_1, window_bounds = array<i64: 128, 16>}, {pipeline_mode = #tpu.pipeline_mode<synchronous>, transform_indices = @transform_2, window_bounds = array<i64: 1, 16>}, {transform_indices = @transform_3, window_bounds = array<i64: 2, 2000, 16>}, {transform_indices = @transform_4, window_bounds = array<i64: 2000, 16>}, {transform_indices = @transform_5, window_bounds = array<i64: 2000, 16>}]} {
    %get3A = arith.constant 0 : index
    %get3A_0 = arith.constant 0 : index
    %get3A_1 = vector.load %arg1[%get3A, %get3A_0] : memref<2000x128xf32, #tpu.memory_space<vmem>>, vector<2000x128xf32>
    %get3A_2 = arith.constant 0 : index
    %get3A_3 = arith.constant 0 : index
    %get3A_4 = vector.load %arg2[%get3A_2, %get3A_3] : memref<128x16xf32, #tpu.memory_space<vmem>>, vector<128x16xf32>
    %dot_general3A = arith.constant dense<0.000000e+00> : vector<2000x16xf32>
    %dot_general3A_5 = tpu.matmul %get3A_1, %get3A_4, %dot_general3A {dimension_numbers = #tpu.dot_dimension_numbers<[1], [0], [0], [1], [0, 0, 1, 1], [], []>, transpose_lhs_hint = false} : vector<2000x128xf32>, vector<128x16xf32>, vector<2000x16xf32> -> vector<2000x16xf32>
    %get3A_6 = arith.constant 0 : index
    %get3A_7 = arith.constant 0 : index
    %get3A_8 = vector.load %arg3[%get3A_6, %get3A_7] : memref<1x16xf32, #tpu.memory_space<vmem>>, vector<1x16xf32>
    %add3A = vector.broadcast %get3A_8 : vector<1x16xf32> to vector<2000x16xf32>
    %add3A_9 = arith.addf %dot_general3A_5, %add3A : vector<2000x16xf32>
    %max3A = arith.constant 0.000000e+00 : f32
    %max3A_10 = vector.broadcast %max3A : f32 to vector<2000x16xf32>
    %max3A_11 = arith.maximumf %add3A_9, %max3A_10 : vector<2000x16xf32>
    %swap3A = arith.constant 0 : index
    %swap3A_12 = arith.constant 0 : index
    %swap3A_13 = vector.load %arg5[%swap3A, %swap3A_12] : memref<2000x16xf32, #tpu.memory_space<vmem>>, vector<2000x16xf32>
    tpu.vector_store %arg5[%swap3A, %swap3A_12], %max3A_11 {strides = array<i32>} : memref<2000x16xf32, #tpu.memory_space<vmem>>, vector<2000x16xf32>,
    %get3A_14 = arith.constant 0 : index
    %get3A_15 = arith.constant 0 : index
    %get3A_16 = arith.constant 0 : index
    %get3A_17 = vector.load %arg4[%get3A_14, %get3A_15, %get3A_16] : memref<2x2000x16xf32, #tpu.memory_space<vmem>>, vector<1x2000x16xf32>
    %get3A_18 = vector.shape_cast %get3A_17 : vector<1x2000x16xf32> to vector<2000x16xf32>
    %get3A_19 = arith.constant 1 : index
    %get3A_20 = arith.constant 0 : index
    %get3A_21 = arith.constant 0 : index
    %get3A_22 = vector.load %arg4[%get3A_19, %get3A_20, %get3A_21] : memref<2x2000x16xf32, #tpu.memory_space<vmem>>, vector<1x2000x16xf32>
    %get3A_23 = vector.shape_cast %get3A_22 : vector<1x2000x16xf32> to vector<2000x16xf32>
    %add3A_24 = arith.addf %get3A_18, %get3A_23 : vector<2000x16xf32>
    %max3A_25 = arith.constant 1.000000e+00 : f32
    %max3A_26 = vector.broadcast %max3A_25 : f32 to vector<2000x16xf32>
    %max3A_27 = arith.maximumf %add3A_24, %max3A_26 : vector<2000x16xf32>
    %div3A = arith.constant 1.000000e+00 : f32
    %div3A_28 = vector.broadcast %div3A : f32 to vector<2000x16xf32>
    %div3A_29 = arith.divf %div3A_28, %max3A_27 : vector<2000x16xf32>
    %swap3A_30 = arith.constant 0 : index
    %swap3A_31 = arith.constant 0 : index
    %swap3A_32 = vector.load %arg6[%swap3A_30, %swap3A_31] : memref<2000x16xf32, #tpu.memory_space<vmem>>, vector<2000x16xf32>
    tpu.vector_store %arg6[%swap3A_30, %swap3A_31], %div3A_29 {strides = array<i32>} : memref<2000x16xf32, #tpu.memory_space<vmem>>, vector<2000x16xf32>,
    return
  }
  func.func @transform_0(%arg0: i32) -> (i32, i32) {
    %c0_i32 = arith.constant 0 : i32
    %c0_i32_0 = arith.constant 0 : i32
    return %arg0, %c0_i32 : i32, i32
  }
  func.func @transform_1(%arg0: i32) -> (i32, i32) {
    %c0_i32 = arith.constant 0 : i32
    %c0_i32_0 = arith.constant 0 : i32
    %c0_i32_1 = arith.constant 0 : i32
    return %c0_i32, %c0_i32_0 : i32, i32
  }
  func.func @transform_2(%arg0: i32) -> (i32, i32) {
    %c0_i32 = arith.constant 0 : i32
    %c0_i32_0 = arith.constant 0 : i32
    %c0_i32_1 = arith.constant 0 : i32
    return %c0_i32, %c0_i32_0 : i32, i32
  }
  func.func @transform_3(%arg0: i32) -> (i32, i32, i32) {
    %c0_i32 = arith.constant 0 : i32
    %c0_i32_0 = arith.constant 0 : i32
    %c0_i32_1 = arith.constant 0 : i32
    return %c0_i32, %arg0, %c0_i32_0 : i32, i32, i32
  }
  func.func @transform_4(%arg0: i32) -> (i32, i32) {
    %c0_i32 = arith.constant 0 : i32
    %c0_i32_0 = arith.constant 0 : i32
    return %arg0, %c0_i32 : i32, i32
  }
  func.func @transform_5(%arg0: i32) -> (i32, i32) {
    %c0_i32 = arith.constant 0 : i32
    %c0_i32_0 = arith.constant 0 : i32
    return %arg0, %c0_i32 : i32, i32
  }
}

module attributes {stable_mosaic.version = 14 : i64} {
  func.func @_msg_body(%arg0: i32, %arg1: memref<2048x16xf32, #tpu.memory_space<vmem>>, %arg2: memref<2048x16xf32, #tpu.memory_space<vmem>>, %arg3: memref<16x128xf32, #tpu.memory_space<vmem>>, %arg4: memref<1x128xf32, #tpu.memory_space<vmem>>, %arg5: memref<128x256xf32, #tpu.memory_space<vmem>>, %arg6: memref<1x256xf32, #tpu.memory_space<vmem>>, %arg7: memref<16x256xf32, #tpu.memory_space<vmem>>, %arg8: memref<256x16xf32, #tpu.memory_space<vmem>>, %arg9: memref<2048x16xf32, #tpu.memory_space<vmem>>) attributes {dimension_semantics = [#tpu.dimension_semantics<arbitrary>], iteration_bounds = array<i64: 80>, scalar_prefetch = 0 : i64, scratch_operands = 0 : i64, tpu.core_type = #tpu.core_type<tc>, window_params = [{transform_indices = @transform_0, window_bounds = array<i64: 2048, 16>}, {transform_indices = @transform_1, window_bounds = array<i64: 2048, 16>}, {pipeline_mode = #tpu.pipeline_mode<synchronous>, transform_indices = @transform_2, window_bounds = array<i64: 16, 128>}, {pipeline_mode = #tpu.pipeline_mode<synchronous>, transform_indices = @transform_3, window_bounds = array<i64: 1, 128>}, {pipeline_mode = #tpu.pipeline_mode<synchronous>, transform_indices = @transform_4, window_bounds = array<i64: 128, 256>}, {pipeline_mode = #tpu.pipeline_mode<synchronous>, transform_indices = @transform_5, window_bounds = array<i64: 1, 256>}, {pipeline_mode = #tpu.pipeline_mode<synchronous>, transform_indices = @transform_6, window_bounds = array<i64: 16, 256>}, {pipeline_mode = #tpu.pipeline_mode<synchronous>, transform_indices = @transform_7, window_bounds = array<i64: 256, 16>}, {transform_indices = @transform_8, window_bounds = array<i64: 2048, 16>}]} {
    %get3A = arith.constant 0 : index
    %get3A_0 = arith.constant 0 : index
    %get3A_1 = vector.load %arg1[%get3A, %get3A_0] : memref<2048x16xf32, #tpu.memory_space<vmem>>, vector<2048x16xf32>
    %get3A_2 = arith.constant 0 : index
    %get3A_3 = arith.constant 0 : index
    %get3A_4 = vector.load %arg3[%get3A_2, %get3A_3] : memref<16x128xf32, #tpu.memory_space<vmem>>, vector<16x128xf32>
    %dot_general3A = arith.constant dense<0.000000e+00> : vector<2048x128xf32>
    %dot_general3A_5 = tpu.matmul %get3A_1, %get3A_4, %dot_general3A {dimension_numbers = #tpu.dot_dimension_numbers<[1], [0], [0], [1], [0, 0, 1, 1], [], []>, transpose_lhs_hint = false} : vector<2048x16xf32>, vector<16x128xf32>, vector<2048x128xf32> -> vector<2048x128xf32>
    %get3A_6 = arith.constant 0 : index
    %get3A_7 = arith.constant 0 : index
    %get3A_8 = vector.load %arg4[%get3A_6, %get3A_7] : memref<1x128xf32, #tpu.memory_space<vmem>>, vector<1x128xf32>
    %add3A = vector.broadcast %get3A_8 : vector<1x128xf32> to vector<2048x128xf32>
    %add3A_9 = arith.addf %dot_general3A_5, %add3A : vector<2048x128xf32>
    %max3A = arith.constant 0.000000e+00 : f32
    %max3A_10 = vector.broadcast %max3A : f32 to vector<2048x128xf32>
    %max3A_11 = arith.maximumf %add3A_9, %max3A_10 : vector<2048x128xf32>
    %get3A_12 = arith.constant 0 : index
    %get3A_13 = arith.constant 0 : index
    %get3A_14 = vector.load %arg5[%get3A_12, %get3A_13] : memref<128x256xf32, #tpu.memory_space<vmem>>, vector<128x256xf32>
    %dot_general3A_15 = arith.constant dense<0.000000e+00> : vector<2048x256xf32>
    %dot_general3A_16 = tpu.matmul %max3A_11, %get3A_14, %dot_general3A_15 {dimension_numbers = #tpu.dot_dimension_numbers<[1], [0], [0], [1], [0, 0, 1, 1], [], []>, transpose_lhs_hint = false} : vector<2048x128xf32>, vector<128x256xf32>, vector<2048x256xf32> -> vector<2048x256xf32>
    %get3A_17 = arith.constant 0 : index
    %get3A_18 = arith.constant 0 : index
    %get3A_19 = vector.load %arg6[%get3A_17, %get3A_18] : memref<1x256xf32, #tpu.memory_space<vmem>>, vector<1x256xf32>
    %add3A_20 = vector.broadcast %get3A_19 : vector<1x256xf32> to vector<2048x256xf32>
    %add3A_21 = arith.addf %dot_general3A_16, %add3A_20 : vector<2048x256xf32>
    %get3A_22 = arith.constant 0 : index
    %get3A_23 = arith.constant 0 : index
    %get3A_24 = vector.load %arg2[%get3A_22, %get3A_23] : memref<2048x16xf32, #tpu.memory_space<vmem>>, vector<2048x16xf32>
    %get3A_25 = arith.constant 0 : index
    %get3A_26 = arith.constant 0 : index
    %get3A_27 = vector.load %arg7[%get3A_25, %get3A_26] : memref<16x256xf32, #tpu.memory_space<vmem>>, vector<16x256xf32>
    %dot_general3A_28 = arith.constant dense<0.000000e+00> : vector<2048x256xf32>
    %dot_general3A_29 = tpu.matmul %get3A_24, %get3A_27, %dot_general3A_28 {dimension_numbers = #tpu.dot_dimension_numbers<[1], [0], [0], [1], [0, 0, 1, 1], [], []>, precision = #tpu.contract_precision<fp32>, transpose_lhs_hint = false} : vector<2048x16xf32>, vector<16x256xf32>, vector<2048x256xf32> -> vector<2048x256xf32>
    %mul3A = arith.mulf %dot_general3A_29, %add3A_21 : vector<2048x256xf32>
    %get3A_30 = arith.constant 0 : index
    %get3A_31 = arith.constant 0 : index
    %get3A_32 = vector.load %arg8[%get3A_30, %get3A_31] : memref<256x16xf32, #tpu.memory_space<vmem>>, vector<256x16xf32>
    %dot_general3A_33 = arith.constant dense<0.000000e+00> : vector<2048x16xf32>
    %dot_general3A_34 = tpu.matmul %mul3A, %get3A_32, %dot_general3A_33 {dimension_numbers = #tpu.dot_dimension_numbers<[1], [0], [0], [1], [0, 0, 1, 1], [], []>, precision = #tpu.contract_precision<fp32>, transpose_lhs_hint = false} : vector<2048x256xf32>, vector<256x16xf32>, vector<2048x16xf32> -> vector<2048x16xf32>
    %mul3A_35 = arith.constant 2048 : i32
    %mul3A_36 = arith.muli %mul3A_35, %arg0 : i32
    %iota3A = tpu.iota {dimensions = array<i32: 0>} : vector<2048x1xi32>
    %add3A_37 = vector.broadcast %mul3A_36 : i32 to vector<2048x1xi32>
    %add3A_38 = arith.addi %add3A_37, %iota3A : vector<2048x1xi32>
    %lt3A = arith.constant 160000 : i32
    %lt3A_39 = vector.broadcast %lt3A : i32 to vector<2048x1xi32>
    %lt3A_40 = arith.cmpi slt, %add3A_38, %lt3A_39 : vector<2048x1xi32>
    %jit3A = arith.constant 0.000000e+00 : f32
    %broadcast_in_dim3A = vector.shape_cast %lt3A_40 : vector<2048x1xi1> to vector<2048x1xi1>
    %broadcast_in_dim3A_41 = vector.broadcast %broadcast_in_dim3A : vector<2048x1xi1> to vector<2048x16xi1>
    %broadcast_in_dim3A_42 = vector.broadcast %jit3A : f32 to vector<2048x16xf32>
    %select_n3A = arith.select %broadcast_in_dim3A_41, %dot_general3A_34, %broadcast_in_dim3A_42 : vector<2048x16xi1>, vector<2048x16xf32>
    %swap3A = arith.constant 0 : index
    %swap3A_43 = arith.constant 0 : index
    %swap3A_44 = vector.load %arg9[%swap3A, %swap3A_43] : memref<2048x16xf32, #tpu.memory_space<vmem>>, vector<2048x16xf32>
    tpu.vector_store %arg9[%swap3A, %swap3A_43], %select_n3A {strides = array<i32>} : memref<2048x16xf32, #tpu.memory_space<vmem>>, vector<2048x16xf32>,
    return
  }
  func.func @transform_0(%arg0: i32) -> (i32, i32) {
    %c0_i32 = arith.constant 0 : i32
    %c0_i32_0 = arith.constant 0 : i32
    return %arg0, %c0_i32 : i32, i32
  }
  func.func @transform_1(%arg0: i32) -> (i32, i32) {
    %c0_i32 = arith.constant 0 : i32
    %c0_i32_0 = arith.constant 0 : i32
    return %arg0, %c0_i32 : i32, i32
  }
  func.func @transform_2(%arg0: i32) -> (i32, i32) {
    %c0_i32 = arith.constant 0 : i32
    %c0_i32_0 = arith.constant 0 : i32
    %c0_i32_1 = arith.constant 0 : i32
    return %c0_i32, %c0_i32_0 : i32, i32
  }
  func.func @transform_3(%arg0: i32) -> (i32, i32) {
    %c0_i32 = arith.constant 0 : i32
    %c0_i32_0 = arith.constant 0 : i32
    %c0_i32_1 = arith.constant 0 : i32
    return %c0_i32, %c0_i32_0 : i32, i32
  }
  func.func @transform_4(%arg0: i32) -> (i32, i32) {
    %c0_i32 = arith.constant 0 : i32
    %c0_i32_0 = arith.constant 0 : i32
    %c0_i32_1 = arith.constant 0 : i32
    return %c0_i32, %c0_i32_0 : i32, i32
  }
  func.func @transform_5(%arg0: i32) -> (i32, i32) {
    %c0_i32 = arith.constant 0 : i32
    %c0_i32_0 = arith.constant 0 : i32
    %c0_i32_1 = arith.constant 0 : i32
    return %c0_i32, %c0_i32_0 : i32, i32
  }
  func.func @transform_6(%arg0: i32) -> (i32, i32) {
    %c0_i32 = arith.constant 0 : i32
    %c0_i32_0 = arith.constant 0 : i32
    %c0_i32_1 = arith.constant 0 : i32
    return %c0_i32, %c0_i32_0 : i32, i32
  }
  func.func @transform_7(%arg0: i32) -> (i32, i32) {
    %c0_i32 = arith.constant 0 : i32
    %c0_i32_0 = arith.constant 0 : i32
    %c0_i32_1 = arith.constant 0 : i32
    return %c0_i32, %c0_i32_0 : i32, i32
  }
  func.func @transform_8(%arg0: i32) -> (i32, i32) {
    %c0_i32 = arith.constant 0 : i32
    %c0_i32_0 = arith.constant 0 : i32
    return %arg0, %c0_i32 : i32, i32
  }
}

module attributes {stable_mosaic.version = 14 : i64} {
  func.func @_update_body(%arg0: i32, %arg1: memref<2000x16xf32, #tpu.memory_space<vmem>>, %arg2: memref<2x2000x16xf32, #tpu.memory_space<vmem>>, %arg3: memref<2000x16xf32, #tpu.memory_space<vmem>>, %arg4: memref<16x16xf32, #tpu.memory_space<vmem>>, %arg5: memref<1x16xf32, #tpu.memory_space<vmem>>, %arg6: memref<16x48xf32, #tpu.memory_space<vmem>>, %arg7: memref<1x48xf32, #tpu.memory_space<vmem>>, %arg8: memref<16x48xf32, #tpu.memory_space<vmem>>, %arg9: memref<1x48xf32, #tpu.memory_space<vmem>>, %arg10: memref<2000x16xf32, #tpu.memory_space<vmem>>) attributes {dimension_semantics = [#tpu.dimension_semantics<arbitrary>], iteration_bounds = array<i64: 5>, scalar_prefetch = 0 : i64, scratch_operands = 0 : i64, tpu.core_type = #tpu.core_type<tc>, window_params = [{transform_indices = @transform_0, window_bounds = array<i64: 2000, 16>}, {transform_indices = @transform_1, window_bounds = array<i64: 2, 2000, 16>}, {transform_indices = @transform_2, window_bounds = array<i64: 2000, 16>}, {pipeline_mode = #tpu.pipeline_mode<synchronous>, transform_indices = @transform_3, window_bounds = array<i64: 16, 16>}, {pipeline_mode = #tpu.pipeline_mode<synchronous>, transform_indices = @transform_4, window_bounds = array<i64: 1, 16>}, {pipeline_mode = #tpu.pipeline_mode<synchronous>, transform_indices = @transform_5, window_bounds = array<i64: 16, 48>}, {pipeline_mode = #tpu.pipeline_mode<synchronous>, transform_indices = @transform_6, window_bounds = array<i64: 1, 48>}, {pipeline_mode = #tpu.pipeline_mode<synchronous>, transform_indices = @transform_7, window_bounds = array<i64: 16, 48>}, {pipeline_mode = #tpu.pipeline_mode<synchronous>, transform_indices = @transform_8, window_bounds = array<i64: 1, 48>}, {transform_indices = @transform_9, window_bounds = array<i64: 2000, 16>}]} {
    %get3A = arith.constant 0 : index
    %get3A_0 = arith.constant 0 : index
    %get3A_1 = vector.load %arg1[%get3A, %get3A_0] : memref<2000x16xf32, #tpu.memory_space<vmem>>, vector<2000x16xf32>
    %get3A_2 = arith.constant 0 : index
    %get3A_3 = arith.constant 0 : index
    %get3A_4 = arith.constant 0 : index
    %get3A_5 = vector.load %arg2[%get3A_2, %get3A_3, %get3A_4] : memref<2x2000x16xf32, #tpu.memory_space<vmem>>, vector<1x2000x16xf32>
    %get3A_6 = vector.shape_cast %get3A_5 : vector<1x2000x16xf32> to vector<2000x16xf32>
    %get3A_7 = arith.constant 1 : index
    %get3A_8 = arith.constant 0 : index
    %get3A_9 = arith.constant 0 : index
    %get3A_10 = vector.load %arg2[%get3A_7, %get3A_8, %get3A_9] : memref<2x2000x16xf32, #tpu.memory_space<vmem>>, vector<1x2000x16xf32>
    %get3A_11 = vector.shape_cast %get3A_10 : vector<1x2000x16xf32> to vector<2000x16xf32>
    %add3A = arith.addf %get3A_6, %get3A_11 : vector<2000x16xf32>
    %get3A_12 = arith.constant 0 : index
    %get3A_13 = arith.constant 0 : index
    %get3A_14 = vector.load %arg3[%get3A_12, %get3A_13] : memref<2000x16xf32, #tpu.memory_space<vmem>>, vector<2000x16xf32>
    %mul3A = arith.mulf %add3A, %get3A_14 : vector<2000x16xf32>
    %get3A_15 = arith.constant 0 : index
    %get3A_16 = arith.constant 0 : index
    %get3A_17 = vector.load %arg4[%get3A_15, %get3A_16] : memref<16x16xf32, #tpu.memory_space<vmem>>, vector<16x16xf32>
    %dot_general3A = arith.constant dense<0.000000e+00> : vector<2000x16xf32>
    %dot_general3A_18 = tpu.matmul %get3A_1, %get3A_17, %dot_general3A {dimension_numbers = #tpu.dot_dimension_numbers<[1], [0], [0], [1], [0, 0, 1, 1], [], []>, transpose_lhs_hint = false} : vector<2000x16xf32>, vector<16x16xf32>, vector<2000x16xf32> -> vector<2000x16xf32>
    %add3A_19 = arith.addf %dot_general3A_18, %mul3A : vector<2000x16xf32>
    %get3A_20 = arith.constant 0 : index
    %get3A_21 = arith.constant 0 : index
    %get3A_22 = vector.load %arg5[%get3A_20, %get3A_21] : memref<1x16xf32, #tpu.memory_space<vmem>>, vector<1x16xf32>
    %add3A_23 = vector.broadcast %get3A_22 : vector<1x16xf32> to vector<2000x16xf32>
    %add3A_24 = arith.addf %add3A_19, %add3A_23 : vector<2000x16xf32>
    %max3A = arith.constant 0.000000e+00 : f32
    %max3A_25 = vector.broadcast %max3A : f32 to vector<2000x16xf32>
    %max3A_26 = arith.maximumf %add3A_24, %max3A_25 : vector<2000x16xf32>
    %get3A_27 = arith.constant 0 : index
    %get3A_28 = arith.constant 0 : index
    %get3A_29 = vector.load %arg6[%get3A_27, %get3A_28] : memref<16x48xf32, #tpu.memory_space<vmem>>, vector<16x48xf32>
    %dot_general3A_30 = arith.constant dense<0.000000e+00> : vector<2000x48xf32>
    %dot_general3A_31 = tpu.matmul %max3A_26, %get3A_29, %dot_general3A_30 {dimension_numbers = #tpu.dot_dimension_numbers<[1], [0], [0], [1], [0, 0, 1, 1], [], []>, transpose_lhs_hint = false} : vector<2000x16xf32>, vector<16x48xf32>, vector<2000x48xf32> -> vector<2000x48xf32>
    %get3A_32 = arith.constant 0 : index
    %get3A_33 = arith.constant 0 : index
    %get3A_34 = vector.load %arg7[%get3A_32, %get3A_33] : memref<1x48xf32, #tpu.memory_space<vmem>>, vector<1x48xf32>
    %add3A_35 = vector.broadcast %get3A_34 : vector<1x48xf32> to vector<2000x48xf32>
    %add3A_36 = arith.addf %dot_general3A_31, %add3A_35 : vector<2000x48xf32>
    %get3A_37 = arith.constant 0 : index
    %get3A_38 = arith.constant 0 : index
    %get3A_39 = vector.load %arg8[%get3A_37, %get3A_38] : memref<16x48xf32, #tpu.memory_space<vmem>>, vector<16x48xf32>
    %dot_general3A_40 = arith.constant dense<0.000000e+00> : vector<2000x48xf32>
    %dot_general3A_41 = tpu.matmul %get3A_1, %get3A_39, %dot_general3A_40 {dimension_numbers = #tpu.dot_dimension_numbers<[1], [0], [0], [1], [0, 0, 1, 1], [], []>, transpose_lhs_hint = false} : vector<2000x16xf32>, vector<16x48xf32>, vector<2000x48xf32> -> vector<2000x48xf32>
    %get3A_42 = arith.constant 0 : index
    %get3A_43 = arith.constant 0 : index
    %get3A_44 = vector.load %arg9[%get3A_42, %get3A_43] : memref<1x48xf32, #tpu.memory_space<vmem>>, vector<1x48xf32>
    %add3A_45 = vector.broadcast %get3A_44 : vector<1x48xf32> to vector<2000x48xf32>
    %add3A_46 = arith.addf %dot_general3A_41, %add3A_45 : vector<2000x48xf32>
    %slice3A = vector.extract_strided_slice %add3A_36 {offsets = [0, 0], sizes = [2000, 16], strides = [1, 1]} : vector<2000x48xf32> to vector<2000x16xf32>
    %slice3A_47 = vector.extract_strided_slice %add3A_46 {offsets = [0, 0], sizes = [2000, 16], strides = [1, 1]} : vector<2000x48xf32> to vector<2000x16xf32>
    %add3A_48 = arith.addf %slice3A, %slice3A_47 : vector<2000x16xf32>
    %logistic3A = arith.negf %add3A_48 : vector<2000x16xf32>
    %logistic3A_49 = math.exp %logistic3A : vector<2000x16xf32>
    %logistic3A_50 = arith.constant 1.000000e+00 : f32
    %logistic3A_51 = vector.broadcast %logistic3A_50 : f32 to vector<2000x16xf32>
    %logistic3A_52 = arith.addf %logistic3A_51, %logistic3A_49 : vector<2000x16xf32>
    %logistic3A_53 = arith.divf %logistic3A_51, %logistic3A_52 : vector<2000x16xf32>
    %slice3A_54 = vector.extract_strided_slice %add3A_36 {offsets = [0, 16], sizes = [2000, 16], strides = [1, 1]} : vector<2000x48xf32> to vector<2000x16xf32>
    %slice3A_55 = vector.extract_strided_slice %add3A_46 {offsets = [0, 16], sizes = [2000, 16], strides = [1, 1]} : vector<2000x48xf32> to vector<2000x16xf32>
    %add3A_56 = arith.addf %slice3A_54, %slice3A_55 : vector<2000x16xf32>
    %logistic3A_57 = arith.negf %add3A_56 : vector<2000x16xf32>
    %logistic3A_58 = math.exp %logistic3A_57 : vector<2000x16xf32>
    %logistic3A_59 = arith.constant 1.000000e+00 : f32
    %logistic3A_60 = vector.broadcast %logistic3A_59 : f32 to vector<2000x16xf32>
    %logistic3A_61 = arith.addf %logistic3A_60, %logistic3A_58 : vector<2000x16xf32>
    %logistic3A_62 = arith.divf %logistic3A_60, %logistic3A_61 : vector<2000x16xf32>
    %slice3A_63 = vector.extract_strided_slice %add3A_36 {offsets = [0, 32], sizes = [2000, 16], strides = [1, 1]} : vector<2000x48xf32> to vector<2000x16xf32>
    %slice3A_64 = vector.extract_strided_slice %add3A_46 {offsets = [0, 32], sizes = [2000, 16], strides = [1, 1]} : vector<2000x48xf32> to vector<2000x16xf32>
    %mul3A_65 = arith.mulf %logistic3A_53, %slice3A_64 : vector<2000x16xf32>
    %add3A_66 = arith.addf %slice3A_63, %mul3A_65 : vector<2000x16xf32>
    %tanh3A = math.tanh %add3A_66 : vector<2000x16xf32>
    %sub3A = arith.constant 1.000000e+00 : f32
    %sub3A_67 = vector.broadcast %sub3A : f32 to vector<2000x16xf32>
    %sub3A_68 = arith.subf %sub3A_67, %logistic3A_62 : vector<2000x16xf32>
    %mul3A_69 = arith.mulf %sub3A_68, %tanh3A : vector<2000x16xf32>
    %mul3A_70 = arith.mulf %logistic3A_62, %get3A_1 : vector<2000x16xf32>
    %add3A_71 = arith.addf %mul3A_69, %mul3A_70 : vector<2000x16xf32>
    %swap3A = arith.constant 0 : index
    %swap3A_72 = arith.constant 0 : index
    %swap3A_73 = vector.load %arg10[%swap3A, %swap3A_72] : memref<2000x16xf32, #tpu.memory_space<vmem>>, vector<2000x16xf32>
    tpu.vector_store %arg10[%swap3A, %swap3A_72], %add3A_71 {strides = array<i32>} : memref<2000x16xf32, #tpu.memory_space<vmem>>, vector<2000x16xf32>,
    return
  }
  func.func @transform_0(%arg0: i32) -> (i32, i32) {
    %c0_i32 = arith.constant 0 : i32
    %c0_i32_0 = arith.constant 0 : i32
    return %arg0, %c0_i32 : i32, i32
  }
  func.func @transform_1(%arg0: i32) -> (i32, i32, i32) {
    %c0_i32 = arith.constant 0 : i32
    %c0_i32_0 = arith.constant 0 : i32
    %c0_i32_1 = arith.constant 0 : i32
    return %c0_i32, %arg0, %c0_i32_0 : i32, i32, i32
  }
  func.func @transform_2(%arg0: i32) -> (i32, i32) {
    %c0_i32 = arith.constant 0 : i32
    %c0_i32_0 = arith.constant 0 : i32
    return %arg0, %c0_i32 : i32, i32
  }
  func.func @transform_3(%arg0: i32) -> (i32, i32) {
    %c0_i32 = arith.constant 0 : i32
    %c0_i32_0 = arith.constant 0 : i32
    %c0_i32_1 = arith.constant 0 : i32
    return %c0_i32, %c0_i32_0 : i32, i32
  }
  func.func @transform_4(%arg0: i32) -> (i32, i32) {
    %c0_i32 = arith.constant 0 : i32
    %c0_i32_0 = arith.constant 0 : i32
    %c0_i32_1 = arith.constant 0 : i32
    return %c0_i32, %c0_i32_0 : i32, i32
  }
  func.func @transform_5(%arg0: i32) -> (i32, i32) {
    %c0_i32 = arith.constant 0 : i32
    %c0_i32_0 = arith.constant 0 : i32
    %c0_i32_1 = arith.constant 0 : i32
    return %c0_i32, %c0_i32_0 : i32, i32
  }
  func.func @transform_6(%arg0: i32) -> (i32, i32) {
    %c0_i32 = arith.constant 0 : i32
    %c0_i32_0 = arith.constant 0 : i32
    %c0_i32_1 = arith.constant 0 : i32
    return %c0_i32, %c0_i32_0 : i32, i32
  }
  func.func @transform_7(%arg0: i32) -> (i32, i32) {
    %c0_i32 = arith.constant 0 : i32
    %c0_i32_0 = arith.constant 0 : i32
    %c0_i32_1 = arith.constant 0 : i32
    return %c0_i32, %c0_i32_0 : i32, i32
  }
  func.func @transform_8(%arg0: i32) -> (i32, i32) {
    %c0_i32 = arith.constant 0 : i32
    %c0_i32_0 = arith.constant 0 : i32
    %c0_i32_1 = arith.constant 0 : i32
    return %c0_i32, %c0_i32_0 : i32, i32
  }
  func.func @transform_9(%arg0: i32) -> (i32, i32) {
    %c0_i32 = arith.constant 0 : i32
    %c0_i32_0 = arith.constant 0 : i32
    return %arg0, %c0_i32 : i32, i32
  }
}

module attributes {stable_mosaic.version = 14 : i64} {
  func.func @_s2s_body(%arg0: memref<10000x16xf32, #tpu.memory_space<vmem>>, %arg1: memref<10000x1xi32, #tpu.memory_space<vmem>>, %arg2: memref<1x10000xi32, #tpu.memory_space<vmem>>, %arg3: memref<32x64xf32, #tpu.memory_space<vmem>>, %arg4: memref<1x64xf32, #tpu.memory_space<vmem>>, %arg5: memref<16x64xf32, #tpu.memory_space<vmem>>, %arg6: memref<1x64xf32, #tpu.memory_space<vmem>>, %arg7: memref<32x128xf32, #tpu.memory_space<vmem>>, %arg8: memref<1x128xf32, #tpu.memory_space<vmem>>, %arg9: memref<128x1xf32, #tpu.memory_space<vmem>>, %arg10: memref<1x1xf32, #tpu.memory_space<vmem>>, %arg11: memref<64x1xf32, #tpu.memory_space<vmem>>) attributes {dimension_semantics = [], scalar_prefetch = 0 : i64, scratch_operands = 0 : i64, tpu.core_type = #tpu.core_type<tc>} {
    %get3A = arith.constant 0 : index
    %get3A_0 = arith.constant 0 : index
    %get3A_1 = vector.load %arg0[%get3A, %get3A_0] : memref<10000x16xf32, #tpu.memory_space<vmem>>, vector<10000x16xf32>
    %get3A_2 = arith.constant 0 : index
    %get3A_3 = arith.constant 0 : index
    %get3A_4 = vector.load %arg1[%get3A_2, %get3A_3] : memref<10000x1xi32, #tpu.memory_space<vmem>>, vector<10000x1xi32>
    %iota3A = tpu.iota {dimensions = array<i32: 1>} : vector<10000x64xi32>
    %eq3A = vector.broadcast %get3A_4 : vector<10000x1xi32> to vector<10000x64xi32>
    %eq3A_5 = arith.cmpi eq, %eq3A, %iota3A : vector<10000x64xi32>
    %convert_element_type3A = arith.extui %eq3A_5 : vector<10000x64xi1> to vector<10000x64xi32>
    %convert_element_type3A_6 = arith.sitofp %convert_element_type3A : vector<10000x64xi32> to vector<10000x64xf32>
    %get3A_7 = arith.constant 0 : index
    %get3A_8 = arith.constant 0 : index
    %get3A_9 = vector.load %arg2[%get3A_7, %get3A_8] : memref<1x10000xi32, #tpu.memory_space<vmem>>, vector<1x10000xi32>
    %iota3A_10 = tpu.iota {dimensions = array<i32: 0>} : vector<64x10000xi32>
    %eq3A_11 = vector.broadcast %get3A_9 : vector<1x10000xi32> to vector<64x10000xi32>
    %eq3A_12 = arith.cmpi eq, %eq3A_11, %iota3A_10 : vector<64x10000xi32>
    %convert_element_type3A_13 = arith.extui %eq3A_12 : vector<64x10000xi1> to vector<64x10000xi32>
    %convert_element_type3A_14 = arith.sitofp %convert_element_type3A_13 : vector<64x10000xi32> to vector<64x10000xf32>
    %broadcast_in_dim3A = arith.constant 0.000000e+00 : f32
    %broadcast_in_dim3A_15 = vector.broadcast %broadcast_in_dim3A : f32 to vector<64x32xf32>
    %broadcast_in_dim3A_16 = arith.constant 0.000000e+00 : f32
    %broadcast_in_dim3A_17 = vector.broadcast %broadcast_in_dim3A_16 : f32 to vector<64x16xf32>
    %broadcast_in_dim3A_18 = arith.constant 0.000000e+00 : f32
    %broadcast_in_dim3A_19 = vector.broadcast %broadcast_in_dim3A_18 : f32 to vector<64x16xf32>
    %get3A_20 = arith.constant 0 : index
    %get3A_21 = arith.constant 0 : index
    %get3A_22 = vector.load %arg3[%get3A_20, %get3A_21] : memref<32x64xf32, #tpu.memory_space<vmem>>, vector<32x64xf32>
    %dot_general3A = arith.constant dense<0.000000e+00> : vector<64x64xf32>
    %dot_general3A_23 = tpu.matmul %broadcast_in_dim3A_15, %get3A_22, %dot_general3A {dimension_numbers = #tpu.dot_dimension_numbers<[1], [0], [0], [1], [0, 0, 1, 1], [], []>, transpose_lhs_hint = false} : vector<64x32xf32>, vector<32x64xf32>, vector<64x64xf32> -> vector<64x64xf32>
    %get3A_24 = arith.constant 0 : index
    %get3A_25 = arith.constant 0 : index
    %get3A_26 = vector.load %arg4[%get3A_24, %get3A_25] : memref<1x64xf32, #tpu.memory_space<vmem>>, vector<1x64xf32>
    %add3A = vector.broadcast %get3A_26 : vector<1x64xf32> to vector<64x64xf32>
    %add3A_27 = arith.addf %dot_general3A_23, %add3A : vector<64x64xf32>
    %get3A_28 = arith.constant 0 : index
    %get3A_29 = arith.constant 0 : index
    %get3A_30 = vector.load %arg5[%get3A_28, %get3A_29] : memref<16x64xf32, #tpu.memory_space<vmem>>, vector<16x64xf32>
    %dot_general3A_31 = arith.constant dense<0.000000e+00> : vector<64x64xf32>
    %dot_general3A_32 = tpu.matmul %broadcast_in_dim3A_17, %get3A_30, %dot_general3A_31 {dimension_numbers = #tpu.dot_dimension_numbers<[1], [0], [0], [1], [0, 0, 1, 1], [], []>, transpose_lhs_hint = false} : vector<64x16xf32>, vector<16x64xf32>, vector<64x64xf32> -> vector<64x64xf32>
    %add3A_33 = arith.addf %add3A_27, %dot_general3A_32 : vector<64x64xf32>
    %get3A_34 = arith.constant 0 : index
    %get3A_35 = arith.constant 0 : index
    %get3A_36 = vector.load %arg6[%get3A_34, %get3A_35] : memref<1x64xf32, #tpu.memory_space<vmem>>, vector<1x64xf32>
    %add3A_37 = vector.broadcast %get3A_36 : vector<1x64xf32> to vector<64x64xf32>
    %add3A_38 = arith.addf %add3A_33, %add3A_37 : vector<64x64xf32>
    %slice3A = vector.extract_strided_slice %add3A_38 {offsets = [0, 0], sizes = [64, 16], strides = [1, 1]} : vector<64x64xf32> to vector<64x16xf32>
    %logistic3A = arith.negf %slice3A : vector<64x16xf32>
    %logistic3A_39 = math.exp %logistic3A : vector<64x16xf32>
    %logistic3A_40 = arith.constant 1.000000e+00 : f32
    %logistic3A_41 = vector.broadcast %logistic3A_40 : f32 to vector<64x16xf32>
    %logistic3A_42 = arith.addf %logistic3A_41, %logistic3A_39 : vector<64x16xf32>
    %logistic3A_43 = arith.divf %logistic3A_41, %logistic3A_42 : vector<64x16xf32>
    %slice3A_44 = vector.extract_strided_slice %add3A_38 {offsets = [0, 16], sizes = [64, 16], strides = [1, 1]} : vector<64x64xf32> to vector<64x16xf32>
    %logistic3A_45 = arith.negf %slice3A_44 : vector<64x16xf32>
    %logistic3A_46 = math.exp %logistic3A_45 : vector<64x16xf32>
    %logistic3A_47 = arith.constant 1.000000e+00 : f32
    %logistic3A_48 = vector.broadcast %logistic3A_47 : f32 to vector<64x16xf32>
    %logistic3A_49 = arith.addf %logistic3A_48, %logistic3A_46 : vector<64x16xf32>
    %logistic3A_50 = arith.divf %logistic3A_48, %logistic3A_49 : vector<64x16xf32>
    %slice3A_51 = vector.extract_strided_slice %add3A_38 {offsets = [0, 32], sizes = [64, 16], strides = [1, 1]} : vector<64x64xf32> to vector<64x16xf32>
    %tanh3A = math.tanh %slice3A_51 : vector<64x16xf32>
    %slice3A_52 = vector.extract_strided_slice %add3A_38 {offsets = [0, 48], sizes = [64, 16], strides = [1, 1]} : vector<64x64xf32> to vector<64x16xf32>
    %logistic3A_53 = arith.negf %slice3A_52 : vector<64x16xf32>
    %logistic3A_54 = math.exp %logistic3A_53 : vector<64x16xf32>
    %logistic3A_55 = arith.constant 1.000000e+00 : f32
    %logistic3A_56 = vector.broadcast %logistic3A_55 : f32 to vector<64x16xf32>
    %logistic3A_57 = arith.addf %logistic3A_56, %logistic3A_54 : vector<64x16xf32>
    %logistic3A_58 = arith.divf %logistic3A_56, %logistic3A_57 : vector<64x16xf32>
    %mul3A = arith.mulf %logistic3A_50, %broadcast_in_dim3A_19 : vector<64x16xf32>
    %mul3A_59 = arith.mulf %logistic3A_43, %tanh3A : vector<64x16xf32>
    %add3A_60 = arith.addf %mul3A, %mul3A_59 : vector<64x16xf32>
    %tanh3A_61 = math.tanh %add3A_60 : vector<64x16xf32>
    %mul3A_62 = arith.mulf %logistic3A_58, %tanh3A_61 : vector<64x16xf32>
    %dot_general3A_63 = arith.constant dense<0.000000e+00> : vector<10000x16xf32>
    %dot_general3A_64 = tpu.matmul %convert_element_type3A_6, %mul3A_62, %dot_general3A_63 {dimension_numbers = #tpu.dot_dimension_numbers<[1], [0], [0], [1], [0, 0, 1, 1], [], []>, transpose_lhs_hint = false} : vector<10000x64xf32>, vector<64x16xf32>, vector<10000x16xf32> -> vector<10000x16xf32>
    %mul3A_65 = arith.mulf %get3A_1, %dot_general3A_64 : vector<10000x16xf32>
    %reduce_sum3A = arith.constant dense<0.000000e+00> : vector<10000xf32>
    %reduce_sum3A_66 = vector.multi_reduction <add>, %mul3A_65, %reduce_sum3A [1] : vector<10000x16xf32> to vector<10000xf32>
    %broadcast_in_dim3A_67 = vector.shape_cast %reduce_sum3A_66 : vector<10000xf32> to vector<10000x1xf32>
    %exp3A = math.exp %broadcast_in_dim3A_67 : vector<10000x1xf32>
    %mul3A_68 = vector.broadcast %exp3A : vector<10000x1xf32> to vector<10000x16xf32>
    %mul3A_69 = arith.mulf %mul3A_68, %get3A_1 : vector<10000x16xf32>
    %concatenate3A = tpu.concatenate %exp3A, %mul3A_69 in 1 : vector<10000x1xf32>, vector<10000x16xf32> -> vector<10000x17xf32>
    %dot_general3A_70 = arith.constant dense<0.000000e+00> : vector<64x17xf32>
    %dot_general3A_71 = tpu.matmul %convert_element_type3A_14, %concatenate3A, %dot_general3A_70 {dimension_numbers = #tpu.dot_dimension_numbers<[1], [0], [0], [1], [0, 0, 1, 1], [], []>, transpose_lhs_hint = false} : vector<64x10000xf32>, vector<10000x17xf32>, vector<64x17xf32> -> vector<64x17xf32>
    %slice3A_72 = vector.extract_strided_slice %dot_general3A_71 {offsets = [0, 0], sizes = [64, 1], strides = [1, 1]} : vector<64x17xf32> to vector<64x1xf32>
    %slice3A_73 = vector.extract_strided_slice %dot_general3A_71 {offsets = [0, 1], sizes = [64, 16], strides = [1, 1]} : vector<64x17xf32> to vector<64x16xf32>
    %add3A_74 = arith.constant 1.000000e-16 : f32
    %add3A_75 = vector.broadcast %add3A_74 : f32 to vector<64x1xf32>
    %add3A_76 = arith.addf %slice3A_72, %add3A_75 : vector<64x1xf32>
    %div3A = vector.broadcast %add3A_76 : vector<64x1xf32> to vector<64x16xf32>
    %div3A_77 = arith.divf %slice3A_73, %div3A : vector<64x16xf32>
    %concatenate3A_78 = tpu.concatenate %mul3A_62, %div3A_77 in 1 : vector<64x16xf32>, vector<64x16xf32> -> vector<64x32xf32>
    %get3A_79 = arith.constant 0 : index
    %get3A_80 = arith.constant 0 : index
    %get3A_81 = vector.load %arg3[%get3A_79, %get3A_80] : memref<32x64xf32, #tpu.memory_space<vmem>>, vector<32x64xf32>
    %dot_general3A_82 = arith.constant dense<0.000000e+00> : vector<64x64xf32>
    %dot_general3A_83 = tpu.matmul %concatenate3A_78, %get3A_81, %dot_general3A_82 {dimension_numbers = #tpu.dot_dimension_numbers<[1], [0], [0], [1], [0, 0, 1, 1], [], []>, transpose_lhs_hint = false} : vector<64x32xf32>, vector<32x64xf32>, vector<64x64xf32> -> vector<64x64xf32>
    %get3A_84 = arith.constant 0 : index
    %get3A_85 = arith.constant 0 : index
    %get3A_86 = vector.load %arg4[%get3A_84, %get3A_85] : memref<1x64xf32, #tpu.memory_space<vmem>>, vector<1x64xf32>
    %add3A_87 = vector.broadcast %get3A_86 : vector<1x64xf32> to vector<64x64xf32>
    %add3A_88 = arith.addf %dot_general3A_83, %add3A_87 : vector<64x64xf32>
    %get3A_89 = arith.constant 0 : index
    %get3A_90 = arith.constant 0 : index
    %get3A_91 = vector.load %arg5[%get3A_89, %get3A_90] : memref<16x64xf32, #tpu.memory_space<vmem>>, vector<16x64xf32>
    %dot_general3A_92 = arith.constant dense<0.000000e+00> : vector<64x64xf32>
    %dot_general3A_93 = tpu.matmul %mul3A_62, %get3A_91, %dot_general3A_92 {dimension_numbers = #tpu.dot_dimension_numbers<[1], [0], [0], [1], [0, 0, 1, 1], [], []>, transpose_lhs_hint = false} : vector<64x16xf32>, vector<16x64xf32>, vector<64x64xf32> -> vector<64x64xf32>
    %add3A_94 = arith.addf %add3A_88, %dot_general3A_93 : vector<64x64xf32>
    %get3A_95 = arith.constant 0 : index
    %get3A_96 = arith.constant 0 : index
    %get3A_97 = vector.load %arg6[%get3A_95, %get3A_96] : memref<1x64xf32, #tpu.memory_space<vmem>>, vector<1x64xf32>
    %add3A_98 = vector.broadcast %get3A_97 : vector<1x64xf32> to vector<64x64xf32>
    %add3A_99 = arith.addf %add3A_94, %add3A_98 : vector<64x64xf32>
    %slice3A_100 = vector.extract_strided_slice %add3A_99 {offsets = [0, 0], sizes = [64, 16], strides = [1, 1]} : vector<64x64xf32> to vector<64x16xf32>
    %logistic3A_101 = arith.negf %slice3A_100 : vector<64x16xf32>
    %logistic3A_102 = math.exp %logistic3A_101 : vector<64x16xf32>
    %logistic3A_103 = arith.constant 1.000000e+00 : f32
    %logistic3A_104 = vector.broadcast %logistic3A_103 : f32 to vector<64x16xf32>
    %logistic3A_105 = arith.addf %logistic3A_104, %logistic3A_102 : vector<64x16xf32>
    %logistic3A_106 = arith.divf %logistic3A_104, %logistic3A_105 : vector<64x16xf32>
    %slice3A_107 = vector.extract_strided_slice %add3A_99 {offsets = [0, 16], sizes = [64, 16], strides = [1, 1]} : vector<64x64xf32> to vector<64x16xf32>
    %logistic3A_108 = arith.negf %slice3A_107 : vector<64x16xf32>
    %logistic3A_109 = math.exp %logistic3A_108 : vector<64x16xf32>
    %logistic3A_110 = arith.constant 1.000000e+00 : f32
    %logistic3A_111 = vector.broadcast %logistic3A_110 : f32 to vector<64x16xf32>
    %logistic3A_112 = arith.addf %logistic3A_111, %logistic3A_109 : vector<64x16xf32>
    %logistic3A_113 = arith.divf %logistic3A_111, %logistic3A_112 : vector<64x16xf32>
    %slice3A_114 = vector.extract_strided_slice %add3A_99 {offsets = [0, 32], sizes = [64, 16], strides = [1, 1]} : vector<64x64xf32> to vector<64x16xf32>
    %tanh3A_115 = math.tanh %slice3A_114 : vector<64x16xf32>
    %slice3A_116 = vector.extract_strided_slice %add3A_99 {offsets = [0, 48], sizes = [64, 16], strides = [1, 1]} : vector<64x64xf32> to vector<64x16xf32>
    %logistic3A_117 = arith.negf %slice3A_116 : vector<64x16xf32>
    %logistic3A_118 = math.exp %logistic3A_117 : vector<64x16xf32>
    %logistic3A_119 = arith.constant 1.000000e+00 : f32
    %logistic3A_120 = vector.broadcast %logistic3A_119 : f32 to vector<64x16xf32>
    %logistic3A_121 = arith.addf %logistic3A_120, %logistic3A_118 : vector<64x16xf32>
    %logistic3A_122 = arith.divf %logistic3A_120, %logistic3A_121 : vector<64x16xf32>
    %mul3A_123 = arith.mulf %logistic3A_113, %add3A_60 : vector<64x16xf32>
    %mul3A_124 = arith.mulf %logistic3A_106, %tanh3A_115 : vector<64x16xf32>
    %add3A_125 = arith.addf %mul3A_123, %mul3A_124 : vector<64x16xf32>
    %tanh3A_126 = math.tanh %add3A_125 : vector<64x16xf32>
    %mul3A_127 = arith.mulf %logistic3A_122, %tanh3A_126 : vector<64x16xf32>
    %dot_general3A_128 = arith.constant dense<0.000000e+00> : vector<10000x16xf32>
    %dot_general3A_129 = tpu.matmul %convert_element_type3A_6, %mul3A_127, %dot_general3A_128 {dimension_numbers = #tpu.dot_dimension_numbers<[1], [0], [0], [1], [0, 0, 1, 1], [], []>, transpose_lhs_hint = false} : vector<10000x64xf32>, vector<64x16xf32>, vector<10000x16xf32> -> vector<10000x16xf32>
    %mul3A_130 = arith.mulf %get3A_1, %dot_general3A_129 : vector<10000x16xf32>
    %reduce_sum3A_131 = arith.constant dense<0.000000e+00> : vector<10000xf32>
    %reduce_sum3A_132 = vector.multi_reduction <add>, %mul3A_130, %reduce_sum3A_131 [1] : vector<10000x16xf32> to vector<10000xf32>
    %broadcast_in_dim3A_133 = vector.shape_cast %reduce_sum3A_132 : vector<10000xf32> to vector<10000x1xf32>
    %exp3A_134 = math.exp %broadcast_in_dim3A_133 : vector<10000x1xf32>
    %mul3A_135 = vector.broadcast %exp3A_134 : vector<10000x1xf32> to vector<10000x16xf32>
    %mul3A_136 = arith.mulf %mul3A_135, %get3A_1 : vector<10000x16xf32>
    %concatenate3A_137 = tpu.concatenate %exp3A_134, %mul3A_136 in 1 : vector<10000x1xf32>, vector<10000x16xf32> -> vector<10000x17xf32>
    %dot_general3A_138 = arith.constant dense<0.000000e+00> : vector<64x17xf32>
    %dot_general3A_139 = tpu.matmul %convert_element_type3A_14, %concatenate3A_137, %dot_general3A_138 {dimension_numbers = #tpu.dot_dimension_numbers<[1], [0], [0], [1], [0, 0, 1, 1], [], []>, transpose_lhs_hint = false} : vector<64x10000xf32>, vector<10000x17xf32>, vector<64x17xf32> -> vector<64x17xf32>
    %slice3A_140 = vector.extract_strided_slice %dot_general3A_139 {offsets = [0, 0], sizes = [64, 1], strides = [1, 1]} : vector<64x17xf32> to vector<64x1xf32>
    %slice3A_141 = vector.extract_strided_slice %dot_general3A_139 {offsets = [0, 1], sizes = [64, 16], strides = [1, 1]} : vector<64x17xf32> to vector<64x16xf32>
    %add3A_142 = arith.constant 1.000000e-16 : f32
    %add3A_143 = vector.broadcast %add3A_142 : f32 to vector<64x1xf32>
    %add3A_144 = arith.addf %slice3A_140, %add3A_143 : vector<64x1xf32>
    %div3A_145 = vector.broadcast %add3A_144 : vector<64x1xf32> to vector<64x16xf32>
    %div3A_146 = arith.divf %slice3A_141, %div3A_145 : vector<64x16xf32>
    %concatenate3A_147 = tpu.concatenate %mul3A_127, %div3A_146 in 1 : vector<64x16xf32>, vector<64x16xf32> -> vector<64x32xf32>
    %get3A_148 = arith.constant 0 : index
    %get3A_149 = arith.constant 0 : index
    %get3A_150 = vector.load %arg3[%get3A_148, %get3A_149] : memref<32x64xf32, #tpu.memory_space<vmem>>, vector<32x64xf32>
    %dot_general3A_151 = arith.constant dense<0.000000e+00> : vector<64x64xf32>
    %dot_general3A_152 = tpu.matmul %concatenate3A_147, %get3A_150, %dot_general3A_151 {dimension_numbers = #tpu.dot_dimension_numbers<[1], [0], [0], [1], [0, 0, 1, 1], [], []>, transpose_lhs_hint = false} : vector<64x32xf32>, vector<32x64xf32>, vector<64x64xf32> -> vector<64x64xf32>
    %get3A_153 = arith.constant 0 : index
    %get3A_154 = arith.constant 0 : index
    %get3A_155 = vector.load %arg4[%get3A_153, %get3A_154] : memref<1x64xf32, #tpu.memory_space<vmem>>, vector<1x64xf32>
    %add3A_156 = vector.broadcast %get3A_155 : vector<1x64xf32> to vector<64x64xf32>
    %add3A_157 = arith.addf %dot_general3A_152, %add3A_156 : vector<64x64xf32>
    %get3A_158 = arith.constant 0 : index
    %get3A_159 = arith.constant 0 : index
    %get3A_160 = vector.load %arg5[%get3A_158, %get3A_159] : memref<16x64xf32, #tpu.memory_space<vmem>>, vector<16x64xf32>
    %dot_general3A_161 = arith.constant dense<0.000000e+00> : vector<64x64xf32>
    %dot_general3A_162 = tpu.matmul %mul3A_127, %get3A_160, %dot_general3A_161 {dimension_numbers = #tpu.dot_dimension_numbers<[1], [0], [0], [1], [0, 0, 1, 1], [], []>, transpose_lhs_hint = false} : vector<64x16xf32>, vector<16x64xf32>, vector<64x64xf32> -> vector<64x64xf32>
    %add3A_163 = arith.addf %add3A_157, %dot_general3A_162 : vector<64x64xf32>
    %get3A_164 = arith.constant 0 : index
    %get3A_165 = arith.constant 0 : index
    %get3A_166 = vector.load %arg6[%get3A_164, %get3A_165] : memref<1x64xf32, #tpu.memory_space<vmem>>, vector<1x64xf32>
    %add3A_167 = vector.broadcast %get3A_166 : vector<1x64xf32> to vector<64x64xf32>
    %add3A_168 = arith.addf %add3A_163, %add3A_167 : vector<64x64xf32>
    %slice3A_169 = vector.extract_strided_slice %add3A_168 {offsets = [0, 0], sizes = [64, 16], strides = [1, 1]} : vector<64x64xf32> to vector<64x16xf32>
    %logistic3A_170 = arith.negf %slice3A_169 : vector<64x16xf32>
    %logistic3A_171 = math.exp %logistic3A_170 : vector<64x16xf32>
    %logistic3A_172 = arith.constant 1.000000e+00 : f32
    %logistic3A_173 = vector.broadcast %logistic3A_172 : f32 to vector<64x16xf32>
    %logistic3A_174 = arith.addf %logistic3A_173, %logistic3A_171 : vector<64x16xf32>
    %logistic3A_175 = arith.divf %logistic3A_173, %logistic3A_174 : vector<64x16xf32>
    %slice3A_176 = vector.extract_strided_slice %add3A_168 {offsets = [0, 16], sizes = [64, 16], strides = [1, 1]} : vector<64x64xf32> to vector<64x16xf32>
    %logistic3A_177 = arith.negf %slice3A_176 : vector<64x16xf32>
    %logistic3A_178 = math.exp %logistic3A_177 : vector<64x16xf32>
    %logistic3A_179 = arith.constant 1.000000e+00 : f32
    %logistic3A_180 = vector.broadcast %logistic3A_179 : f32 to vector<64x16xf32>
    %logistic3A_181 = arith.addf %logistic3A_180, %logistic3A_178 : vector<64x16xf32>
    %logistic3A_182 = arith.divf %logistic3A_180, %logistic3A_181 : vector<64x16xf32>
    %slice3A_183 = vector.extract_strided_slice %add3A_168 {offsets = [0, 32], sizes = [64, 16], strides = [1, 1]} : vector<64x64xf32> to vector<64x16xf32>
    %tanh3A_184 = math.tanh %slice3A_183 : vector<64x16xf32>
    %slice3A_185 = vector.extract_strided_slice %add3A_168 {offsets = [0, 48], sizes = [64, 16], strides = [1, 1]} : vector<64x64xf32> to vector<64x16xf32>
    %logistic3A_186 = arith.negf %slice3A_185 : vector<64x16xf32>
    %logistic3A_187 = math.exp %logistic3A_186 : vector<64x16xf32>
    %logistic3A_188 = arith.constant 1.000000e+00 : f32
    %logistic3A_189 = vector.broadcast %logistic3A_188 : f32 to vector<64x16xf32>
    %logistic3A_190 = arith.addf %logistic3A_189, %logistic3A_187 : vector<64x16xf32>
    %logistic3A_191 = arith.divf %logistic3A_189, %logistic3A_190 : vector<64x16xf32>
    %mul3A_192 = arith.mulf %logistic3A_182, %add3A_125 : vector<64x16xf32>
    %mul3A_193 = arith.mulf %logistic3A_175, %tanh3A_184 : vector<64x16xf32>
    %add3A_194 = arith.addf %mul3A_192, %mul3A_193 : vector<64x16xf32>
    %tanh3A_195 = math.tanh %add3A_194 : vector<64x16xf32>
    %mul3A_196 = arith.mulf %logistic3A_191, %tanh3A_195 : vector<64x16xf32>
    %dot_general3A_197 = arith.constant dense<0.000000e+00> : vector<10000x16xf32>
    %dot_general3A_198 = tpu.matmul %convert_element_type3A_6, %mul3A_196, %dot_general3A_197 {dimension_numbers = #tpu.dot_dimension_numbers<[1], [0], [0], [1], [0, 0, 1, 1], [], []>, transpose_lhs_hint = false} : vector<10000x64xf32>, vector<64x16xf32>, vector<10000x16xf32> -> vector<10000x16xf32>
    %mul3A_199 = arith.mulf %get3A_1, %dot_general3A_198 : vector<10000x16xf32>
    %reduce_sum3A_200 = arith.constant dense<0.000000e+00> : vector<10000xf32>
    %reduce_sum3A_201 = vector.multi_reduction <add>, %mul3A_199, %reduce_sum3A_200 [1] : vector<10000x16xf32> to vector<10000xf32>
    %broadcast_in_dim3A_202 = vector.shape_cast %reduce_sum3A_201 : vector<10000xf32> to vector<10000x1xf32>
    %exp3A_203 = math.exp %broadcast_in_dim3A_202 : vector<10000x1xf32>
    %mul3A_204 = vector.broadcast %exp3A_203 : vector<10000x1xf32> to vector<10000x16xf32>
    %mul3A_205 = arith.mulf %mul3A_204, %get3A_1 : vector<10000x16xf32>
    %concatenate3A_206 = tpu.concatenate %exp3A_203, %mul3A_205 in 1 : vector<10000x1xf32>, vector<10000x16xf32> -> vector<10000x17xf32>
    %dot_general3A_207 = arith.constant dense<0.000000e+00> : vector<64x17xf32>
    %dot_general3A_208 = tpu.matmul %convert_element_type3A_14, %concatenate3A_206, %dot_general3A_207 {dimension_numbers = #tpu.dot_dimension_numbers<[1], [0], [0], [1], [0, 0, 1, 1], [], []>, transpose_lhs_hint = false} : vector<64x10000xf32>, vector<10000x17xf32>, vector<64x17xf32> -> vector<64x17xf32>
    %slice3A_209 = vector.extract_strided_slice %dot_general3A_208 {offsets = [0, 0], sizes = [64, 1], strides = [1, 1]} : vector<64x17xf32> to vector<64x1xf32>
    %slice3A_210 = vector.extract_strided_slice %dot_general3A_208 {offsets = [0, 1], sizes = [64, 16], strides = [1, 1]} : vector<64x17xf32> to vector<64x16xf32>
    %add3A_211 = arith.constant 1.000000e-16 : f32
    %add3A_212 = vector.broadcast %add3A_211 : f32 to vector<64x1xf32>
    %add3A_213 = arith.addf %slice3A_209, %add3A_212 : vector<64x1xf32>
    %div3A_214 = vector.broadcast %add3A_213 : vector<64x1xf32> to vector<64x16xf32>
    %div3A_215 = arith.divf %slice3A_210, %div3A_214 : vector<64x16xf32>
    %concatenate3A_216 = tpu.concatenate %mul3A_196, %div3A_215 in 1 : vector<64x16xf32>, vector<64x16xf32> -> vector<64x32xf32>
    %get3A_217 = arith.constant 0 : index
    %get3A_218 = arith.constant 0 : index
    %get3A_219 = vector.load %arg7[%get3A_217, %get3A_218] : memref<32x128xf32, #tpu.memory_space<vmem>>, vector<32x128xf32>
    %dot_general3A_220 = arith.constant dense<0.000000e+00> : vector<64x128xf32>
    %dot_general3A_221 = tpu.matmul %concatenate3A_216, %get3A_219, %dot_general3A_220 {dimension_numbers = #tpu.dot_dimension_numbers<[1], [0], [0], [1], [0, 0, 1, 1], [], []>, transpose_lhs_hint = false} : vector<64x32xf32>, vector<32x128xf32>, vector<64x128xf32> -> vector<64x128xf32>
    %get3A_222 = arith.constant 0 : index
    %get3A_223 = arith.constant 0 : index
    %get3A_224 = vector.load %arg8[%get3A_222, %get3A_223] : memref<1x128xf32, #tpu.memory_space<vmem>>, vector<1x128xf32>
    %add3A_225 = vector.broadcast %get3A_224 : vector<1x128xf32> to vector<64x128xf32>
    %add3A_226 = arith.addf %dot_general3A_221, %add3A_225 : vector<64x128xf32>
    %max3A = arith.constant 0.000000e+00 : f32
    %max3A_227 = vector.broadcast %max3A : f32 to vector<64x128xf32>
    %max3A_228 = arith.maximumf %add3A_226, %max3A_227 : vector<64x128xf32>
    %get3A_229 = arith.constant 0 : index
    %get3A_230 = arith.constant 0 : index
    %get3A_231 = vector.load %arg9[%get3A_229, %get3A_230] : memref<128x1xf32, #tpu.memory_space<vmem>>, vector<128x1xf32>
    %dot_general3A_232 = arith.constant dense<0.000000e+00> : vector<64x1xf32>
    %dot_general3A_233 = tpu.matmul %max3A_228, %get3A_231, %dot_general3A_232 {dimension_numbers = #tpu.dot_dimension_numbers<[1], [0], [0], [1], [0, 0, 1, 1], [], []>, transpose_lhs_hint = false} : vector<64x128xf32>, vector<128x1xf32>, vector<64x1xf32> -> vector<64x1xf32>
    %get3A_234 = arith.constant 0 : index
    %get3A_235 = arith.constant 0 : index
    %get3A_236 = vector.load %arg10[%get3A_234, %get3A_235] : memref<1x1xf32, #tpu.memory_space<vmem>>, vector<1x1xf32>
    %add3A_237 = vector.broadcast %get3A_236 : vector<1x1xf32> to vector<64x1xf32>
    %add3A_238 = arith.addf %dot_general3A_233, %add3A_237 : vector<64x1xf32>
    %swap3A = arith.constant 0 : index
    %swap3A_239 = arith.constant 0 : index
    %swap3A_240 = vector.load %arg11[%swap3A, %swap3A_239] : memref<64x1xf32, #tpu.memory_space<vmem>>, vector<64x1xf32>
    tpu.vector_store %arg11[%swap3A, %swap3A_239], %add3A_238 {strides = array<i32>} : memref<64x1xf32, #tpu.memory_space<vmem>>, vector<64x1xf32>,
    return
  }
}

</mosaic_0001>

<sc_bundles>
// kernel: kernel.17.cloned.1.call-start
scs
__scs_entry_jumppad:
0x0: {  	(pc) =	sbr.rel $0x88, $3  }
0x1: {  	(tag) =	ssettag $0x0;
	lr =	simm.s32 $0x1  }
0x2: {  	[smem:$0x3F89] =	sst lr;
	_ =	strace $0xD0000000  }
0x3: {  	_ = 	snop  }
0x4: {  	_ = 	snop  }
0x5: {  	_ = 	snop  }
0x6: {  	_ = 	snop  }
0x7: {  	_ = 	snop  }
__scs_overlays_trampoline_lowered:
0x8: {  	[smem:$0x3F98] =	sst s0  }
0x9: {  	[smem:$0x3F99] =	sst s1  }
0xa: {  	[smem:$0x3F9A] =	sst s2  }
0xb: {  	[smem:$0x3F9B] =	sst s3  }
0xc: {  	[smem:$0x3F9C] =	sst s4  }
0xd: {  	[smem:$0x3F9D] =	sst s5  }
0xe: {  	[smem:$0x3F9E] =	sst s6  }
0xf: {  	[smem:$0x3F9F] =	sst s7  }
0x10: {  	[smem:$0x3FA0] =	sst s8  }
0x11: {  	[smem:$0x3FA1] =	sst s9;
	s0 =	simm.s32 @!p0 $0x0  }
0x12: {  	s1 =	sld [smem:$0x3F87];
	s0 =	simm.s32 @p0 $0x1  }
0x13: {  	[smem:$0x3FA2] =	sst s0;
	s0 =	simm.s32 @!p1 $0x0  }
0x14: {  	s2 =	sld [smem:$0x3F86];
	s0 =	simm.s32 @p1 $0x1  }
0x15: {  	[smem:$0x3FA3] =	sst s0;
	s0 =	simm.s32 @!p2 $0x0  }
0x16: {  	s3 =	sld [smem:$0x3FDB];
	s0 =	simm.s32 @p2 $0x1  }
0x17: {  	s4 =	simm.s32 $0x1BF5;
	[smem:$0x3FA5] =	sst s0  }
0x18: {  	s0 =	sld [smem:$0x3F88];
	_ =	swait.ge [sflag:s4], $0x0  }
0x19: {  	s7 =	sld [smem:$0x3F89]  }
0x1a: {  	s8 =	sadd.s32 $0xFFFFE003, lr  }
0x1b: {  	s9 =	sadd.s32 $0xFFFFFEF7, lr;
	s5 =	simm.s32 $0xFFFFFFFF;
	p2 =	slt.u32 s8, $0xFFFFF086  }
0x1c: {  	p1 =	slt.u32 s9, $0xF7A;
	s5 =	simm.s32 @!p2 $0x0  }
0x1d: {  	s5 =	simm.s32 @p1 $0x1;
	p0 =	seq.s32 s7, s2  }
0x1e: {  	s7 =	smul.u32 @!p0 $0xF7A, s2;
	p2 =	seq.s32 @!p0 s5, $0x0  }
0x1f: {  	s9 =	smul.u32 $0xF7A, s1;
	s8 =	simm.s32 @!p0 $0x1BF5;
	p2 =	por !p2, p0  }
0x20: {  	[sflag:s8] =	ssyncset.s32 @!p0 $0xFFFFF086;
	s6 =	sadd.s32 @!p0 s3, s7;
	s7 =	simm.s32 @!p0 $0x108  }
0x21: {  	s3 =	sadd.s32 s3, s9;
	s6 =	sadd.s32 @!p0 $0x88, s6;
	s7 =	simm.s32 @p2 $0x1082  }
0x22: {  	[simem:s7], [sflag:s8] =	dma.local @!p0 [hbm:s6], $0xF7A  }
0x23: {  	s9 =	sor.u32 $0xD0000000, s2;
	s6 =	simm.s32 $0x108;
	_ =	swait.ge @!p0 [sflag:s8], $0x0  }
0x24: {  	s3 =	sadd.s32 $0x88, s3;
	s6 =	simm.s32 @!p1 $0x1082;
	[sflag:s4] =	ssyncset.s32 $0xFFFFF086  }
0x25: {  	[simem:s6], [sflag:s4] =	dma.local [hbm:s3], $0xF7A  }
0x26: {  	[smem:$0x3F89] =	sst s1;
	(tag) =	ssettag s2;
	_ =	strace s9  }
0x27: {  	s1 =	sld [smem:$0x3F99]  }
0x28: {  	s2 =	sld [smem:$0x3F9A]  }
0x29: {  	s4 =	sld [smem:$0x3F9C]  }
0x2a: {  	p0 =	seq.s32 s5, $0x0;
	s5 =	sld [smem:$0x3F9D]  }
0x2b: {  	s6 =	sld [smem:$0x3F9E]  }
0x2c: {  	s7 =	sld [smem:$0x3F9F]  }
0x2d: {  	s3 =	simm.s32 $0x108;
	s8 =	sld [smem:$0x3FA0]  }
0x2e: {  	s3 =	simm.s32 @!p0 $0x1082;
	s9 =	sld [smem:$0x3FA1]  }
0x2f: {  	lr =	sadd.s32 s0, s3;
	s0 =	sld [smem:$0x3F98]  }
0x30: {  	s3 =	sld [smem:$0x3F9B]  }
0x31: {  	[smem:$0x3FA4] =	sst s10  }
0x32: {  	s10 =	sld [smem:$0x3FA2];
	_ =	sdelay $0x3  }
0x33: {  	p0 =	seq.s32 s10, $0x1;
	s10 =	sld [smem:$0x3FA4];
	_ =	sdelay $0x3  }
0x34: {  	[smem:$0x3FA4] =	sst s10  }
0x35: {  	s10 =	sld [smem:$0x3FA3];
	_ =	sdelay $0x3  }
0x36: {  	p1 =	seq.s32 s10, $0x1;
	s10 =	sld [smem:$0x3FA4];
	_ =	sdelay $0x3  }
0x37: {  	[smem:$0x3FA4] =	sst s10  }
0x38: {  	s10 =	sld [smem:$0x3FA5]  }
0x39: {  	_ = 	snop;
	(pc) =	sbr.ind lr, $3  }
0x3a: {  	_ = 	snop  }
0x3b: {  	_ = 	snop  }
0x3c: {  	p2 =	seq.s32 s10, $0x1;
	s10 =	sld [smem:$0x3FA4]  }
0x3d: {  	_ =	shalt  }
0x3e: {  	_ =	shalt  }
0x3f: {  	_ =	shalt  }
0x40: {  	_ =	shalt  }
0x41: {  	_ =	shalt  }
0x42: {  	_ =	shalt  }
0x43: {  	_ =	shalt  }
0x44: {  	_ =	shalt  }
0x45: {  	_ =	shalt  }
0x46: {  	_ =	shalt  }
0x47: {  	_ =	shalt  }
0x48: {  	_ =	shalt  }
0x49: {  	_ =	shalt  }
0x4a: {  	_ =	shalt  }
0x4b: {  	_ =	shalt  }
0x4c: {  	_ =	shalt  }
0x4d: {  	_ =	shalt  }
0x4e: {  	_ =	shalt  }
0x4f: {  	_ =	shalt  }
0x50: {  	_ =	shalt  }
0x51: {  	_ =	shalt  }
0x52: {  	_ =	shalt  }
0x53: {  	_ =	shalt  }
0x54: {  	_ =	shalt  }
0x55: {  	_ =	shalt  }
0x56: {  	_ =	shalt  }
0x57: {  	_ =	shalt  }
0x58: {  	_ =	shalt  }
0x59: {  	_ =	shalt  }
0x5a: {  	_ =	shalt  }
0x5b: {  	_ =	shalt  }
0x5c: {  	_ =	shalt  }
0x5d: {  	_ =	shalt  }
0x5e: {  	_ =	shalt  }
0x5f: {  	_ =	shalt  }
0x60: {  	_ =	shalt  }
0x61: {  	_ =	shalt  }
0x62: {  	_ =	shalt  }
0x63: {  	_ =	shalt  }
0x64: {  	_ =	shalt  }
0x65: {  	_ =	shalt  }
0x66: {  	_ =	shalt  }
0x67: {  	_ =	shalt  }
0x68: {  	_ =	shalt  }
0x69: {  	_ =	shalt  }
0x6a: {  	_ =	shalt  }
0x6b: {  	_ =	shalt  }
0x6c: {  	_ =	shalt  }
0x6d: {  	_ =	shalt  }
0x6e: {  	_ =	shalt  }
0x6f: {  	_ =	shalt  }
0x70: {  	_ =	shalt  }
0x71: {  	_ =	shalt  }
0x72: {  	_ =	shalt  }
0x73: {  	_ =	shalt  }
0x74: {  	_ =	shalt  }
0x75: {  	_ =	shalt  }
0x76: {  	_ =	shalt  }
0x77: {  	_ =	shalt  }
0x78: {  	_ =	shalt  }
0x79: {  	_ =	shalt  }
0x7a: {  	_ =	shalt  }
0x7b: {  	_ =	shalt  }
0x7c: {  	_ =	shalt  }
0x7d: {  	_ =	shalt  }
0x7e: {  	_ =	shalt  }
0x7f: {  	_ =	shalt  }
0x80: {  	_ =	shalt  }
0x81: {  	_ =	shalt  }
0x82: {  	_ =	shalt  }
0x83: {  	_ =	shalt  }
0x84: {  	_ =	shalt  }
0x85: {  	_ =	shalt  }
0x86: {  	_ =	shalt  }
0x87: {  	_ =	shalt  }
.Lfunc_end0:
.L_simem_size_0:
called_computation_lowered:
.L_overlay_start_0:
0x88: {  	s2 =	sld [smem:$0x3FD9]  }
0x89: {  	s3 =	sld [smem:$0x3FFE];
	_ =	sdelay $0x1  }
0x8a: {  	s1 =	srdreg.scid  }
0x8b: {  	s0 =	sand.u32 $0x1, s1  }
0x8c: {  	s16 =	sshll.u32 s0, $0xA;
	s2 =	sadd.s32 s3, s2  }
0x8d: {  	s2 =	sadd.s32 s2, s16  }
0x8e: {  	[smem:$0x3FB0] =	sst s2  }
0x8f: {  	_ = 	snop  }
0x90: {  	(tm) =	ssettm $0x1  }
0x91: {  	s17 =	sld [smem:$0x3FFB];
	_ =	sdelay $0x3  }
0x92: {  	_ =	strace s17  }
0x93: {  	s2 =	sld [smem:$0x3FFC];
	_ =	sdelay $0x3  }
0x94: {  	_ =	strace s2  }
0x95: {  	s2 =	sld [smem:$0x3FFD];
	_ =	sdelay $0x3  }
0x96: {  	_ =	strace s2  }
0x97: {  	_ =	strace $0x8FFFFFFF  }
0x98: {  	s18 =	sld [smem:$0x3FDB];
	_ =	sdelay $0x1  }
0x99: {  	s19 =	simm.s32 $_scs_section_size  }
0x9a: {  	s4 =	simm.s32 $_size__tile_overlayer_lowered;
	s5 =	simm.s32 $_tile_overlayer_lowered  }
0x9b: {  	s22 =	simm.s32 $0x1BFF;
	s21 =	sshll.u32 s5, $0x1;
	s2 =	sadd.s32 s19, s18  }
0x9c: {  	s6 =	simm.s32 $0x0;
	s20 =	sshll.u32 s4, $0x1;
	s4 =	sadd.s32 s21, s2  }
0x9d: {  	[timem:s6], [sflag:s22] =	dma.local [hbm:s4], s20  }
0x9e: {  	_ =	swait.ge [sflag:s22], s20  }
0x9f: {  	s3 =	ssub.s32 $0x0, s20;
	[sflag:s22] =	ssyncset.done $0x0  }
0xa0: {  	[sflag:s22] =	ssyncadd.s32 s3;
	_ =	sdelay $0x1  }
0xa1: {  	s23 =	simm.s32 $0x1B8B  }
0xa2: {  	_ =	swait.ge [sflag:s23], $0x1  }
0xa3: {  	[sflag:s23] =	ssyncset.done $0x0  }
0xa4: {  	s25 =	simm.s32 $0x1B8E;
	s24 =	sld [smem:$0x3FFE];
	[sflag:s23] =	ssyncadd.s32 $0xFFFFFFFF  }
0xa5: {  	s26 =	simm.s32 $execute0_lowered;
	[smem:$0x3FD2] =	sst s25  }
0xa6: {  	s4 =	sshll.u32 s26, $0x1;
	_ =	strace $0x80000046;
	[dreg:$0x1] =	wrdreg $0xFFFFFFFF  }
0xa7: {  	s28 =	simm.s32 $_size_execute0_lowered;
	s2 =	sadd.s32 s2, s4;
	[dreg:$0x0] =	wrdreg $0x0  }
0xa8: {  	s4 =	sshll.u32 s28, $0x1;
	[dreg:$0x2] =	wrdreg s2  }
0xa9: {  	[dreg:$0x3] =	wrdreg s4  }
0xaa: {  	[dreg:$0x4] =	wrdreg $0xC0  }
0xab: {  	_ =	task [dreg:s6], $0x5FFFF  }
0xac: {  	[dreg:$0x1] =	wrdreg $0xFFFFFFFF  }
0xad: {  	[dreg:$0x0] =	wrdreg $0x60  }
0xae: {  	[dreg:$0x2] =	wrdreg s24  }
0xaf: {  	[dreg:$0x3] =	wrdreg $0x154000  }
0xb0: {  	[dreg:$0x4] =	wrdreg $0x9  }
0xb1: {  	_ =	task.clear_ibuf [dreg:s6], $0x5FFFF;
	_ =	strace $0x90000046  }
0xb2: {  	s29 =	simm.s32 $0x9;
	_ =	strace $0x80000048  }
0xb3: {  	_ =	swait.ge [sflag:s29], $0x1  }
0xb4: {  	[sflag:s29] =	ssyncadd.s32 $0xFFFFFFFF  }
0xb5: {  	_ =	strace $0x90000048  }
0xb6: {  	_ =	sfence  }
0xb7: {  	s30 =	sld [smem:$0x0];
	_ =	sdelay $0x2  }
0xb8: {  	s31 =	sshll.u32 s1, $0xD;
	s1 =	sshrl.u32 s1, $0x2  }
0xb9: {  	s3 =	sand.u32 $0x4000, s31;
	s1 =	sadd.s32 s1, s30  }
0xba: {  	s0 =	sor.u32 s3, s0;
	s1 =	sshll.u32 s1, $0x11  }
0xbb: {  	s0 =	sor.u32 s1, s0  }
0xbc: {  	s0 =	sadd.s32 $0x8F2B, s0  }
0xbd: {  	[sflag:s0] =	ssyncadd.remote.s32 $0x1  }
0xbe: {  	_ =	sfence.sel $0xFFFF  }
0xbf: {  	[dreg:$0x0] =	wrdreg $0xFFFFFFFF;
	(pc) =	sbr.abs _section_cstart, $3  }
0xc0: {  	[dreg:$0x1] =	wrdreg $0xFFFFFFFF  }
0xc1: {  	_ =	task.clear_ibuf [dreg:s6], $0x2FFFF;
	_ =	strace $0x9FFFFFFF  }
0xc2: {  	(tm) =	ssettm $0x7FFFFFFF  }
0xc3: {  	_ =	shalt  }
tec
execute0_lowered:
.L_overlay_start_1:
0x0: {  	(tag) =	ssettag $0x1  }
0x1: {  	s1 =	srdreg.scid;
	s6 =	rddreg [dreg:$0x0]  }
0x2: {  	s0 =	stileid.u32;
	s2 =	rddreg [dreg:$0x1];
	s3 =	simm.s32 $0x0  }
0x3: {  	s13 =	simm.s32 $0x0;
	s4 =	sand.u32 $0x1, s1;
	s1 =	rddreg [dreg:$0x2]  }
0x4: {  	s26 =	sshll.u32 s0, $0x1;
	s8 =	smul.u32 $0x2800, s0;
	[smem:$0x7FF] =	sst s3  }
0x5: {  	s31 =	sshll.u32 s0, $0x6;
	s5 =	sor.u32 s4, s26;
	s9 =	smul.u32 $0x28000, s4  }
0x6: {  	_ =	strace $0x80000047;
	s29 =	ssub.s32 $0x2, s4;
	s7 =	smul.u32 $0x2800, s5  }
0x7: {  	s4 =	sadd.s32 $0xF200, s6;
	s5 =	smul.u32 $0x280, s5;
	s30 =	sshrl.u32 s29, $0x1  }
0x8: {  	s12 =	sadd.s32 s8, s2;
	s9 =	sadd.s32 s8, s9;
	s7 =	sadd.s32 s7, s6  }
0x9: {  	s10 =	sadd.s32 s5, s6;
	s28 =	sshrl.u32 s9, $0x3;
	s9 =	ssub.s32 s29, s30  }
0xa: {  	s5 =	sor.u32 $0x1C01, s31;
	s11 =	sadd.s32 s28, s6;
	s6 =	sadd.s32 $0xA200, s10  }
0xb: {  	s7 =	sadd.s32 $0x28A200, s7;
	s9 =	smax.u32 s9, $0x1;
	s10 =	sshrl.u32 s12, $0x3  }
0xc: {  	s12 =	simm.s32 $0x80;
	s8 =	sadd.s32 $0xF800, s11;
	s11 =	simm.s32 $0x1  }
.LBB2_1:
0xd: {  	[spmem:s10], [sflag:s5] =	dma.local [hbm:s4], $0x500  }
0xe: {  	_ =	swait.ge [sflag:s11], $0x500  }
0xf: {  	[sflag:s11] =	ssyncset.done $0x0  }
0x10: {  	[sflag:s11] =	ssyncadd.s32 $0xFFFFFB00  }
0x11: {  	[tilespmem:s3], [sflag:$0x1] =	stream.linear.gather [hbm4b:s6+s3], $0x1400, $0x38;
	[tilespmem:$0x17C00] =	vst v63  }
0x12: {  	_ =	swait.ge [sflag:s11], $0x1400  }
0x13: {  	[sflag:s11] =	ssyncset.done $0x0  }
0x14: {  	s14 =	simm.s32 $0x1400;
	[sflag:s11] =	ssyncadd.s32 $0xFFFFEC00  }
0x15: {  	[tilespmem:s14], [sflag:$0x1] =	stream.linear.gather [hbm4b:s7+s3], $0x14000, $0x38;
	[tilespmem:$0x17C00] =	vst v63  }
0x16: {  	_ =	swait.ge [sflag:s11], $0x14000  }
0x17: {  	[sflag:s11] =	ssyncset.done $0x0  }
0x18: {  	[sflag:s11] =	ssyncadd.s32 $0xFFFEC000  }
0x19: {  	s15 =	simm.s32 $0x0;
	[bflag:$0x0] =	sbarrier.arrive $0xFFFF  }
0x1a: {  	[spmem:s2] =	stream.indirect.scatter.add.f32 [tilespmem:s14], [sflag:$0x1], $0x10, s15, s12, $0xb8;
	[tilespmem:$0x17C00] =	vst v63  }
0x1b: {  	_ =	swait.ge [sflag:s11], $0x800  }
0x1c: {  	s15 =	simm.s32 $0x200;
	[sflag:s11] =	ssyncset.done $0x0  }
.LBB2_2:
0x1d: {  	s16 =	sshra.s32 s15, $0x2  }
0x1e: {  	[sflag:s11] =	ssyncadd.s32 $0xFFFFF800;
	s14 =	sadd.s32 $0x800, s14;
	p0 =	sne.s32 s15, $0x4E00  }
0x1f: {  	[spmem:s2] =	stream.indirect.scatter.add.f32 [tilespmem:s14], [sflag:$0x1], $0x10, s16, s12, $0xb8;
	[tilespmem:$0x17C00] =	vst v63  }
.Ltmp0:
0x20: {  	_ = 	snop;
	(pc) =	sbr.rel @p0 .LBB2_2-.Ltmp0, $4  }
0x21: {  	_ = 	snop  }
0x22: {  	s15 =	sadd.s32 $0x200, s15  }
0x23: {  	_ =	swait.ge [sflag:s11], $0x800  }
0x24: {  	[sflag:s11] =	ssyncset.done $0x0  }
0x25: {  	s13 =	sadd.s32 $0x1, s13  }
0x26: {  	[sflag:s11] =	ssyncadd.s32 $0xFFFFF800;
	p0 =	sne.s32 s13, s9  }
.Ltmp1:
0x27: {  	[bflag:$0x0] =	sbarrier.arrive $0xFFFF;
	(pc) =	sbr.rel @p0 .LBB2_1-.Ltmp1, $4  }
0x28: {  	[hbm:s8], [sflag:s5] =	dma.local [spmem:s10], $0x500  }
0x29: {  	_ =	swait.ge [sflag:s11], $0x500  }
0x2a: {  	[sflag:s11] =	ssyncset.done $0x0  }
0x2b: {  	[sflag:s11] =	ssyncadd.s32 $0xFFFFFB00  }
0x2c: {  	_ =	sfence.sel $0x180000  }
0x2d: {  	[bflag:$0x0] =	sbarrier.arrive $0xFFFF  }
0x2e: {  	p0 =	sne.s32 s0, $0x0;
	_ =	strace $0x90000047  }
0x2f: {  	s0 =	sadd.s32 @!p0 $0x100000, s1;
	[bflag:$0x2] =	sbarrier.arrive $0xFFFF  }
0x30: {  	[sflag:s0] =	ssyncadd.tile.s32 @!p0 $0x1;
	_ =	shalt  }
.Lfunc_end2:
_tile_overlayer_lowered:
.L_overlay_start_2:
0x31: {  	(tag) =	ssettag $0x2  }
0x32: {  	s0 =	rddreg [dreg:$0x0];
	s2 =	stileid.u32  }
0x33: {  	s1 =	rddreg [dreg:$0x1];
	p0 =	sne.s32 s2, $0x0  }
0x34: {  	s3 =	rddreg [dreg:$0x2];
	[bflag:$0x3] =	sbarrier.arrive $0xFFFF;
	s2 =	simm.s32 @!p0 $0x1C01  }
0x35: {  	[timem:s3], [sflag:s2] =	dma.local @!p0 [hbm:s0], s1  }
0x36: {  	s0 =	simm.s32 @!p0 $0x1  }
0x37: {  	_ =	swait.ge @!p0 [sflag:s0], s1  }
0x38: {  	s1 =	ssub.s32 @!p0 $0x0, s1;
	[sflag:s0] =	ssyncset.done @!p0 $0x0  }
0x39: {  	[sflag:s0] =	ssyncadd.s32 @!p0 s1  }
0x3a: {  	[bflag:$0x3] =	sbarrier.arrive $0xFFFF  }
0x3b: {  	_ =	shalt  }

// kernel: kernel.20.cloned.1.call-start
scs
__scs_entry_jumppad:
0x0: {  	(pc) =	sbr.rel $0x88, $3  }
0x1: {  	(tag) =	ssettag $0x0;
	lr =	simm.s32 $0x1  }
0x2: {  	[smem:$0x3F89] =	sst lr;
	_ =	strace $0xD0000000  }
0x3: {  	_ = 	snop  }
0x4: {  	_ = 	snop  }
0x5: {  	_ = 	snop  }
0x6: {  	_ = 	snop  }
0x7: {  	_ = 	snop  }
__scs_overlays_trampoline_lowered:
0x8: {  	[smem:$0x3F98] =	sst s0  }
0x9: {  	[smem:$0x3F99] =	sst s1  }
0xa: {  	[smem:$0x3F9A] =	sst s2  }
0xb: {  	[smem:$0x3F9B] =	sst s3  }
0xc: {  	[smem:$0x3F9C] =	sst s4  }
0xd: {  	[smem:$0x3F9D] =	sst s5  }
0xe: {  	[smem:$0x3F9E] =	sst s6  }
0xf: {  	[smem:$0x3F9F] =	sst s7  }
0x10: {  	[smem:$0x3FA0] =	sst s8  }
0x11: {  	[smem:$0x3FA1] =	sst s9;
	s0 =	simm.s32 @!p0 $0x0  }
0x12: {  	s1 =	sld [smem:$0x3F87];
	s0 =	simm.s32 @p0 $0x1  }
0x13: {  	[smem:$0x3FA2] =	sst s0;
	s0 =	simm.s32 @!p1 $0x0  }
0x14: {  	s2 =	sld [smem:$0x3F86];
	s0 =	simm.s32 @p1 $0x1  }
0x15: {  	[smem:$0x3FA3] =	sst s0;
	s0 =	simm.s32 @!p2 $0x0  }
0x16: {  	s3 =	sld [smem:$0x3FDB];
	s0 =	simm.s32 @p2 $0x1  }
0x17: {  	s4 =	simm.s32 $0x1BF5;
	[smem:$0x3FA5] =	sst s0  }
0x18: {  	s0 =	sld [smem:$0x3F88];
	_ =	swait.ge [sflag:s4], $0x0  }
0x19: {  	s7 =	sld [smem:$0x3F89]  }
0x1a: {  	s8 =	sadd.s32 $0xFFFFE003, lr  }
0x1b: {  	s9 =	sadd.s32 $0xFFFFFEF7, lr;
	s5 =	simm.s32 $0xFFFFFFFF;
	p2 =	slt.u32 s8, $0xFFFFF086  }
0x1c: {  	p1 =	slt.u32 s9, $0xF7A;
	s5 =	simm.s32 @!p2 $0x0  }
0x1d: {  	s5 =	simm.s32 @p1 $0x1;
	p0 =	seq.s32 s7, s2  }
0x1e: {  	s7 =	smul.u32 @!p0 $0xF7A, s2;
	p2 =	seq.s32 @!p0 s5, $0x0  }
0x1f: {  	s9 =	smul.u32 $0xF7A, s1;
	s8 =	simm.s32 @!p0 $0x1BF5;
	p2 =	por !p2, p0  }
0x20: {  	[sflag:s8] =	ssyncset.s32 @!p0 $0xFFFFF086;
	s6 =	sadd.s32 @!p0 s3, s7;
	s7 =	simm.s32 @!p0 $0x108  }
0x21: {  	s3 =	sadd.s32 s3, s9;
	s6 =	sadd.s32 @!p0 $0x88, s6;
	s7 =	simm.s32 @p2 $0x1082  }
0x22: {  	[simem:s7], [sflag:s8] =	dma.local @!p0 [hbm:s6], $0xF7A  }
0x23: {  	s9 =	sor.u32 $0xD0000000, s2;
	s6 =	simm.s32 $0x108;
	_ =	swait.ge @!p0 [sflag:s8], $0x0  }
0x24: {  	s3 =	sadd.s32 $0x88, s3;
	s6 =	simm.s32 @!p1 $0x1082;
	[sflag:s4] =	ssyncset.s32 $0xFFFFF086  }
0x25: {  	[simem:s6], [sflag:s4] =	dma.local [hbm:s3], $0xF7A  }
0x26: {  	[smem:$0x3F89] =	sst s1;
	(tag) =	ssettag s2;
	_ =	strace s9  }
0x27: {  	s1 =	sld [smem:$0x3F99]  }
0x28: {  	s2 =	sld [smem:$0x3F9A]  }
0x29: {  	s4 =	sld [smem:$0x3F9C]  }
0x2a: {  	p0 =	seq.s32 s5, $0x0;
	s5 =	sld [smem:$0x3F9D]  }
0x2b: {  	s6 =	sld [smem:$0x3F9E]  }
0x2c: {  	s7 =	sld [smem:$0x3F9F]  }
0x2d: {  	s3 =	simm.s32 $0x108;
	s8 =	sld [smem:$0x3FA0]  }
0x2e: {  	s3 =	simm.s32 @!p0 $0x1082;
	s9 =	sld [smem:$0x3FA1]  }
0x2f: {  	lr =	sadd.s32 s0, s3;
	s0 =	sld [smem:$0x3F98]  }
0x30: {  	s3 =	sld [smem:$0x3F9B]  }
0x31: {  	[smem:$0x3FA4] =	sst s10  }
0x32: {  	s10 =	sld [smem:$0x3FA2];
	_ =	sdelay $0x3  }
0x33: {  	p0 =	seq.s32 s10, $0x1;
	s10 =	sld [smem:$0x3FA4];
	_ =	sdelay $0x3  }
0x34: {  	[smem:$0x3FA4] =	sst s10  }
0x35: {  	s10 =	sld [smem:$0x3FA3];
	_ =	sdelay $0x3  }
0x36: {  	p1 =	seq.s32 s10, $0x1;
	s10 =	sld [smem:$0x3FA4];
	_ =	sdelay $0x3  }
0x37: {  	[smem:$0x3FA4] =	sst s10  }
0x38: {  	s10 =	sld [smem:$0x3FA5]  }
0x39: {  	_ = 	snop;
	(pc) =	sbr.ind lr, $3  }
0x3a: {  	_ = 	snop  }
0x3b: {  	_ = 	snop  }
0x3c: {  	p2 =	seq.s32 s10, $0x1;
	s10 =	sld [smem:$0x3FA4]  }
0x3d: {  	_ =	shalt  }
0x3e: {  	_ =	shalt  }
0x3f: {  	_ =	shalt  }
0x40: {  	_ =	shalt  }
0x41: {  	_ =	shalt  }
0x42: {  	_ =	shalt  }
0x43: {  	_ =	shalt  }
0x44: {  	_ =	shalt  }
0x45: {  	_ =	shalt  }
0x46: {  	_ =	shalt  }
0x47: {  	_ =	shalt  }
0x48: {  	_ =	shalt  }
0x49: {  	_ =	shalt  }
0x4a: {  	_ =	shalt  }
0x4b: {  	_ =	shalt  }
0x4c: {  	_ =	shalt  }
0x4d: {  	_ =	shalt  }
0x4e: {  	_ =	shalt  }
0x4f: {  	_ =	shalt  }
0x50: {  	_ =	shalt  }
0x51: {  	_ =	shalt  }
0x52: {  	_ =	shalt  }
0x53: {  	_ =	shalt  }
0x54: {  	_ =	shalt  }
0x55: {  	_ =	shalt  }
0x56: {  	_ =	shalt  }
0x57: {  	_ =	shalt  }
0x58: {  	_ =	shalt  }
0x59: {  	_ =	shalt  }
0x5a: {  	_ =	shalt  }
0x5b: {  	_ =	shalt  }
0x5c: {  	_ =	shalt  }
0x5d: {  	_ =	shalt  }
0x5e: {  	_ =	shalt  }
0x5f: {  	_ =	shalt  }
0x60: {  	_ =	shalt  }
0x61: {  	_ =	shalt  }
0x62: {  	_ =	shalt  }
0x63: {  	_ =	shalt  }
0x64: {  	_ =	shalt  }
0x65: {  	_ =	shalt  }
0x66: {  	_ =	shalt  }
0x67: {  	_ =	shalt  }
0x68: {  	_ =	shalt  }
0x69: {  	_ =	shalt  }
0x6a: {  	_ =	shalt  }
0x6b: {  	_ =	shalt  }
0x6c: {  	_ =	shalt  }
0x6d: {  	_ =	shalt  }
0x6e: {  	_ =	shalt  }
0x6f: {  	_ =	shalt  }
0x70: {  	_ =	shalt  }
0x71: {  	_ =	shalt  }
0x72: {  	_ =	shalt  }
0x73: {  	_ =	shalt  }
0x74: {  	_ =	shalt  }
0x75: {  	_ =	shalt  }
0x76: {  	_ =	shalt  }
0x77: {  	_ =	shalt  }
0x78: {  	_ =	shalt  }
0x79: {  	_ =	shalt  }
0x7a: {  	_ =	shalt  }
0x7b: {  	_ =	shalt  }
0x7c: {  	_ =	shalt  }
0x7d: {  	_ =	shalt  }
0x7e: {  	_ =	shalt  }
0x7f: {  	_ =	shalt  }
0x80: {  	_ =	shalt  }
0x81: {  	_ =	shalt  }
0x82: {  	_ =	shalt  }
0x83: {  	_ =	shalt  }
0x84: {  	_ =	shalt  }
0x85: {  	_ =	shalt  }
0x86: {  	_ =	shalt  }
0x87: {  	_ =	shalt  }
.Lfunc_end0:
.L_simem_size_0:
called_computation.1_lowered:
.L_overlay_start_0:
0x88: {  	s2 =	sld [smem:$0x3FD9]  }
0x89: {  	s3 =	sld [smem:$0x3FFE];
	_ =	sdelay $0x1  }
0x8a: {  	s1 =	srdreg.scid  }
0x8b: {  	s0 =	sand.u32 $0x1, s1  }
0x8c: {  	s16 =	sshll.u32 s0, $0xA;
	s2 =	sadd.s32 s3, s2  }
0x8d: {  	s2 =	sadd.s32 s2, s16  }
0x8e: {  	[smem:$0x3FB0] =	sst s2  }
0x8f: {  	_ = 	snop  }
0x90: {  	(tm) =	ssettm $0x1  }
0x91: {  	s17 =	sld [smem:$0x3FFB];
	_ =	sdelay $0x3  }
0x92: {  	_ =	strace s17  }
0x93: {  	s2 =	sld [smem:$0x3FFC];
	_ =	sdelay $0x3  }
0x94: {  	_ =	strace s2  }
0x95: {  	s2 =	sld [smem:$0x3FFD];
	_ =	sdelay $0x3  }
0x96: {  	_ =	strace s2  }
0x97: {  	_ =	strace $0x8FFFFFFF  }
0x98: {  	s18 =	sld [smem:$0x3FDB];
	_ =	sdelay $0x1  }
0x99: {  	s19 =	simm.s32 $_scs_section_size  }
0x9a: {  	s4 =	simm.s32 $_size__tile_overlayer_lowered;
	s5 =	simm.s32 $_tile_overlayer_lowered  }
0x9b: {  	s22 =	simm.s32 $0x1BFF;
	s21 =	sshll.u32 s5, $0x1;
	s2 =	sadd.s32 s19, s18  }
0x9c: {  	s6 =	simm.s32 $0x0;
	s20 =	sshll.u32 s4, $0x1;
	s4 =	sadd.s32 s21, s2  }
0x9d: {  	[timem:s6], [sflag:s22] =	dma.local [hbm:s4], s20  }
0x9e: {  	_ =	swait.ge [sflag:s22], s20  }
0x9f: {  	s3 =	ssub.s32 $0x0, s20;
	[sflag:s22] =	ssyncset.done $0x0  }
0xa0: {  	[sflag:s22] =	ssyncadd.s32 s3;
	_ =	sdelay $0x1  }
0xa1: {  	s23 =	simm.s32 $0x1B8B  }
0xa2: {  	_ =	swait.ge [sflag:s23], $0x1  }
0xa3: {  	[sflag:s23] =	ssyncset.done $0x0  }
0xa4: {  	s25 =	simm.s32 $0x1B8E;
	s24 =	sld [smem:$0x3FFE];
	[sflag:s23] =	ssyncadd.s32 $0xFFFFFFFF  }
0xa5: {  	s26 =	simm.s32 $execute0_lowered;
	[smem:$0x3FD2] =	sst s25  }
0xa6: {  	s4 =	sshll.u32 s26, $0x1;
	_ =	strace $0x80000049;
	[dreg:$0x1] =	wrdreg $0xFFFFFFFF  }
0xa7: {  	s28 =	simm.s32 $_size_execute0_lowered;
	s2 =	sadd.s32 s2, s4;
	[dreg:$0x0] =	wrdreg $0x0  }
0xa8: {  	s4 =	sshll.u32 s28, $0x1;
	[dreg:$0x2] =	wrdreg s2  }
0xa9: {  	[dreg:$0x3] =	wrdreg s4  }
0xaa: {  	[dreg:$0x4] =	wrdreg $0xC0  }
0xab: {  	_ =	task [dreg:s6], $0x5FFFF  }
0xac: {  	[dreg:$0x1] =	wrdreg $0xFFFFFFFF  }
0xad: {  	[dreg:$0x0] =	wrdreg $0x60  }
0xae: {  	[dreg:$0x2] =	wrdreg s24  }
0xaf: {  	[dreg:$0x3] =	wrdreg $0x9  }
0xb0: {  	_ =	task.clear_ibuf [dreg:s6], $0x4FFFF;
	_ =	strace $0x90000049  }
0xb1: {  	s29 =	simm.s32 $0x9;
	_ =	strace $0x8000004B  }
0xb2: {  	_ =	swait.ge [sflag:s29], $0x1  }
0xb3: {  	[sflag:s29] =	ssyncadd.s32 $0xFFFFFFFF  }
0xb4: {  	_ =	strace $0x9000004B  }
0xb5: {  	_ =	sfence  }
0xb6: {  	s30 =	sld [smem:$0x0];
	_ =	sdelay $0x2  }
0xb7: {  	s31 =	sshll.u32 s1, $0xD;
	s1 =	sshrl.u32 s1, $0x2  }
0xb8: {  	s3 =	sand.u32 $0x4000, s31;
	s1 =	sadd.s32 s1, s30  }
0xb9: {  	s0 =	sor.u32 s3, s0;
	s1 =	sshll.u32 s1, $0x11  }
0xba: {  	s0 =	sor.u32 s1, s0  }
0xbb: {  	s0 =	sadd.s32 $0x8F2B, s0  }
0xbc: {  	[sflag:s0] =	ssyncadd.remote.s32 $0x1  }
0xbd: {  	_ =	sfence.sel $0xFFFF  }
0xbe: {  	[dreg:$0x0] =	wrdreg $0xFFFFFFFF;
	(pc) =	sbr.abs _section_cstart, $3  }
0xbf: {  	[dreg:$0x1] =	wrdreg $0xFFFFFFFF  }
0xc0: {  	_ =	task.clear_ibuf [dreg:s6], $0x2FFFF;
	_ =	strace $0x9FFFFFFF  }
0xc1: {  	(tm) =	ssettm $0x7FFFFFFF  }
tec
execute0_lowered:
.L_overlay_start_1:
0x0: {  	(tag) =	ssettag $0x1  }
0x1: {  	s1 =	srdreg.scid;
	s0 =	stileid.u32  }
0x2: {  	s5 =	rddreg [dreg:$0x0];
	s2 =	simm.s32 $0x0;
	s8 =	simm.s32 $0x80  }
0x3: {  	s9 =	simm.s32 $0x1;
	s4 =	sand.u32 $0x1, s1;
	s30 =	sshll.u32 s0, $0x1  }
0x4: {  	s10 =	simm.s32 $0x1400;
	s1 =	rddreg [dreg:$0x1];
	s3 =	sor.u32 s4, s30  }
0x5: {  	s11 =	simm.s32 $0x0;
	[smem:$0x7FF] =	sst s2;
	s6 =	smul.u32 $0x280, s3  }
0x6: {  	_ =	strace $0x8000004A;
	s4 =	ssub.s32 $0x2, s4;
	s7 =	smul.u32 $0x2800, s3  }
0x7: {  	s3 =	sadd.s32 $0xF800, s5;
	s31 =	sshrl.u32 s4, $0x1;
	s6 =	sadd.s32 s6, s5  }
0x8: {  	s5 =	sadd.s32 s7, s5;
	s7 =	ssub.s32 s4, s31;
	s4 =	sadd.s32 $0x19800, s6  }
0x9: {  	s5 =	sadd.s32 $0x6CC00, s5;
	s6 =	smax.u32 s7, $0x1;
	s7 =	simm.s32 $0x2  }
.LBB2_1:
0xa: {  	[tilespmem:s2], [sflag:$0x2] =	stream.linear.gather [hbm4b:s4+s2], $0x1400, $0x38;
	[tilespmem:$0x15400] =	vst v63  }
0xb: {  	_ =	swait.ge [sflag:s7], $0x1400  }
0xc: {  	[sflag:s7] =	ssyncset.done $0x0  }
0xd: {  	s12 =	simm.s32 $0x0;
	[sflag:s7] =	ssyncadd.s32 $0xFFFFEC00  }
0xe: {  	[tilespmem:s10], [sflag:$0x1] =	stream.indirect.gather [hbm4b:s3+s8], $0x10, s12, s8, $0xb8;
	[tilespmem:$0x15400] =	vst v63  }
0xf: {  	_ =	swait.ge [sflag:s9], $0x800  }
0x10: {  	s13 =	simm.s32 $0x1400;
	s12 =	simm.s32 $0x200;
	[sflag:s9] =	ssyncset.done $0x0  }
.LBB2_2:
0x11: {  	s14 =	sshra.s32 s12, $0x2  }
0x12: {  	[sflag:s9] =	ssyncadd.s32 $0xFFFFF800;
	s13 =	sadd.s32 $0x800, s13;
	p0 =	sne.s32 s12, $0x4E00  }
0x13: {  	[tilespmem:s13], [sflag:$0x1] =	stream.indirect.gather [hbm4b:s3+s8], $0x10, s14, s8, $0xb8;
	[tilespmem:$0x15400] =	vst v63  }
.Ltmp0:
0x14: {  	_ = 	snop;
	(pc) =	sbr.rel @p0 .LBB2_2-.Ltmp0, $4  }
0x15: {  	_ = 	snop  }
0x16: {  	s12 =	sadd.s32 $0x200, s12  }
0x17: {  	_ =	swait.ge [sflag:s9], $0x800  }
0x18: {  	[sflag:s9] =	ssyncset.done $0x0  }
0x19: {  	s11 =	sadd.s32 $0x1, s11  }
0x1a: {  	p0 =	sne.s32 s11, s6  }
.Ltmp1:
0x1b: {  	[sflag:s9] =	ssyncadd.s32 $0xFFFFF800;
	(pc) =	sbr.rel @p0 .LBB2_1-.Ltmp1, $4  }
0x1c: {  	[hbm4b:s5+s2] =	stream.linear.scatter [tilespmem:s10], [sflag:$0x2], $0x14000, $0x38;
	[tilespmem:$0x15400] =	vst v63  }
0x1d: {  	_ =	swait.ge [sflag:s7], $0x14000  }
0x1e: {  	[sflag:s7] =	ssyncset.done $0x0  }
0x1f: {  	[sflag:s7] =	ssyncadd.s32 $0xFFFEC000  }
0x20: {  	_ =	sfence.sel $0x180000  }
0x21: {  	[bflag:$0x0] =	sbarrier.arrive $0xFFFF  }
0x22: {  	p0 =	sne.s32 s0, $0x0;
	_ =	strace $0x9000004A  }
0x23: {  	s0 =	sadd.s32 @!p0 $0x100000, s1;
	[bflag:$0x2] =	sbarrier.arrive $0xFFFF  }
0x24: {  	[sflag:s0] =	ssyncadd.tile.s32 @!p0 $0x1;
	_ =	shalt  }
.Lfunc_end2:
_tile_overlayer_lowered:
.L_overlay_start_2:
0x25: {  	(tag) =	ssettag $0x2  }
0x26: {  	s0 =	rddreg [dreg:$0x0];
	s2 =	stileid.u32  }
0x27: {  	s1 =	rddreg [dreg:$0x1];
	p0 =	sne.s32 s2, $0x0  }
0x28: {  	s3 =	rddreg [dreg:$0x2];
	[bflag:$0x3] =	sbarrier.arrive $0xFFFF;
	s2 =	simm.s32 @!p0 $0x1C02  }
0x29: {  	[timem:s3], [sflag:s2] =	dma.local @!p0 [hbm:s0], s1  }
0x2a: {  	s0 =	simm.s32 @!p0 $0x2  }
0x2b: {  	_ =	swait.ge @!p0 [sflag:s0], s1  }
0x2c: {  	s1 =	ssub.s32 @!p0 $0x0, s1;
	[sflag:s0] =	ssyncset.done @!p0 $0x0  }
0x2d: {  	[sflag:s0] =	ssyncadd.s32 @!p0 s1  }
0x2e: {  	[bflag:$0x3] =	sbarrier.arrive $0xFFFF  }
0x2f: {  	_ =	shalt  }

// kernel: kernel.23.cloned.1.call-start
scs
__scs_entry_jumppad:
0x0: {  	(pc) =	sbr.rel $0x88, $3  }
0x1: {  	(tag) =	ssettag $0x0;
	lr =	simm.s32 $0x1  }
0x2: {  	[smem:$0x3F89] =	sst lr;
	_ =	strace $0xD0000000  }
0x3: {  	_ = 	snop  }
0x4: {  	_ = 	snop  }
0x5: {  	_ = 	snop  }
0x6: {  	_ = 	snop  }
0x7: {  	_ = 	snop  }
__scs_overlays_trampoline_lowered:
0x8: {  	[smem:$0x3F98] =	sst s0  }
0x9: {  	[smem:$0x3F99] =	sst s1  }
0xa: {  	[smem:$0x3F9A] =	sst s2  }
0xb: {  	[smem:$0x3F9B] =	sst s3  }
0xc: {  	[smem:$0x3F9C] =	sst s4  }
0xd: {  	[smem:$0x3F9D] =	sst s5  }
0xe: {  	[smem:$0x3F9E] =	sst s6  }
0xf: {  	[smem:$0x3F9F] =	sst s7  }
0x10: {  	[smem:$0x3FA0] =	sst s8  }
0x11: {  	[smem:$0x3FA1] =	sst s9;
	s0 =	simm.s32 @!p0 $0x0  }
0x12: {  	s1 =	sld [smem:$0x3F87];
	s0 =	simm.s32 @p0 $0x1  }
0x13: {  	[smem:$0x3FA2] =	sst s0;
	s0 =	simm.s32 @!p1 $0x0  }
0x14: {  	s2 =	sld [smem:$0x3F86];
	s0 =	simm.s32 @p1 $0x1  }
0x15: {  	[smem:$0x3FA3] =	sst s0;
	s0 =	simm.s32 @!p2 $0x0  }
0x16: {  	s3 =	sld [smem:$0x3FDB];
	s0 =	simm.s32 @p2 $0x1  }
0x17: {  	s4 =	simm.s32 $0x1BF5;
	[smem:$0x3FA5] =	sst s0  }
0x18: {  	s0 =	sld [smem:$0x3F88];
	_ =	swait.ge [sflag:s4], $0x0  }
0x19: {  	s7 =	sld [smem:$0x3F89]  }
0x1a: {  	s8 =	sadd.s32 $0xFFFFE003, lr  }
0x1b: {  	s9 =	sadd.s32 $0xFFFFFEF7, lr;
	s5 =	simm.s32 $0xFFFFFFFF;
	p2 =	slt.u32 s8, $0xFFFFF086  }
0x1c: {  	p1 =	slt.u32 s9, $0xF7A;
	s5 =	simm.s32 @!p2 $0x0  }
0x1d: {  	s5 =	simm.s32 @p1 $0x1;
	p0 =	seq.s32 s7, s2  }
0x1e: {  	s7 =	smul.u32 @!p0 $0xF7A, s2;
	p2 =	seq.s32 @!p0 s5, $0x0  }
0x1f: {  	s9 =	smul.u32 $0xF7A, s1;
	s8 =	simm.s32 @!p0 $0x1BF5;
	p2 =	por !p2, p0  }
0x20: {  	[sflag:s8] =	ssyncset.s32 @!p0 $0xFFFFF086;
	s6 =	sadd.s32 @!p0 s3, s7;
	s7 =	simm.s32 @!p0 $0x108  }
0x21: {  	s3 =	sadd.s32 s3, s9;
	s6 =	sadd.s32 @!p0 $0x88, s6;
	s7 =	simm.s32 @p2 $0x1082  }
0x22: {  	[simem:s7], [sflag:s8] =	dma.local @!p0 [hbm:s6], $0xF7A  }
0x23: {  	s9 =	sor.u32 $0xD0000000, s2;
	s6 =	simm.s32 $0x108;
	_ =	swait.ge @!p0 [sflag:s8], $0x0  }
0x24: {  	s3 =	sadd.s32 $0x88, s3;
	s6 =	simm.s32 @!p1 $0x1082;
	[sflag:s4] =	ssyncset.s32 $0xFFFFF086  }
0x25: {  	[simem:s6], [sflag:s4] =	dma.local [hbm:s3], $0xF7A  }
0x26: {  	[smem:$0x3F89] =	sst s1;
	(tag) =	ssettag s2;
	_ =	strace s9  }
0x27: {  	s1 =	sld [smem:$0x3F99]  }
0x28: {  	s2 =	sld [smem:$0x3F9A]  }
0x29: {  	s4 =	sld [smem:$0x3F9C]  }
0x2a: {  	p0 =	seq.s32 s5, $0x0;
	s5 =	sld [smem:$0x3F9D]  }
0x2b: {  	s6 =	sld [smem:$0x3F9E]  }
0x2c: {  	s7 =	sld [smem:$0x3F9F]  }
0x2d: {  	s3 =	simm.s32 $0x108;
	s8 =	sld [smem:$0x3FA0]  }
0x2e: {  	s3 =	simm.s32 @!p0 $0x1082;
	s9 =	sld [smem:$0x3FA1]  }
0x2f: {  	lr =	sadd.s32 s0, s3;
	s0 =	sld [smem:$0x3F98]  }
0x30: {  	s3 =	sld [smem:$0x3F9B]  }
0x31: {  	[smem:$0x3FA4] =	sst s10  }
0x32: {  	s10 =	sld [smem:$0x3FA2];
	_ =	sdelay $0x3  }
0x33: {  	p0 =	seq.s32 s10, $0x1;
	s10 =	sld [smem:$0x3FA4];
	_ =	sdelay $0x3  }
0x34: {  	[smem:$0x3FA4] =	sst s10  }
0x35: {  	s10 =	sld [smem:$0x3FA3];
	_ =	sdelay $0x3  }
0x36: {  	p1 =	seq.s32 s10, $0x1;
	s10 =	sld [smem:$0x3FA4];
	_ =	sdelay $0x3  }
0x37: {  	[smem:$0x3FA4] =	sst s10  }
0x38: {  	s10 =	sld [smem:$0x3FA5]  }
0x39: {  	_ = 	snop;
	(pc) =	sbr.ind lr, $3  }
0x3a: {  	_ = 	snop  }
0x3b: {  	_ = 	snop  }
0x3c: {  	p2 =	seq.s32 s10, $0x1;
	s10 =	sld [smem:$0x3FA4]  }
0x3d: {  	_ =	shalt  }
0x3e: {  	_ =	shalt  }
0x3f: {  	_ =	shalt  }
0x40: {  	_ =	shalt  }
0x41: {  	_ =	shalt  }
0x42: {  	_ =	shalt  }
0x43: {  	_ =	shalt  }
0x44: {  	_ =	shalt  }
0x45: {  	_ =	shalt  }
0x46: {  	_ =	shalt  }
0x47: {  	_ =	shalt  }
0x48: {  	_ =	shalt  }
0x49: {  	_ =	shalt  }
0x4a: {  	_ =	shalt  }
0x4b: {  	_ =	shalt  }
0x4c: {  	_ =	shalt  }
0x4d: {  	_ =	shalt  }
0x4e: {  	_ =	shalt  }
0x4f: {  	_ =	shalt  }
0x50: {  	_ =	shalt  }
0x51: {  	_ =	shalt  }
0x52: {  	_ =	shalt  }
0x53: {  	_ =	shalt  }
0x54: {  	_ =	shalt  }
0x55: {  	_ =	shalt  }
0x56: {  	_ =	shalt  }
0x57: {  	_ =	shalt  }
0x58: {  	_ =	shalt  }
0x59: {  	_ =	shalt  }
0x5a: {  	_ =	shalt  }
0x5b: {  	_ =	shalt  }
0x5c: {  	_ =	shalt  }
0x5d: {  	_ =	shalt  }
0x5e: {  	_ =	shalt  }
0x5f: {  	_ =	shalt  }
0x60: {  	_ =	shalt  }
0x61: {  	_ =	shalt  }
0x62: {  	_ =	shalt  }
0x63: {  	_ =	shalt  }
0x64: {  	_ =	shalt  }
0x65: {  	_ =	shalt  }
0x66: {  	_ =	shalt  }
0x67: {  	_ =	shalt  }
0x68: {  	_ =	shalt  }
0x69: {  	_ =	shalt  }
0x6a: {  	_ =	shalt  }
0x6b: {  	_ =	shalt  }
0x6c: {  	_ =	shalt  }
0x6d: {  	_ =	shalt  }
0x6e: {  	_ =	shalt  }
0x6f: {  	_ =	shalt  }
0x70: {  	_ =	shalt  }
0x71: {  	_ =	shalt  }
0x72: {  	_ =	shalt  }
0x73: {  	_ =	shalt  }
0x74: {  	_ =	shalt  }
0x75: {  	_ =	shalt  }
0x76: {  	_ =	shalt  }
0x77: {  	_ =	shalt  }
0x78: {  	_ =	shalt  }
0x79: {  	_ =	shalt  }
0x7a: {  	_ =	shalt  }
0x7b: {  	_ =	shalt  }
0x7c: {  	_ =	shalt  }
0x7d: {  	_ =	shalt  }
0x7e: {  	_ =	shalt  }
0x7f: {  	_ =	shalt  }
0x80: {  	_ =	shalt  }
0x81: {  	_ =	shalt  }
0x82: {  	_ =	shalt  }
0x83: {  	_ =	shalt  }
0x84: {  	_ =	shalt  }
0x85: {  	_ =	shalt  }
0x86: {  	_ =	shalt  }
0x87: {  	_ =	shalt  }
.Lfunc_end0:
.L_simem_size_0:
called_computation.2_lowered:
.L_overlay_start_0:
0x88: {  	s2 =	sld [smem:$0x3FD9]  }
0x89: {  	s3 =	sld [smem:$0x3FFE];
	_ =	sdelay $0x1  }
0x8a: {  	s1 =	srdreg.scid  }
0x8b: {  	s0 =	sand.u32 $0x1, s1  }
0x8c: {  	s16 =	sshll.u32 s0, $0xA;
	s2 =	sadd.s32 s3, s2  }
0x8d: {  	s2 =	sadd.s32 s2, s16  }
0x8e: {  	[smem:$0x3FB0] =	sst s2  }
0x8f: {  	_ = 	snop  }
0x90: {  	(tm) =	ssettm $0x1  }
0x91: {  	s17 =	sld [smem:$0x3FFB];
	_ =	sdelay $0x3  }
0x92: {  	_ =	strace s17  }
0x93: {  	s2 =	sld [smem:$0x3FFC];
	_ =	sdelay $0x3  }
0x94: {  	_ =	strace s2  }
0x95: {  	s2 =	sld [smem:$0x3FFD];
	_ =	sdelay $0x3  }
0x96: {  	_ =	strace s2  }
0x97: {  	_ =	strace $0x8FFFFFFF  }
0x98: {  	s18 =	sld [smem:$0x3FDB];
	_ =	sdelay $0x1  }
0x99: {  	s19 =	simm.s32 $_scs_section_size  }
0x9a: {  	s4 =	simm.s32 $_size__tile_overlayer_lowered;
	s5 =	simm.s32 $_tile_overlayer_lowered  }
0x9b: {  	s22 =	simm.s32 $0x1BFF;
	s21 =	sshll.u32 s5, $0x1;
	s2 =	sadd.s32 s19, s18  }
0x9c: {  	s6 =	simm.s32 $0x0;
	s20 =	sshll.u32 s4, $0x1;
	s4 =	sadd.s32 s21, s2  }
0x9d: {  	[timem:s6], [sflag:s22] =	dma.local [hbm:s4], s20  }
0x9e: {  	_ =	swait.ge [sflag:s22], s20  }
0x9f: {  	s3 =	ssub.s32 $0x0, s20;
	[sflag:s22] =	ssyncset.done $0x0  }
0xa0: {  	[sflag:s22] =	ssyncadd.s32 s3;
	_ =	sdelay $0x1  }
0xa1: {  	s23 =	simm.s32 $0x1B8B  }
0xa2: {  	_ =	swait.ge [sflag:s23], $0x1  }
0xa3: {  	[sflag:s23] =	ssyncset.done $0x0  }
0xa4: {  	s25 =	simm.s32 $0x1B8E;
	s24 =	sld [smem:$0x3FFE];
	[sflag:s23] =	ssyncadd.s32 $0xFFFFFFFF  }
0xa5: {  	s26 =	simm.s32 $execute0_lowered;
	[smem:$0x3FD2] =	sst s25  }
0xa6: {  	s4 =	sshll.u32 s26, $0x1;
	_ =	strace $0x8000004C;
	[dreg:$0x1] =	wrdreg $0xFFFFFFFF  }
0xa7: {  	s28 =	simm.s32 $_size_execute0_lowered;
	s2 =	sadd.s32 s2, s4;
	[dreg:$0x0] =	wrdreg $0x0  }
0xa8: {  	s4 =	sshll.u32 s28, $0x1;
	[dreg:$0x2] =	wrdreg s2  }
0xa9: {  	[dreg:$0x3] =	wrdreg s4  }
0xaa: {  	[dreg:$0x4] =	wrdreg $0xC0  }
0xab: {  	_ =	task [dreg:s6], $0x5FFFF  }
0xac: {  	[dreg:$0x1] =	wrdreg $0xFFFFFFFF  }
0xad: {  	[dreg:$0x0] =	wrdreg $0x60  }
0xae: {  	[dreg:$0x2] =	wrdreg s24  }
0xaf: {  	[dreg:$0x3] =	wrdreg $0x154000  }
0xb0: {  	[dreg:$0x4] =	wrdreg $0x9  }
0xb1: {  	_ =	task.clear_ibuf [dreg:s6], $0x5FFFF;
	_ =	strace $0x9000004C  }
0xb2: {  	s29 =	simm.s32 $0x9;
	_ =	strace $0x8000004E  }
0xb3: {  	_ =	swait.ge [sflag:s29], $0x1  }
0xb4: {  	[sflag:s29] =	ssyncadd.s32 $0xFFFFFFFF  }
0xb5: {  	_ =	strace $0x9000004E  }
0xb6: {  	_ =	sfence  }
0xb7: {  	s30 =	sld [smem:$0x0];
	_ =	sdelay $0x2  }
0xb8: {  	s31 =	sshll.u32 s1, $0xD;
	s1 =	sshrl.u32 s1, $0x2  }
0xb9: {  	s3 =	sand.u32 $0x4000, s31;
	s1 =	sadd.s32 s1, s30  }
0xba: {  	s0 =	sor.u32 s3, s0;
	s1 =	sshll.u32 s1, $0x11  }
0xbb: {  	s0 =	sor.u32 s1, s0  }
0xbc: {  	s0 =	sadd.s32 $0x8F2B, s0  }
0xbd: {  	[sflag:s0] =	ssyncadd.remote.s32 $0x1  }
0xbe: {  	_ =	sfence.sel $0xFFFF  }
0xbf: {  	[dreg:$0x0] =	wrdreg $0xFFFFFFFF;
	(pc) =	sbr.abs _section_cstart, $3  }
0xc0: {  	[dreg:$0x1] =	wrdreg $0xFFFFFFFF  }
0xc1: {  	_ =	task.clear_ibuf [dreg:s6], $0x2FFFF;
	_ =	strace $0x9FFFFFFF  }
0xc2: {  	(tm) =	ssettm $0x7FFFFFFF  }
0xc3: {  	_ =	shalt  }
tec
execute0_lowered:
.L_overlay_start_1:
0x0: {  	(tag) =	ssettag $0x1  }
0x1: {  	s1 =	srdreg.scid;
	s6 =	rddreg [dreg:$0x0]  }
0x2: {  	s0 =	stileid.u32;
	s2 =	rddreg [dreg:$0x1];
	s3 =	simm.s32 $0x0  }
0x3: {  	s13 =	simm.s32 $0x0;
	s4 =	sand.u32 $0x1, s1;
	s1 =	rddreg [dreg:$0x2]  }
0x4: {  	s26 =	sshll.u32 s0, $0x1;
	s8 =	smul.u32 $0x2800, s0;
	[smem:$0x7FF] =	sst s3  }
0x5: {  	s31 =	sshll.u32 s0, $0x6;
	s5 =	sor.u32 s4, s26;
	s9 =	smul.u32 $0x28000, s4  }
0x6: {  	_ =	strace $0x8000004D;
	s29 =	ssub.s32 $0x2, s4;
	s7 =	smul.u32 $0x2800, s5  }
0x7: {  	s4 =	sadd.s32 $0xF200, s6;
	s5 =	smul.u32 $0x280, s5;
	s30 =	sshrl.u32 s29, $0x1  }
0x8: {  	s12 =	sadd.s32 s8, s2;
	s9 =	sadd.s32 s8, s9;
	s7 =	sadd.s32 s7, s6  }
0x9: {  	s10 =	sadd.s32 s5, s6;
	s28 =	sshrl.u32 s9, $0x3;
	s9 =	ssub.s32 s29, s30  }
0xa: {  	s5 =	sor.u32 $0x1C01, s31;
	s11 =	sadd.s32 s28, s6;
	s6 =	sadd.s32 $0xA200, s10  }
0xb: {  	s7 =	sadd.s32 $0x5ADC00, s7;
	s9 =	smax.u32 s9, $0x1;
	s10 =	sshrl.u32 s12, $0x3  }
0xc: {  	s12 =	simm.s32 $0x80;
	s8 =	sadd.s32 $0xF800, s11;
	s11 =	simm.s32 $0x1  }
.LBB2_1:
0xd: {  	[spmem:s10], [sflag:s5] =	dma.local [hbm:s4], $0x500  }
0xe: {  	_ =	swait.ge [sflag:s11], $0x500  }
0xf: {  	[sflag:s11] =	ssyncset.done $0x0  }
0x10: {  	[sflag:s11] =	ssyncadd.s32 $0xFFFFFB00  }
0x11: {  	[tilespmem:s3], [sflag:$0x1] =	stream.linear.gather [hbm4b:s6+s3], $0x1400, $0x38;
	[tilespmem:$0x17C00] =	vst v63  }
0x12: {  	_ =	swait.ge [sflag:s11], $0x1400  }
0x13: {  	[sflag:s11] =	ssyncset.done $0x0  }
0x14: {  	s14 =	simm.s32 $0x1400;
	[sflag:s11] =	ssyncadd.s32 $0xFFFFEC00  }
0x15: {  	[tilespmem:s14], [sflag:$0x1] =	stream.linear.gather [hbm4b:s7+s3], $0x14000, $0x38;
	[tilespmem:$0x17C00] =	vst v63  }
0x16: {  	_ =	swait.ge [sflag:s11], $0x14000  }
0x17: {  	[sflag:s11] =	ssyncset.done $0x0  }
0x18: {  	[sflag:s11] =	ssyncadd.s32 $0xFFFEC000  }
0x19: {  	s15 =	simm.s32 $0x0;
	[bflag:$0x0] =	sbarrier.arrive $0xFFFF  }
0x1a: {  	[spmem:s2] =	stream.indirect.scatter.add.f32 [tilespmem:s14], [sflag:$0x1], $0x10, s15, s12, $0xb8;
	[tilespmem:$0x17C00] =	vst v63  }
0x1b: {  	_ =	swait.ge [sflag:s11], $0x800  }
0x1c: {  	s15 =	simm.s32 $0x200;
	[sflag:s11] =	ssyncset.done $0x0  }
.LBB2_2:
0x1d: {  	s16 =	sshra.s32 s15, $0x2  }
0x1e: {  	[sflag:s11] =	ssyncadd.s32 $0xFFFFF800;
	s14 =	sadd.s32 $0x800, s14;
	p0 =	sne.s32 s15, $0x4E00  }
0x1f: {  	[spmem:s2] =	stream.indirect.scatter.add.f32 [tilespmem:s14], [sflag:$0x1], $0x10, s16, s12, $0xb8;
	[tilespmem:$0x17C00] =	vst v63  }
.Ltmp0:
0x20: {  	_ = 	snop;
	(pc) =	sbr.rel @p0 .LBB2_2-.Ltmp0, $4  }
0x21: {  	_ = 	snop  }
0x22: {  	s15 =	sadd.s32 $0x200, s15  }
0x23: {  	_ =	swait.ge [sflag:s11], $0x800  }
0x24: {  	[sflag:s11] =	ssyncset.done $0x0  }
0x25: {  	s13 =	sadd.s32 $0x1, s13  }
0x26: {  	[sflag:s11] =	ssyncadd.s32 $0xFFFFF800;
	p0 =	sne.s32 s13, s9  }
.Ltmp1:
0x27: {  	[bflag:$0x0] =	sbarrier.arrive $0xFFFF;
	(pc) =	sbr.rel @p0 .LBB2_1-.Ltmp1, $4  }
0x28: {  	[hbm:s8], [sflag:s5] =	dma.local [spmem:s10], $0x500  }
0x29: {  	_ =	swait.ge [sflag:s11], $0x500  }
0x2a: {  	[sflag:s11] =	ssyncset.done $0x0  }
0x2b: {  	[sflag:s11] =	ssyncadd.s32 $0xFFFFFB00  }
0x2c: {  	_ =	sfence.sel $0x180000  }
0x2d: {  	[bflag:$0x0] =	sbarrier.arrive $0xFFFF  }
0x2e: {  	p0 =	sne.s32 s0, $0x0;
	_ =	strace $0x9000004D  }
0x2f: {  	s0 =	sadd.s32 @!p0 $0x100000, s1;
	[bflag:$0x2] =	sbarrier.arrive $0xFFFF  }
0x30: {  	[sflag:s0] =	ssyncadd.tile.s32 @!p0 $0x1;
	_ =	shalt  }
.Lfunc_end2:
_tile_overlayer_lowered:
.L_overlay_start_2:
0x31: {  	(tag) =	ssettag $0x2  }
0x32: {  	s0 =	rddreg [dreg:$0x0];
	s2 =	stileid.u32  }
0x33: {  	s1 =	rddreg [dreg:$0x1];
	p0 =	sne.s32 s2, $0x0  }
0x34: {  	s3 =	rddreg [dreg:$0x2];
	[bflag:$0x3] =	sbarrier.arrive $0xFFFF;
	s2 =	simm.s32 @!p0 $0x1C01  }
0x35: {  	[timem:s3], [sflag:s2] =	dma.local @!p0 [hbm:s0], s1  }
0x36: {  	s0 =	simm.s32 @!p0 $0x1  }
0x37: {  	_ =	swait.ge @!p0 [sflag:s0], s1  }
0x38: {  	s1 =	ssub.s32 @!p0 $0x0, s1;
	[sflag:s0] =	ssyncset.done @!p0 $0x0  }
0x39: {  	[sflag:s0] =	ssyncadd.s32 @!p0 s1  }
0x3a: {  	[bflag:$0x3] =	sbarrier.arrive $0xFFFF  }
0x3b: {  	_ =	shalt  }

// kernel: kernel.26.cloned.1.call-start
scs
__scs_entry_jumppad:
0x0: {  	(pc) =	sbr.rel $0x88, $3  }
0x1: {  	(tag) =	ssettag $0x0;
	lr =	simm.s32 $0x1  }
0x2: {  	[smem:$0x3F89] =	sst lr;
	_ =	strace $0xD0000000  }
0x3: {  	_ = 	snop  }
0x4: {  	_ = 	snop  }
0x5: {  	_ = 	snop  }
0x6: {  	_ = 	snop  }
0x7: {  	_ = 	snop  }
__scs_overlays_trampoline_lowered:
0x8: {  	[smem:$0x3F98] =	sst s0  }
0x9: {  	[smem:$0x3F99] =	sst s1  }
0xa: {  	[smem:$0x3F9A] =	sst s2  }
0xb: {  	[smem:$0x3F9B] =	sst s3  }
0xc: {  	[smem:$0x3F9C] =	sst s4  }
0xd: {  	[smem:$0x3F9D] =	sst s5  }
0xe: {  	[smem:$0x3F9E] =	sst s6  }
0xf: {  	[smem:$0x3F9F] =	sst s7  }
0x10: {  	[smem:$0x3FA0] =	sst s8  }
0x11: {  	[smem:$0x3FA1] =	sst s9;
	s0 =	simm.s32 @!p0 $0x0  }
0x12: {  	s1 =	sld [smem:$0x3F87];
	s0 =	simm.s32 @p0 $0x1  }
0x13: {  	[smem:$0x3FA2] =	sst s0;
	s0 =	simm.s32 @!p1 $0x0  }
0x14: {  	s2 =	sld [smem:$0x3F86];
	s0 =	simm.s32 @p1 $0x1  }
0x15: {  	[smem:$0x3FA3] =	sst s0;
	s0 =	simm.s32 @!p2 $0x0  }
0x16: {  	s3 =	sld [smem:$0x3FDB];
	s0 =	simm.s32 @p2 $0x1  }
0x17: {  	s4 =	simm.s32 $0x1BF5;
	[smem:$0x3FA5] =	sst s0  }
0x18: {  	s0 =	sld [smem:$0x3F88];
	_ =	swait.ge [sflag:s4], $0x0  }
0x19: {  	s7 =	sld [smem:$0x3F89]  }
0x1a: {  	s8 =	sadd.s32 $0xFFFFE003, lr  }
0x1b: {  	s9 =	sadd.s32 $0xFFFFFEF7, lr;
	s5 =	simm.s32 $0xFFFFFFFF;
	p2 =	slt.u32 s8, $0xFFFFF086  }
0x1c: {  	p1 =	slt.u32 s9, $0xF7A;
	s5 =	simm.s32 @!p2 $0x0  }
0x1d: {  	s5 =	simm.s32 @p1 $0x1;
	p0 =	seq.s32 s7, s2  }
0x1e: {  	s7 =	smul.u32 @!p0 $0xF7A, s2;
	p2 =	seq.s32 @!p0 s5, $0x0  }
0x1f: {  	s9 =	smul.u32 $0xF7A, s1;
	s8 =	simm.s32 @!p0 $0x1BF5;
	p2 =	por !p2, p0  }
0x20: {  	[sflag:s8] =	ssyncset.s32 @!p0 $0xFFFFF086;
	s6 =	sadd.s32 @!p0 s3, s7;
	s7 =	simm.s32 @!p0 $0x108  }
0x21: {  	s3 =	sadd.s32 s3, s9;
	s6 =	sadd.s32 @!p0 $0x88, s6;
	s7 =	simm.s32 @p2 $0x1082  }
0x22: {  	[simem:s7], [sflag:s8] =	dma.local @!p0 [hbm:s6], $0xF7A  }
0x23: {  	s9 =	sor.u32 $0xD0000000, s2;
	s6 =	simm.s32 $0x108;
	_ =	swait.ge @!p0 [sflag:s8], $0x0  }
0x24: {  	s3 =	sadd.s32 $0x88, s3;
	s6 =	simm.s32 @!p1 $0x1082;
	[sflag:s4] =	ssyncset.s32 $0xFFFFF086  }
0x25: {  	[simem:s6], [sflag:s4] =	dma.local [hbm:s3], $0xF7A  }
0x26: {  	[smem:$0x3F89] =	sst s1;
	(tag) =	ssettag s2;
	_ =	strace s9  }
0x27: {  	s1 =	sld [smem:$0x3F99]  }
0x28: {  	s2 =	sld [smem:$0x3F9A]  }
0x29: {  	s4 =	sld [smem:$0x3F9C]  }
0x2a: {  	p0 =	seq.s32 s5, $0x0;
	s5 =	sld [smem:$0x3F9D]  }
0x2b: {  	s6 =	sld [smem:$0x3F9E]  }
0x2c: {  	s7 =	sld [smem:$0x3F9F]  }
0x2d: {  	s3 =	simm.s32 $0x108;
	s8 =	sld [smem:$0x3FA0]  }
0x2e: {  	s3 =	simm.s32 @!p0 $0x1082;
	s9 =	sld [smem:$0x3FA1]  }
0x2f: {  	lr =	sadd.s32 s0, s3;
	s0 =	sld [smem:$0x3F98]  }
0x30: {  	s3 =	sld [smem:$0x3F9B]  }
0x31: {  	[smem:$0x3FA4] =	sst s10  }
0x32: {  	s10 =	sld [smem:$0x3FA2];
	_ =	sdelay $0x3  }
0x33: {  	p0 =	seq.s32 s10, $0x1;
	s10 =	sld [smem:$0x3FA4];
	_ =	sdelay $0x3  }
0x34: {  	[smem:$0x3FA4] =	sst s10  }
0x35: {  	s10 =	sld [smem:$0x3FA3];
	_ =	sdelay $0x3  }
0x36: {  	p1 =	seq.s32 s10, $0x1;
	s10 =	sld [smem:$0x3FA4];
	_ =	sdelay $0x3  }
0x37: {  	[smem:$0x3FA4] =	sst s10  }
0x38: {  	s10 =	sld [smem:$0x3FA5]  }
0x39: {  	_ = 	snop;
	(pc) =	sbr.ind lr, $3  }
0x3a: {  	_ = 	snop  }
0x3b: {  	_ = 	snop  }
0x3c: {  	p2 =	seq.s32 s10, $0x1;
	s10 =	sld [smem:$0x3FA4]  }
0x3d: {  	_ =	shalt  }
0x3e: {  	_ =	shalt  }
0x3f: {  	_ =	shalt  }
0x40: {  	_ =	shalt  }
0x41: {  	_ =	shalt  }
0x42: {  	_ =	shalt  }
0x43: {  	_ =	shalt  }
0x44: {  	_ =	shalt  }
0x45: {  	_ =	shalt  }
0x46: {  	_ =	shalt  }
0x47: {  	_ =	shalt  }
0x48: {  	_ =	shalt  }
0x49: {  	_ =	shalt  }
0x4a: {  	_ =	shalt  }
0x4b: {  	_ =	shalt  }
0x4c: {  	_ =	shalt  }
0x4d: {  	_ =	shalt  }
0x4e: {  	_ =	shalt  }
0x4f: {  	_ =	shalt  }
0x50: {  	_ =	shalt  }
0x51: {  	_ =	shalt  }
0x52: {  	_ =	shalt  }
0x53: {  	_ =	shalt  }
0x54: {  	_ =	shalt  }
0x55: {  	_ =	shalt  }
0x56: {  	_ =	shalt  }
0x57: {  	_ =	shalt  }
0x58: {  	_ =	shalt  }
0x59: {  	_ =	shalt  }
0x5a: {  	_ =	shalt  }
0x5b: {  	_ =	shalt  }
0x5c: {  	_ =	shalt  }
0x5d: {  	_ =	shalt  }
0x5e: {  	_ =	shalt  }
0x5f: {  	_ =	shalt  }
0x60: {  	_ =	shalt  }
0x61: {  	_ =	shalt  }
0x62: {  	_ =	shalt  }
0x63: {  	_ =	shalt  }
0x64: {  	_ =	shalt  }
0x65: {  	_ =	shalt  }
0x66: {  	_ =	shalt  }
0x67: {  	_ =	shalt  }
0x68: {  	_ =	shalt  }
0x69: {  	_ =	shalt  }
0x6a: {  	_ =	shalt  }
0x6b: {  	_ =	shalt  }
0x6c: {  	_ =	shalt  }
0x6d: {  	_ =	shalt  }
0x6e: {  	_ =	shalt  }
0x6f: {  	_ =	shalt  }
0x70: {  	_ =	shalt  }
0x71: {  	_ =	shalt  }
0x72: {  	_ =	shalt  }
0x73: {  	_ =	shalt  }
0x74: {  	_ =	shalt  }
0x75: {  	_ =	shalt  }
0x76: {  	_ =	shalt  }
0x77: {  	_ =	shalt  }
0x78: {  	_ =	shalt  }
0x79: {  	_ =	shalt  }
0x7a: {  	_ =	shalt  }
0x7b: {  	_ =	shalt  }
0x7c: {  	_ =	shalt  }
0x7d: {  	_ =	shalt  }
0x7e: {  	_ =	shalt  }
0x7f: {  	_ =	shalt  }
0x80: {  	_ =	shalt  }
0x81: {  	_ =	shalt  }
0x82: {  	_ =	shalt  }
0x83: {  	_ =	shalt  }
0x84: {  	_ =	shalt  }
0x85: {  	_ =	shalt  }
0x86: {  	_ =	shalt  }
0x87: {  	_ =	shalt  }
.Lfunc_end0:
.L_simem_size_0:
called_computation.3_lowered:
.L_overlay_start_0:
0x88: {  	s2 =	sld [smem:$0x3FD9]  }
0x89: {  	s3 =	sld [smem:$0x3FFE];
	_ =	sdelay $0x1  }
0x8a: {  	s1 =	srdreg.scid  }
0x8b: {  	s0 =	sand.u32 $0x1, s1  }
0x8c: {  	s16 =	sshll.u32 s0, $0xA;
	s2 =	sadd.s32 s3, s2  }
0x8d: {  	s2 =	sadd.s32 s2, s16  }
0x8e: {  	[smem:$0x3FB0] =	sst s2  }
0x8f: {  	_ = 	snop  }
0x90: {  	(tm) =	ssettm $0x1  }
0x91: {  	s17 =	sld [smem:$0x3FFB];
	_ =	sdelay $0x3  }
0x92: {  	_ =	strace s17  }
0x93: {  	s2 =	sld [smem:$0x3FFC];
	_ =	sdelay $0x3  }
0x94: {  	_ =	strace s2  }
0x95: {  	s2 =	sld [smem:$0x3FFD];
	_ =	sdelay $0x3  }
0x96: {  	_ =	strace s2  }
0x97: {  	_ =	strace $0x8FFFFFFF  }
0x98: {  	s18 =	sld [smem:$0x3FDB];
	_ =	sdelay $0x1  }
0x99: {  	s19 =	simm.s32 $_scs_section_size  }
0x9a: {  	s4 =	simm.s32 $_size__tile_overlayer_lowered;
	s5 =	simm.s32 $_tile_overlayer_lowered  }
0x9b: {  	s22 =	simm.s32 $0x1BFF;
	s21 =	sshll.u32 s5, $0x1;
	s2 =	sadd.s32 s19, s18  }
0x9c: {  	s6 =	simm.s32 $0x0;
	s20 =	sshll.u32 s4, $0x1;
	s4 =	sadd.s32 s21, s2  }
0x9d: {  	[timem:s6], [sflag:s22] =	dma.local [hbm:s4], s20  }
0x9e: {  	_ =	swait.ge [sflag:s22], s20  }
0x9f: {  	s3 =	ssub.s32 $0x0, s20;
	[sflag:s22] =	ssyncset.done $0x0  }
0xa0: {  	[sflag:s22] =	ssyncadd.s32 s3;
	_ =	sdelay $0x1  }
0xa1: {  	s23 =	simm.s32 $0x1B8B  }
0xa2: {  	_ =	swait.ge [sflag:s23], $0x1  }
0xa3: {  	[sflag:s23] =	ssyncset.done $0x0  }
0xa4: {  	s25 =	simm.s32 $0x1B8E;
	s24 =	sld [smem:$0x3FFE];
	[sflag:s23] =	ssyncadd.s32 $0xFFFFFFFF  }
0xa5: {  	s26 =	simm.s32 $execute0_lowered;
	[smem:$0x3FD2] =	sst s25  }
0xa6: {  	s4 =	sshll.u32 s26, $0x1;
	_ =	strace $0x8000004F;
	[dreg:$0x1] =	wrdreg $0xFFFFFFFF  }
0xa7: {  	s28 =	simm.s32 $_size_execute0_lowered;
	s2 =	sadd.s32 s2, s4;
	[dreg:$0x0] =	wrdreg $0x0  }
0xa8: {  	s4 =	sshll.u32 s28, $0x1;
	[dreg:$0x2] =	wrdreg s2  }
0xa9: {  	[dreg:$0x3] =	wrdreg s4  }
0xaa: {  	[dreg:$0x4] =	wrdreg $0xC0  }
0xab: {  	_ =	task [dreg:s6], $0x5FFFF  }
0xac: {  	[dreg:$0x1] =	wrdreg $0xFFFFFFFF  }
0xad: {  	[dreg:$0x0] =	wrdreg $0x60  }
0xae: {  	[dreg:$0x2] =	wrdreg s24  }
0xaf: {  	[dreg:$0x3] =	wrdreg $0x9  }
0xb0: {  	_ =	task.clear_ibuf [dreg:s6], $0x4FFFF;
	_ =	strace $0x9000004F  }
0xb1: {  	s29 =	simm.s32 $0x9;
	_ =	strace $0x80000051  }
0xb2: {  	_ =	swait.ge [sflag:s29], $0x1  }
0xb3: {  	[sflag:s29] =	ssyncadd.s32 $0xFFFFFFFF  }
0xb4: {  	_ =	strace $0x90000051  }
0xb5: {  	_ =	sfence  }
0xb6: {  	s30 =	sld [smem:$0x0];
	_ =	sdelay $0x2  }
0xb7: {  	s31 =	sshll.u32 s1, $0xD;
	s1 =	sshrl.u32 s1, $0x2  }
0xb8: {  	s3 =	sand.u32 $0x4000, s31;
	s1 =	sadd.s32 s1, s30  }
0xb9: {  	s0 =	sor.u32 s3, s0;
	s1 =	sshll.u32 s1, $0x11  }
0xba: {  	s0 =	sor.u32 s1, s0  }
0xbb: {  	s0 =	sadd.s32 $0x8F2B, s0  }
0xbc: {  	[sflag:s0] =	ssyncadd.remote.s32 $0x1  }
0xbd: {  	_ =	sfence.sel $0xFFFF  }
0xbe: {  	[dreg:$0x0] =	wrdreg $0xFFFFFFFF;
	(pc) =	sbr.abs _section_cstart, $3  }
0xbf: {  	[dreg:$0x1] =	wrdreg $0xFFFFFFFF  }
0xc0: {  	_ =	task.clear_ibuf [dreg:s6], $0x2FFFF;
	_ =	strace $0x9FFFFFFF  }
0xc1: {  	(tm) =	ssettm $0x7FFFFFFF  }
tec
execute0_lowered:
.L_overlay_start_1:
0x0: {  	(tag) =	ssettag $0x1  }
0x1: {  	s1 =	srdreg.scid;
	s0 =	stileid.u32  }
0x2: {  	s5 =	rddreg [dreg:$0x0];
	s2 =	simm.s32 $0x0;
	s8 =	simm.s32 $0x80  }
0x3: {  	s9 =	simm.s32 $0x1;
	s4 =	sand.u32 $0x1, s1;
	s30 =	sshll.u32 s0, $0x1  }
0x4: {  	s10 =	simm.s32 $0x1400;
	s1 =	rddreg [dreg:$0x1];
	s3 =	sor.u32 s4, s30  }
0x5: {  	s11 =	simm.s32 $0x0;
	[smem:$0x7FF] =	sst s2;
	s6 =	smul.u32 $0x280, s3  }
0x6: {  	_ =	strace $0x80000050;
	s4 =	ssub.s32 $0x2, s4;
	s7 =	smul.u32 $0x2800, s3  }
0x7: {  	s3 =	sadd.s32 $0xF800, s5;
	s31 =	sshrl.u32 s4, $0x1;
	s6 =	sadd.s32 s6, s5  }
0x8: {  	s5 =	sadd.s32 s7, s5;
	s7 =	ssub.s32 s4, s31;
	s4 =	sadd.s32 $0x19800, s6  }
0x9: {  	s5 =	sadd.s32 $0x6CC00, s5;
	s6 =	smax.u32 s7, $0x1;
	s7 =	simm.s32 $0x2  }
.LBB2_1:
0xa: {  	[tilespmem:s2], [sflag:$0x2] =	stream.linear.gather [hbm4b:s4+s2], $0x1400, $0x38;
	[tilespmem:$0x15400] =	vst v63  }
0xb: {  	_ =	swait.ge [sflag:s7], $0x1400  }
0xc: {  	[sflag:s7] =	ssyncset.done $0x0  }
0xd: {  	s12 =	simm.s32 $0x0;
	[sflag:s7] =	ssyncadd.s32 $0xFFFFEC00  }
0xe: {  	[tilespmem:s10], [sflag:$0x1] =	stream.indirect.gather [hbm4b:s3+s8], $0x10, s12, s8, $0xb8;
	[tilespmem:$0x15400] =	vst v63  }
0xf: {  	_ =	swait.ge [sflag:s9], $0x800  }
0x10: {  	s13 =	simm.s32 $0x1400;
	s12 =	simm.s32 $0x200;
	[sflag:s9] =	ssyncset.done $0x0  }
.LBB2_2:
0x11: {  	s14 =	sshra.s32 s12, $0x2  }
0x12: {  	[sflag:s9] =	ssyncadd.s32 $0xFFFFF800;
	s13 =	sadd.s32 $0x800, s13;
	p0 =	sne.s32 s12, $0x4E00  }
0x13: {  	[tilespmem:s13], [sflag:$0x1] =	stream.indirect.gather [hbm4b:s3+s8], $0x10, s14, s8, $0xb8;
	[tilespmem:$0x15400] =	vst v63  }
.Ltmp0:
0x14: {  	_ = 	snop;
	(pc) =	sbr.rel @p0 .LBB2_2-.Ltmp0, $4  }
0x15: {  	_ = 	snop  }
0x16: {  	s12 =	sadd.s32 $0x200, s12  }
0x17: {  	_ =	swait.ge [sflag:s9], $0x800  }
0x18: {  	[sflag:s9] =	ssyncset.done $0x0  }
0x19: {  	s11 =	sadd.s32 $0x1, s11  }
0x1a: {  	p0 =	sne.s32 s11, s6  }
.Ltmp1:
0x1b: {  	[sflag:s9] =	ssyncadd.s32 $0xFFFFF800;
	(pc) =	sbr.rel @p0 .LBB2_1-.Ltmp1, $4  }
0x1c: {  	[hbm4b:s5+s2] =	stream.linear.scatter [tilespmem:s10], [sflag:$0x2], $0x14000, $0x38;
	[tilespmem:$0x15400] =	vst v63  }
0x1d: {  	_ =	swait.ge [sflag:s7], $0x14000  }
0x1e: {  	[sflag:s7] =	ssyncset.done $0x0  }
0x1f: {  	[sflag:s7] =	ssyncadd.s32 $0xFFFEC000  }
0x20: {  	_ =	sfence.sel $0x180000  }
0x21: {  	[bflag:$0x0] =	sbarrier.arrive $0xFFFF  }
0x22: {  	p0 =	sne.s32 s0, $0x0;
	_ =	strace $0x90000050  }
0x23: {  	s0 =	sadd.s32 @!p0 $0x100000, s1;
	[bflag:$0x2] =	sbarrier.arrive $0xFFFF  }
0x24: {  	[sflag:s0] =	ssyncadd.tile.s32 @!p0 $0x1;
	_ =	shalt  }
.Lfunc_end2:
_tile_overlayer_lowered:
.L_overlay_start_2:
0x25: {  	(tag) =	ssettag $0x2  }
0x26: {  	s0 =	rddreg [dreg:$0x0];
	s2 =	stileid.u32  }
0x27: {  	s1 =	rddreg [dreg:$0x1];
	p0 =	sne.s32 s2, $0x0  }
0x28: {  	s3 =	rddreg [dreg:$0x2];
	[bflag:$0x3] =	sbarrier.arrive $0xFFFF;
	s2 =	simm.s32 @!p0 $0x1C02  }
0x29: {  	[timem:s3], [sflag:s2] =	dma.local @!p0 [hbm:s0], s1  }
0x2a: {  	s0 =	simm.s32 @!p0 $0x2  }
0x2b: {  	_ =	swait.ge @!p0 [sflag:s0], s1  }
0x2c: {  	s1 =	ssub.s32 @!p0 $0x0, s1;
	[sflag:s0] =	ssyncset.done @!p0 $0x0  }
0x2d: {  	[sflag:s0] =	ssyncadd.s32 @!p0 s1  }
0x2e: {  	[bflag:$0x3] =	sbarrier.arrive $0xFFFF  }
0x2f: {  	_ =	shalt  }

// kernel: kernel.29.cloned.1.call-start
scs
__scs_entry_jumppad:
0x0: {  	(pc) =	sbr.rel $0x88, $3  }
0x1: {  	(tag) =	ssettag $0x0;
	lr =	simm.s32 $0x1  }
0x2: {  	[smem:$0x3F89] =	sst lr;
	_ =	strace $0xD0000000  }
0x3: {  	_ = 	snop  }
0x4: {  	_ = 	snop  }
0x5: {  	_ = 	snop  }
0x6: {  	_ = 	snop  }
0x7: {  	_ = 	snop  }
__scs_overlays_trampoline_lowered:
0x8: {  	[smem:$0x3F98] =	sst s0  }
0x9: {  	[smem:$0x3F99] =	sst s1  }
0xa: {  	[smem:$0x3F9A] =	sst s2  }
0xb: {  	[smem:$0x3F9B] =	sst s3  }
0xc: {  	[smem:$0x3F9C] =	sst s4  }
0xd: {  	[smem:$0x3F9D] =	sst s5  }
0xe: {  	[smem:$0x3F9E] =	sst s6  }
0xf: {  	[smem:$0x3F9F] =	sst s7  }
0x10: {  	[smem:$0x3FA0] =	sst s8  }
0x11: {  	[smem:$0x3FA1] =	sst s9;
	s0 =	simm.s32 @!p0 $0x0  }
0x12: {  	s1 =	sld [smem:$0x3F87];
	s0 =	simm.s32 @p0 $0x1  }
0x13: {  	[smem:$0x3FA2] =	sst s0;
	s0 =	simm.s32 @!p1 $0x0  }
0x14: {  	s2 =	sld [smem:$0x3F86];
	s0 =	simm.s32 @p1 $0x1  }
0x15: {  	[smem:$0x3FA3] =	sst s0;
	s0 =	simm.s32 @!p2 $0x0  }
0x16: {  	s3 =	sld [smem:$0x3FDB];
	s0 =	simm.s32 @p2 $0x1  }
0x17: {  	s4 =	simm.s32 $0x1BF5;
	[smem:$0x3FA5] =	sst s0  }
0x18: {  	s0 =	sld [smem:$0x3F88];
	_ =	swait.ge [sflag:s4], $0x0  }
0x19: {  	s7 =	sld [smem:$0x3F89]  }
0x1a: {  	s8 =	sadd.s32 $0xFFFFE003, lr  }
0x1b: {  	s9 =	sadd.s32 $0xFFFFFEF7, lr;
	s5 =	simm.s32 $0xFFFFFFFF;
	p2 =	slt.u32 s8, $0xFFFFF086  }
0x1c: {  	p1 =	slt.u32 s9, $0xF7A;
	s5 =	simm.s32 @!p2 $0x0  }
0x1d: {  	s5 =	simm.s32 @p1 $0x1;
	p0 =	seq.s32 s7, s2  }
0x1e: {  	s7 =	smul.u32 @!p0 $0xF7A, s2;
	p2 =	seq.s32 @!p0 s5, $0x0  }
0x1f: {  	s9 =	smul.u32 $0xF7A, s1;
	s8 =	simm.s32 @!p0 $0x1BF5;
	p2 =	por !p2, p0  }
0x20: {  	[sflag:s8] =	ssyncset.s32 @!p0 $0xFFFFF086;
	s6 =	sadd.s32 @!p0 s3, s7;
	s7 =	simm.s32 @!p0 $0x108  }
0x21: {  	s3 =	sadd.s32 s3, s9;
	s6 =	sadd.s32 @!p0 $0x88, s6;
	s7 =	simm.s32 @p2 $0x1082  }
0x22: {  	[simem:s7], [sflag:s8] =	dma.local @!p0 [hbm:s6], $0xF7A  }
0x23: {  	s9 =	sor.u32 $0xD0000000, s2;
	s6 =	simm.s32 $0x108;
	_ =	swait.ge @!p0 [sflag:s8], $0x0  }
0x24: {  	s3 =	sadd.s32 $0x88, s3;
	s6 =	simm.s32 @!p1 $0x1082;
	[sflag:s4] =	ssyncset.s32 $0xFFFFF086  }
0x25: {  	[simem:s6], [sflag:s4] =	dma.local [hbm:s3], $0xF7A  }
0x26: {  	[smem:$0x3F89] =	sst s1;
	(tag) =	ssettag s2;
	_ =	strace s9  }
0x27: {  	s1 =	sld [smem:$0x3F99]  }
0x28: {  	s2 =	sld [smem:$0x3F9A]  }
0x29: {  	s4 =	sld [smem:$0x3F9C]  }
0x2a: {  	p0 =	seq.s32 s5, $0x0;
	s5 =	sld [smem:$0x3F9D]  }
0x2b: {  	s6 =	sld [smem:$0x3F9E]  }
0x2c: {  	s7 =	sld [smem:$0x3F9F]  }
0x2d: {  	s3 =	simm.s32 $0x108;
	s8 =	sld [smem:$0x3FA0]  }
0x2e: {  	s3 =	simm.s32 @!p0 $0x1082;
	s9 =	sld [smem:$0x3FA1]  }
0x2f: {  	lr =	sadd.s32 s0, s3;
	s0 =	sld [smem:$0x3F98]  }
0x30: {  	s3 =	sld [smem:$0x3F9B]  }
0x31: {  	[smem:$0x3FA4] =	sst s10  }
0x32: {  	s10 =	sld [smem:$0x3FA2];
	_ =	sdelay $0x3  }
0x33: {  	p0 =	seq.s32 s10, $0x1;
	s10 =	sld [smem:$0x3FA4];
	_ =	sdelay $0x3  }
0x34: {  	[smem:$0x3FA4] =	sst s10  }
0x35: {  	s10 =	sld [smem:$0x3FA3];
	_ =	sdelay $0x3  }
0x36: {  	p1 =	seq.s32 s10, $0x1;
	s10 =	sld [smem:$0x3FA4];
	_ =	sdelay $0x3  }
0x37: {  	[smem:$0x3FA4] =	sst s10  }
0x38: {  	s10 =	sld [smem:$0x3FA5]  }
0x39: {  	_ = 	snop;
	(pc) =	sbr.ind lr, $3  }
0x3a: {  	_ = 	snop  }
0x3b: {  	_ = 	snop  }
0x3c: {  	p2 =	seq.s32 s10, $0x1;
	s10 =	sld [smem:$0x3FA4]  }
0x3d: {  	_ =	shalt  }
0x3e: {  	_ =	shalt  }
0x3f: {  	_ =	shalt  }
0x40: {  	_ =	shalt  }
0x41: {  	_ =	shalt  }
0x42: {  	_ =	shalt  }
0x43: {  	_ =	shalt  }
0x44: {  	_ =	shalt  }
0x45: {  	_ =	shalt  }
0x46: {  	_ =	shalt  }
0x47: {  	_ =	shalt  }
0x48: {  	_ =	shalt  }
0x49: {  	_ =	shalt  }
0x4a: {  	_ =	shalt  }
0x4b: {  	_ =	shalt  }
0x4c: {  	_ =	shalt  }
0x4d: {  	_ =	shalt  }
0x4e: {  	_ =	shalt  }
0x4f: {  	_ =	shalt  }
0x50: {  	_ =	shalt  }
0x51: {  	_ =	shalt  }
0x52: {  	_ =	shalt  }
0x53: {  	_ =	shalt  }
0x54: {  	_ =	shalt  }
0x55: {  	_ =	shalt  }
0x56: {  	_ =	shalt  }
0x57: {  	_ =	shalt  }
0x58: {  	_ =	shalt  }
0x59: {  	_ =	shalt  }
0x5a: {  	_ =	shalt  }
0x5b: {  	_ =	shalt  }
0x5c: {  	_ =	shalt  }
0x5d: {  	_ =	shalt  }
0x5e: {  	_ =	shalt  }
0x5f: {  	_ =	shalt  }
0x60: {  	_ =	shalt  }
0x61: {  	_ =	shalt  }
0x62: {  	_ =	shalt  }
0x63: {  	_ =	shalt  }
0x64: {  	_ =	shalt  }
0x65: {  	_ =	shalt  }
0x66: {  	_ =	shalt  }
0x67: {  	_ =	shalt  }
0x68: {  	_ =	shalt  }
0x69: {  	_ =	shalt  }
0x6a: {  	_ =	shalt  }
0x6b: {  	_ =	shalt  }
0x6c: {  	_ =	shalt  }
0x6d: {  	_ =	shalt  }
0x6e: {  	_ =	shalt  }
0x6f: {  	_ =	shalt  }
0x70: {  	_ =	shalt  }
0x71: {  	_ =	shalt  }
0x72: {  	_ =	shalt  }
0x73: {  	_ =	shalt  }
0x74: {  	_ =	shalt  }
0x75: {  	_ =	shalt  }
0x76: {  	_ =	shalt  }
0x77: {  	_ =	shalt  }
0x78: {  	_ =	shalt  }
0x79: {  	_ =	shalt  }
0x7a: {  	_ =	shalt  }
0x7b: {  	_ =	shalt  }
0x7c: {  	_ =	shalt  }
0x7d: {  	_ =	shalt  }
0x7e: {  	_ =	shalt  }
0x7f: {  	_ =	shalt  }
0x80: {  	_ =	shalt  }
0x81: {  	_ =	shalt  }
0x82: {  	_ =	shalt  }
0x83: {  	_ =	shalt  }
0x84: {  	_ =	shalt  }
0x85: {  	_ =	shalt  }
0x86: {  	_ =	shalt  }
0x87: {  	_ =	shalt  }
.Lfunc_end0:
.L_simem_size_0:
called_computation.4_lowered:
.L_overlay_start_0:
0x88: {  	s2 =	sld [smem:$0x3FD9]  }
0x89: {  	s3 =	sld [smem:$0x3FFE];
	_ =	sdelay $0x1  }
0x8a: {  	s1 =	srdreg.scid  }
0x8b: {  	s0 =	sand.u32 $0x1, s1  }
0x8c: {  	s16 =	sshll.u32 s0, $0xA;
	s2 =	sadd.s32 s3, s2  }
0x8d: {  	s2 =	sadd.s32 s2, s16  }
0x8e: {  	[smem:$0x3FB0] =	sst s2  }
0x8f: {  	_ = 	snop  }
0x90: {  	(tm) =	ssettm $0x1  }
0x91: {  	s17 =	sld [smem:$0x3FFB];
	_ =	sdelay $0x3  }
0x92: {  	_ =	strace s17  }
0x93: {  	s2 =	sld [smem:$0x3FFC];
	_ =	sdelay $0x3  }
0x94: {  	_ =	strace s2  }
0x95: {  	s2 =	sld [smem:$0x3FFD];
	_ =	sdelay $0x3  }
0x96: {  	_ =	strace s2  }
0x97: {  	_ =	strace $0x8FFFFFFF  }
0x98: {  	s18 =	sld [smem:$0x3FDB];
	_ =	sdelay $0x1  }
0x99: {  	s19 =	simm.s32 $_scs_section_size  }
0x9a: {  	s4 =	simm.s32 $_size__tile_overlayer_lowered;
	s5 =	simm.s32 $_tile_overlayer_lowered  }
0x9b: {  	s22 =	simm.s32 $0x1BFF;
	s21 =	sshll.u32 s5, $0x1;
	s2 =	sadd.s32 s19, s18  }
0x9c: {  	s6 =	simm.s32 $0x0;
	s20 =	sshll.u32 s4, $0x1;
	s4 =	sadd.s32 s21, s2  }
0x9d: {  	[timem:s6], [sflag:s22] =	dma.local [hbm:s4], s20  }
0x9e: {  	_ =	swait.ge [sflag:s22], s20  }
0x9f: {  	s3 =	ssub.s32 $0x0, s20;
	[sflag:s22] =	ssyncset.done $0x0  }
0xa0: {  	[sflag:s22] =	ssyncadd.s32 s3;
	_ =	sdelay $0x1  }
0xa1: {  	s23 =	simm.s32 $0x1B8B  }
0xa2: {  	_ =	swait.ge [sflag:s23], $0x1  }
0xa3: {  	[sflag:s23] =	ssyncset.done $0x0  }
0xa4: {  	s25 =	simm.s32 $0x1B8E;
	s24 =	sld [smem:$0x3FFE];
	[sflag:s23] =	ssyncadd.s32 $0xFFFFFFFF  }
0xa5: {  	s26 =	simm.s32 $execute0_lowered;
	[smem:$0x3FD2] =	sst s25  }
0xa6: {  	s4 =	sshll.u32 s26, $0x1;
	_ =	strace $0x80000052;
	[dreg:$0x1] =	wrdreg $0xFFFFFFFF  }
0xa7: {  	s28 =	simm.s32 $_size_execute0_lowered;
	s2 =	sadd.s32 s2, s4;
	[dreg:$0x0] =	wrdreg $0x0  }
0xa8: {  	s4 =	sshll.u32 s28, $0x1;
	[dreg:$0x2] =	wrdreg s2  }
0xa9: {  	[dreg:$0x3] =	wrdreg s4  }
0xaa: {  	[dreg:$0x4] =	wrdreg $0xC0  }
0xab: {  	_ =	task [dreg:s6], $0x5FFFF  }
0xac: {  	[dreg:$0x1] =	wrdreg $0xFFFFFFFF  }
0xad: {  	[dreg:$0x0] =	wrdreg $0x60  }
0xae: {  	[dreg:$0x2] =	wrdreg s24  }
0xaf: {  	[dreg:$0x3] =	wrdreg $0x154000  }
0xb0: {  	[dreg:$0x4] =	wrdreg $0x9  }
0xb1: {  	_ =	task.clear_ibuf [dreg:s6], $0x5FFFF;
	_ =	strace $0x90000052  }
0xb2: {  	s29 =	simm.s32 $0x9;
	_ =	strace $0x80000054  }
0xb3: {  	_ =	swait.ge [sflag:s29], $0x1  }
0xb4: {  	[sflag:s29] =	ssyncadd.s32 $0xFFFFFFFF  }
0xb5: {  	_ =	strace $0x90000054  }
0xb6: {  	_ =	sfence  }
0xb7: {  	s30 =	sld [smem:$0x0];
	_ =	sdelay $0x2  }
0xb8: {  	s31 =	sshll.u32 s1, $0xD;
	s1 =	sshrl.u32 s1, $0x2  }
0xb9: {  	s3 =	sand.u32 $0x4000, s31;
	s1 =	sadd.s32 s1, s30  }
0xba: {  	s0 =	sor.u32 s3, s0;
	s1 =	sshll.u32 s1, $0x11  }
0xbb: {  	s0 =	sor.u32 s1, s0  }
0xbc: {  	s0 =	sadd.s32 $0x8F2B, s0  }
0xbd: {  	[sflag:s0] =	ssyncadd.remote.s32 $0x1  }
0xbe: {  	_ =	sfence.sel $0xFFFF  }
0xbf: {  	[dreg:$0x0] =	wrdreg $0xFFFFFFFF;
	(pc) =	sbr.abs _section_cstart, $3  }
0xc0: {  	[dreg:$0x1] =	wrdreg $0xFFFFFFFF  }
0xc1: {  	_ =	task.clear_ibuf [dreg:s6], $0x2FFFF;
	_ =	strace $0x9FFFFFFF  }
0xc2: {  	(tm) =	ssettm $0x7FFFFFFF  }
0xc3: {  	_ =	shalt  }
tec
execute0_lowered:
.L_overlay_start_1:
0x0: {  	(tag) =	ssettag $0x1  }
0x1: {  	s1 =	srdreg.scid;
	s6 =	rddreg [dreg:$0x0]  }
0x2: {  	s0 =	stileid.u32;
	s2 =	rddreg [dreg:$0x1];
	s3 =	simm.s32 $0x0  }
0x3: {  	s13 =	simm.s32 $0x0;
	s4 =	sand.u32 $0x1, s1;
	s1 =	rddreg [dreg:$0x2]  }
0x4: {  	s26 =	sshll.u32 s0, $0x1;
	s8 =	smul.u32 $0x2800, s0;
	[smem:$0x7FF] =	sst s3  }
0x5: {  	s31 =	sshll.u32 s0, $0x6;
	s5 =	sor.u32 s4, s26;
	s9 =	smul.u32 $0x28000, s4  }
0x6: {  	_ =	strace $0x80000053;
	s29 =	ssub.s32 $0x2, s4;
	s7 =	smul.u32 $0x2800, s5  }
0x7: {  	s4 =	sadd.s32 $0xF200, s6;
	s5 =	smul.u32 $0x280, s5;
	s30 =	sshrl.u32 s29, $0x1  }
0x8: {  	s12 =	sadd.s32 s8, s2;
	s9 =	sadd.s32 s8, s9;
	s7 =	sadd.s32 s7, s6  }
0x9: {  	s10 =	sadd.s32 s5, s6;
	s28 =	sshrl.u32 s9, $0x3;
	s9 =	ssub.s32 s29, s30  }
0xa: {  	s5 =	sor.u32 $0x1C01, s31;
	s11 =	sadd.s32 s28, s6;
	s6 =	sadd.s32 $0xA200, s10  }
0xb: {  	s7 =	sadd.s32 $0x5ADC00, s7;
	s9 =	smax.u32 s9, $0x1;
	s10 =	sshrl.u32 s12, $0x3  }
0xc: {  	s12 =	simm.s32 $0x80;
	s8 =	sadd.s32 $0xF800, s11;
	s11 =	simm.s32 $0x1  }
.LBB2_1:
0xd: {  	[spmem:s10], [sflag:s5] =	dma.local [hbm:s4], $0x500  }
0xe: {  	_ =	swait.ge [sflag:s11], $0x500  }
0xf: {  	[sflag:s11] =	ssyncset.done $0x0  }
0x10: {  	[sflag:s11] =	ssyncadd.s32 $0xFFFFFB00  }
0x11: {  	[tilespmem:s3], [sflag:$0x1] =	stream.linear.gather [hbm4b:s6+s3], $0x1400, $0x38;
	[tilespmem:$0x17C00] =	vst v63  }
0x12: {  	_ =	swait.ge [sflag:s11], $0x1400  }
0x13: {  	[sflag:s11] =	ssyncset.done $0x0  }
0x14: {  	s14 =	simm.s32 $0x1400;
	[sflag:s11] =	ssyncadd.s32 $0xFFFFEC00  }
0x15: {  	[tilespmem:s14], [sflag:$0x1] =	stream.linear.gather [hbm4b:s7+s3], $0x14000, $0x38;
	[tilespmem:$0x17C00] =	vst v63  }
0x16: {  	_ =	swait.ge [sflag:s11], $0x14000  }
0x17: {  	[sflag:s11] =	ssyncset.done $0x0  }
0x18: {  	[sflag:s11] =	ssyncadd.s32 $0xFFFEC000  }
0x19: {  	s15 =	simm.s32 $0x0;
	[bflag:$0x0] =	sbarrier.arrive $0xFFFF  }
0x1a: {  	[spmem:s2] =	stream.indirect.scatter.add.f32 [tilespmem:s14], [sflag:$0x1], $0x10, s15, s12, $0xb8;
	[tilespmem:$0x17C00] =	vst v63  }
0x1b: {  	_ =	swait.ge [sflag:s11], $0x800  }
0x1c: {  	s15 =	simm.s32 $0x200;
	[sflag:s11] =	ssyncset.done $0x0  }
.LBB2_2:
0x1d: {  	s16 =	sshra.s32 s15, $0x2  }
0x1e: {  	[sflag:s11] =	ssyncadd.s32 $0xFFFFF800;
	s14 =	sadd.s32 $0x800, s14;
	p0 =	sne.s32 s15, $0x4E00  }
0x1f: {  	[spmem:s2] =	stream.indirect.scatter.add.f32 [tilespmem:s14], [sflag:$0x1], $0x10, s16, s12, $0xb8;
	[tilespmem:$0x17C00] =	vst v63  }
.Ltmp0:
0x20: {  	_ = 	snop;
	(pc) =	sbr.rel @p0 .LBB2_2-.Ltmp0, $4  }
0x21: {  	_ = 	snop  }
0x22: {  	s15 =	sadd.s32 $0x200, s15  }
0x23: {  	_ =	swait.ge [sflag:s11], $0x800  }
0x24: {  	[sflag:s11] =	ssyncset.done $0x0  }
0x25: {  	s13 =	sadd.s32 $0x1, s13  }
0x26: {  	[sflag:s11] =	ssyncadd.s32 $0xFFFFF800;
	p0 =	sne.s32 s13, s9  }
.Ltmp1:
0x27: {  	[bflag:$0x0] =	sbarrier.arrive $0xFFFF;
	(pc) =	sbr.rel @p0 .LBB2_1-.Ltmp1, $4  }
0x28: {  	[hbm:s8], [sflag:s5] =	dma.local [spmem:s10], $0x500  }
0x29: {  	_ =	swait.ge [sflag:s11], $0x500  }
0x2a: {  	[sflag:s11] =	ssyncset.done $0x0  }
0x2b: {  	[sflag:s11] =	ssyncadd.s32 $0xFFFFFB00  }
0x2c: {  	_ =	sfence.sel $0x180000  }
0x2d: {  	[bflag:$0x0] =	sbarrier.arrive $0xFFFF  }
0x2e: {  	p0 =	sne.s32 s0, $0x0;
	_ =	strace $0x90000053  }
0x2f: {  	s0 =	sadd.s32 @!p0 $0x100000, s1;
	[bflag:$0x2] =	sbarrier.arrive $0xFFFF  }
0x30: {  	[sflag:s0] =	ssyncadd.tile.s32 @!p0 $0x1;
	_ =	shalt  }
.Lfunc_end2:
_tile_overlayer_lowered:
.L_overlay_start_2:
0x31: {  	(tag) =	ssettag $0x2  }
0x32: {  	s0 =	rddreg [dreg:$0x0];
	s2 =	stileid.u32  }
0x33: {  	s1 =	rddreg [dreg:$0x1];
	p0 =	sne.s32 s2, $0x0  }
0x34: {  	s3 =	rddreg [dreg:$0x2];
	[bflag:$0x3] =	sbarrier.arrive $0xFFFF;
	s2 =	simm.s32 @!p0 $0x1C01  }
0x35: {  	[timem:s3], [sflag:s2] =	dma.local @!p0 [hbm:s0], s1  }
0x36: {  	s0 =	simm.s32 @!p0 $0x1  }
0x37: {  	_ =	swait.ge @!p0 [sflag:s0], s1  }
0x38: {  	s1 =	ssub.s32 @!p0 $0x0, s1;
	[sflag:s0] =	ssyncset.done @!p0 $0x0  }
0x39: {  	[sflag:s0] =	ssyncadd.s32 @!p0 s1  }
0x3a: {  	[bflag:$0x3] =	sbarrier.arrive $0xFFFF  }
0x3b: {  	_ =	shalt  }

// kernel: kernel.32.cloned.1.call-start
scs
__scs_entry_jumppad:
0x0: {  	(pc) =	sbr.rel $0x88, $3  }
0x1: {  	(tag) =	ssettag $0x0;
	lr =	simm.s32 $0x1  }
0x2: {  	[smem:$0x3F89] =	sst lr;
	_ =	strace $0xD0000000  }
0x3: {  	_ = 	snop  }
0x4: {  	_ = 	snop  }
0x5: {  	_ = 	snop  }
0x6: {  	_ = 	snop  }
0x7: {  	_ = 	snop  }
__scs_overlays_trampoline_lowered:
0x8: {  	[smem:$0x3F98] =	sst s0  }
0x9: {  	[smem:$0x3F99] =	sst s1  }
0xa: {  	[smem:$0x3F9A] =	sst s2  }
0xb: {  	[smem:$0x3F9B] =	sst s3  }
0xc: {  	[smem:$0x3F9C] =	sst s4  }
0xd: {  	[smem:$0x3F9D] =	sst s5  }
0xe: {  	[smem:$0x3F9E] =	sst s6  }
0xf: {  	[smem:$0x3F9F] =	sst s7  }
0x10: {  	[smem:$0x3FA0] =	sst s8  }
0x11: {  	[smem:$0x3FA1] =	sst s9;
	s0 =	simm.s32 @!p0 $0x0  }
0x12: {  	s1 =	sld [smem:$0x3F87];
	s0 =	simm.s32 @p0 $0x1  }
0x13: {  	[smem:$0x3FA2] =	sst s0;
	s0 =	simm.s32 @!p1 $0x0  }
0x14: {  	s2 =	sld [smem:$0x3F86];
	s0 =	simm.s32 @p1 $0x1  }
0x15: {  	[smem:$0x3FA3] =	sst s0;
	s0 =	simm.s32 @!p2 $0x0  }
0x16: {  	s3 =	sld [smem:$0x3FDB];
	s0 =	simm.s32 @p2 $0x1  }
0x17: {  	s4 =	simm.s32 $0x1BF5;
	[smem:$0x3FA5] =	sst s0  }
0x18: {  	s0 =	sld [smem:$0x3F88];
	_ =	swait.ge [sflag:s4], $0x0  }
0x19: {  	s7 =	sld [smem:$0x3F89]  }
0x1a: {  	s8 =	sadd.s32 $0xFFFFE003, lr  }
0x1b: {  	s9 =	sadd.s32 $0xFFFFFEF7, lr;
	s5 =	simm.s32 $0xFFFFFFFF;
	p2 =	slt.u32 s8, $0xFFFFF086  }
0x1c: {  	p1 =	slt.u32 s9, $0xF7A;
	s5 =	simm.s32 @!p2 $0x0  }
0x1d: {  	s5 =	simm.s32 @p1 $0x1;
	p0 =	seq.s32 s7, s2  }
0x1e: {  	s7 =	smul.u32 @!p0 $0xF7A, s2;
	p2 =	seq.s32 @!p0 s5, $0x0  }
0x1f: {  	s9 =	smul.u32 $0xF7A, s1;
	s8 =	simm.s32 @!p0 $0x1BF5;
	p2 =	por !p2, p0  }
0x20: {  	[sflag:s8] =	ssyncset.s32 @!p0 $0xFFFFF086;
	s6 =	sadd.s32 @!p0 s3, s7;
	s7 =	simm.s32 @!p0 $0x108  }
0x21: {  	s3 =	sadd.s32 s3, s9;
	s6 =	sadd.s32 @!p0 $0x88, s6;
	s7 =	simm.s32 @p2 $0x1082  }
0x22: {  	[simem:s7], [sflag:s8] =	dma.local @!p0 [hbm:s6], $0xF7A  }
0x23: {  	s9 =	sor.u32 $0xD0000000, s2;
	s6 =	simm.s32 $0x108;
	_ =	swait.ge @!p0 [sflag:s8], $0x0  }
0x24: {  	s3 =	sadd.s32 $0x88, s3;
	s6 =	simm.s32 @!p1 $0x1082;
	[sflag:s4] =	ssyncset.s32 $0xFFFFF086  }
0x25: {  	[simem:s6], [sflag:s4] =	dma.local [hbm:s3], $0xF7A  }
0x26: {  	[smem:$0x3F89] =	sst s1;
	(tag) =	ssettag s2;
	_ =	strace s9  }
0x27: {  	s1 =	sld [smem:$0x3F99]  }
0x28: {  	s2 =	sld [smem:$0x3F9A]  }
0x29: {  	s4 =	sld [smem:$0x3F9C]  }
0x2a: {  	p0 =	seq.s32 s5, $0x0;
	s5 =	sld [smem:$0x3F9D]  }
0x2b: {  	s6 =	sld [smem:$0x3F9E]  }
0x2c: {  	s7 =	sld [smem:$0x3F9F]  }
0x2d: {  	s3 =	simm.s32 $0x108;
	s8 =	sld [smem:$0x3FA0]  }
0x2e: {  	s3 =	simm.s32 @!p0 $0x1082;
	s9 =	sld [smem:$0x3FA1]  }
0x2f: {  	lr =	sadd.s32 s0, s3;
	s0 =	sld [smem:$0x3F98]  }
0x30: {  	s3 =	sld [smem:$0x3F9B]  }
0x31: {  	[smem:$0x3FA4] =	sst s10  }
0x32: {  	s10 =	sld [smem:$0x3FA2];
	_ =	sdelay $0x3  }
0x33: {  	p0 =	seq.s32 s10, $0x1;
	s10 =	sld [smem:$0x3FA4];
	_ =	sdelay $0x3  }
0x34: {  	[smem:$0x3FA4] =	sst s10  }
0x35: {  	s10 =	sld [smem:$0x3FA3];
	_ =	sdelay $0x3  }
0x36: {  	p1 =	seq.s32 s10, $0x1;
	s10 =	sld [smem:$0x3FA4];
	_ =	sdelay $0x3  }
0x37: {  	[smem:$0x3FA4] =	sst s10  }
0x38: {  	s10 =	sld [smem:$0x3FA5]  }
0x39: {  	_ = 	snop;
	(pc) =	sbr.ind lr, $3  }
0x3a: {  	_ = 	snop  }
0x3b: {  	_ = 	snop  }
0x3c: {  	p2 =	seq.s32 s10, $0x1;
	s10 =	sld [smem:$0x3FA4]  }
0x3d: {  	_ =	shalt  }
0x3e: {  	_ =	shalt  }
0x3f: {  	_ =	shalt  }
0x40: {  	_ =	shalt  }
0x41: {  	_ =	shalt  }
0x42: {  	_ =	shalt  }
0x43: {  	_ =	shalt  }
0x44: {  	_ =	shalt  }
0x45: {  	_ =	shalt  }
0x46: {  	_ =	shalt  }
0x47: {  	_ =	shalt  }
0x48: {  	_ =	shalt  }
0x49: {  	_ =	shalt  }
0x4a: {  	_ =	shalt  }
0x4b: {  	_ =	shalt  }
0x4c: {  	_ =	shalt  }
0x4d: {  	_ =	shalt  }
0x4e: {  	_ =	shalt  }
0x4f: {  	_ =	shalt  }
0x50: {  	_ =	shalt  }
0x51: {  	_ =	shalt  }
0x52: {  	_ =	shalt  }
0x53: {  	_ =	shalt  }
0x54: {  	_ =	shalt  }
0x55: {  	_ =	shalt  }
0x56: {  	_ =	shalt  }
0x57: {  	_ =	shalt  }
0x58: {  	_ =	shalt  }
0x59: {  	_ =	shalt  }
0x5a: {  	_ =	shalt  }
0x5b: {  	_ =	shalt  }
0x5c: {  	_ =	shalt  }
0x5d: {  	_ =	shalt  }
0x5e: {  	_ =	shalt  }
0x5f: {  	_ =	shalt  }
0x60: {  	_ =	shalt  }
0x61: {  	_ =	shalt  }
0x62: {  	_ =	shalt  }
0x63: {  	_ =	shalt  }
0x64: {  	_ =	shalt  }
0x65: {  	_ =	shalt  }
0x66: {  	_ =	shalt  }
0x67: {  	_ =	shalt  }
0x68: {  	_ =	shalt  }
0x69: {  	_ =	shalt  }
0x6a: {  	_ =	shalt  }
0x6b: {  	_ =	shalt  }
0x6c: {  	_ =	shalt  }
0x6d: {  	_ =	shalt  }
0x6e: {  	_ =	shalt  }
0x6f: {  	_ =	shalt  }
0x70: {  	_ =	shalt  }
0x71: {  	_ =	shalt  }
0x72: {  	_ =	shalt  }
0x73: {  	_ =	shalt  }
0x74: {  	_ =	shalt  }
0x75: {  	_ =	shalt  }
0x76: {  	_ =	shalt  }
0x77: {  	_ =	shalt  }
0x78: {  	_ =	shalt  }
0x79: {  	_ =	shalt  }
0x7a: {  	_ =	shalt  }
0x7b: {  	_ =	shalt  }
0x7c: {  	_ =	shalt  }
0x7d: {  	_ =	shalt  }
0x7e: {  	_ =	shalt  }
0x7f: {  	_ =	shalt  }
0x80: {  	_ =	shalt  }
0x81: {  	_ =	shalt  }
0x82: {  	_ =	shalt  }
0x83: {  	_ =	shalt  }
0x84: {  	_ =	shalt  }
0x85: {  	_ =	shalt  }
0x86: {  	_ =	shalt  }
0x87: {  	_ =	shalt  }
.Lfunc_end0:
.L_simem_size_0:
called_computation.5_lowered:
.L_overlay_start_0:
0x88: {  	s2 =	sld [smem:$0x3FD9]  }
0x89: {  	s3 =	sld [smem:$0x3FFE];
	_ =	sdelay $0x1  }
0x8a: {  	s1 =	srdreg.scid  }
0x8b: {  	s0 =	sand.u32 $0x1, s1  }
0x8c: {  	s16 =	sshll.u32 s0, $0xA;
	s2 =	sadd.s32 s3, s2  }
0x8d: {  	s2 =	sadd.s32 s2, s16  }
0x8e: {  	[smem:$0x3FB0] =	sst s2  }
0x8f: {  	_ = 	snop  }
0x90: {  	(tm) =	ssettm $0x1  }
0x91: {  	s17 =	sld [smem:$0x3FFB];
	_ =	sdelay $0x3  }
0x92: {  	_ =	strace s17  }
0x93: {  	s2 =	sld [smem:$0x3FFC];
	_ =	sdelay $0x3  }
0x94: {  	_ =	strace s2  }
0x95: {  	s2 =	sld [smem:$0x3FFD];
	_ =	sdelay $0x3  }
0x96: {  	_ =	strace s2  }
0x97: {  	_ =	strace $0x8FFFFFFF  }
0x98: {  	s18 =	sld [smem:$0x3FDB];
	_ =	sdelay $0x1  }
0x99: {  	s19 =	simm.s32 $_scs_section_size  }
0x9a: {  	s4 =	simm.s32 $_size__tile_overlayer_lowered;
	s5 =	simm.s32 $_tile_overlayer_lowered  }
0x9b: {  	s22 =	simm.s32 $0x1BFF;
	s21 =	sshll.u32 s5, $0x1;
	s2 =	sadd.s32 s19, s18  }
0x9c: {  	s6 =	simm.s32 $0x0;
	s20 =	sshll.u32 s4, $0x1;
	s4 =	sadd.s32 s21, s2  }
0x9d: {  	[timem:s6], [sflag:s22] =	dma.local [hbm:s4], s20  }
0x9e: {  	_ =	swait.ge [sflag:s22], s20  }
0x9f: {  	s3 =	ssub.s32 $0x0, s20;
	[sflag:s22] =	ssyncset.done $0x0  }
0xa0: {  	[sflag:s22] =	ssyncadd.s32 s3;
	_ =	sdelay $0x1  }
0xa1: {  	s23 =	simm.s32 $0x1B8B  }
0xa2: {  	_ =	swait.ge [sflag:s23], $0x1  }
0xa3: {  	[sflag:s23] =	ssyncset.done $0x0  }
0xa4: {  	s25 =	simm.s32 $0x1B8E;
	s24 =	sld [smem:$0x3FFE];
	[sflag:s23] =	ssyncadd.s32 $0xFFFFFFFF  }
0xa5: {  	s26 =	simm.s32 $execute0_lowered;
	[smem:$0x3FD2] =	sst s25  }
0xa6: {  	s4 =	sshll.u32 s26, $0x1;
	_ =	strace $0x80000055;
	[dreg:$0x1] =	wrdreg $0xFFFFFFFF  }
0xa7: {  	s28 =	simm.s32 $_size_execute0_lowered;
	s2 =	sadd.s32 s2, s4;
	[dreg:$0x0] =	wrdreg $0x0  }
0xa8: {  	s4 =	sshll.u32 s28, $0x1;
	[dreg:$0x2] =	wrdreg s2  }
0xa9: {  	[dreg:$0x3] =	wrdreg s4  }
0xaa: {  	[dreg:$0x4] =	wrdreg $0xC0  }
0xab: {  	_ =	task [dreg:s6], $0x5FFFF  }
0xac: {  	[dreg:$0x1] =	wrdreg $0xFFFFFFFF  }
0xad: {  	[dreg:$0x0] =	wrdreg $0x60  }
0xae: {  	[dreg:$0x2] =	wrdreg s24  }
0xaf: {  	[dreg:$0x3] =	wrdreg $0x9  }
0xb0: {  	_ =	task.clear_ibuf [dreg:s6], $0x4FFFF;
	_ =	strace $0x90000055  }
0xb1: {  	s29 =	simm.s32 $0x9;
	_ =	strace $0x80000057  }
0xb2: {  	_ =	swait.ge [sflag:s29], $0x1  }
0xb3: {  	[sflag:s29] =	ssyncadd.s32 $0xFFFFFFFF  }
0xb4: {  	_ =	strace $0x90000057  }
0xb5: {  	_ =	sfence  }
0xb6: {  	s30 =	sld [smem:$0x0];
	_ =	sdelay $0x2  }
0xb7: {  	s31 =	sshll.u32 s1, $0xD;
	s1 =	sshrl.u32 s1, $0x2  }
0xb8: {  	s3 =	sand.u32 $0x4000, s31;
	s1 =	sadd.s32 s1, s30  }
0xb9: {  	s0 =	sor.u32 s3, s0;
	s1 =	sshll.u32 s1, $0x11  }
0xba: {  	s0 =	sor.u32 s1, s0  }
0xbb: {  	s0 =	sadd.s32 $0x8F2B, s0  }
0xbc: {  	[sflag:s0] =	ssyncadd.remote.s32 $0x1  }
0xbd: {  	_ =	sfence.sel $0xFFFF  }
0xbe: {  	[dreg:$0x0] =	wrdreg $0xFFFFFFFF;
	(pc) =	sbr.abs _section_cstart, $3  }
0xbf: {  	[dreg:$0x1] =	wrdreg $0xFFFFFFFF  }
0xc0: {  	_ =	task.clear_ibuf [dreg:s6], $0x2FFFF;
	_ =	strace $0x9FFFFFFF  }
0xc1: {  	(tm) =	ssettm $0x7FFFFFFF  }
tec
execute0_lowered:
.L_overlay_start_1:
0x0: {  	(tag) =	ssettag $0x1  }
0x1: {  	s1 =	srdreg.scid;
	s0 =	stileid.u32  }
0x2: {  	s5 =	rddreg [dreg:$0x0];
	s2 =	simm.s32 $0x0;
	s8 =	simm.s32 $0x80  }
0x3: {  	s9 =	simm.s32 $0x1;
	s4 =	sand.u32 $0x1, s1;
	s30 =	sshll.u32 s0, $0x1  }
0x4: {  	s10 =	simm.s32 $0x1400;
	s1 =	rddreg [dreg:$0x1];
	s3 =	sor.u32 s4, s30  }
0x5: {  	s11 =	simm.s32 $0x0;
	[smem:$0x7FF] =	sst s2;
	s6 =	smul.u32 $0x280, s3  }
0x6: {  	_ =	strace $0x80000056;
	s4 =	ssub.s32 $0x2, s4;
	s7 =	smul.u32 $0x2800, s3  }
0x7: {  	s3 =	sadd.s32 $0xF800, s5;
	s31 =	sshrl.u32 s4, $0x1;
	s6 =	sadd.s32 s6, s5  }
0x8: {  	s5 =	sadd.s32 s7, s5;
	s7 =	ssub.s32 s4, s31;
	s4 =	sadd.s32 $0x19800, s6  }
0x9: {  	s5 =	sadd.s32 $0x6CC00, s5;
	s6 =	smax.u32 s7, $0x1;
	s7 =	simm.s32 $0x2  }
.LBB2_1:
0xa: {  	[tilespmem:s2], [sflag:$0x2] =	stream.linear.gather [hbm4b:s4+s2], $0x1400, $0x38;
	[tilespmem:$0x15400] =	vst v63  }
0xb: {  	_ =	swait.ge [sflag:s7], $0x1400  }
0xc: {  	[sflag:s7] =	ssyncset.done $0x0  }
0xd: {  	s12 =	simm.s32 $0x0;
	[sflag:s7] =	ssyncadd.s32 $0xFFFFEC00  }
0xe: {  	[tilespmem:s10], [sflag:$0x1] =	stream.indirect.gather [hbm4b:s3+s8], $0x10, s12, s8, $0xb8;
	[tilespmem:$0x15400] =	vst v63  }
0xf: {  	_ =	swait.ge [sflag:s9], $0x800  }
0x10: {  	s13 =	simm.s32 $0x1400;
	s12 =	simm.s32 $0x200;
	[sflag:s9] =	ssyncset.done $0x0  }
.LBB2_2:
0x11: {  	s14 =	sshra.s32 s12, $0x2  }
0x12: {  	[sflag:s9] =	ssyncadd.s32 $0xFFFFF800;
	s13 =	sadd.s32 $0x800, s13;
	p0 =	sne.s32 s12, $0x4E00  }
0x13: {  	[tilespmem:s13], [sflag:$0x1] =	stream.indirect.gather [hbm4b:s3+s8], $0x10, s14, s8, $0xb8;
	[tilespmem:$0x15400] =	vst v63  }
.Ltmp0:
0x14: {  	_ = 	snop;
	(pc) =	sbr.rel @p0 .LBB2_2-.Ltmp0, $4  }
0x15: {  	_ = 	snop  }
0x16: {  	s12 =	sadd.s32 $0x200, s12  }
0x17: {  	_ =	swait.ge [sflag:s9], $0x800  }
0x18: {  	[sflag:s9] =	ssyncset.done $0x0  }
0x19: {  	s11 =	sadd.s32 $0x1, s11  }
0x1a: {  	p0 =	sne.s32 s11, s6  }
.Ltmp1:
0x1b: {  	[sflag:s9] =	ssyncadd.s32 $0xFFFFF800;
	(pc) =	sbr.rel @p0 .LBB2_1-.Ltmp1, $4  }
0x1c: {  	[hbm4b:s5+s2] =	stream.linear.scatter [tilespmem:s10], [sflag:$0x2], $0x14000, $0x38;
	[tilespmem:$0x15400] =	vst v63  }
0x1d: {  	_ =	swait.ge [sflag:s7], $0x14000  }
0x1e: {  	[sflag:s7] =	ssyncset.done $0x0  }
0x1f: {  	[sflag:s7] =	ssyncadd.s32 $0xFFFEC000  }
0x20: {  	_ =	sfence.sel $0x180000  }
0x21: {  	[bflag:$0x0] =	sbarrier.arrive $0xFFFF  }
0x22: {  	p0 =	sne.s32 s0, $0x0;
	_ =	strace $0x90000056  }
0x23: {  	s0 =	sadd.s32 @!p0 $0x100000, s1;
	[bflag:$0x2] =	sbarrier.arrive $0xFFFF  }
0x24: {  	[sflag:s0] =	ssyncadd.tile.s32 @!p0 $0x1;
	_ =	shalt  }
.Lfunc_end2:
_tile_overlayer_lowered:
.L_overlay_start_2:
0x25: {  	(tag) =	ssettag $0x2  }
0x26: {  	s0 =	rddreg [dreg:$0x0];
	s2 =	stileid.u32  }
0x27: {  	s1 =	rddreg [dreg:$0x1];
	p0 =	sne.s32 s2, $0x0  }
0x28: {  	s3 =	rddreg [dreg:$0x2];
	[bflag:$0x3] =	sbarrier.arrive $0xFFFF;
	s2 =	simm.s32 @!p0 $0x1C02  }
0x29: {  	[timem:s3], [sflag:s2] =	dma.local @!p0 [hbm:s0], s1  }
0x2a: {  	s0 =	simm.s32 @!p0 $0x2  }
0x2b: {  	_ =	swait.ge @!p0 [sflag:s0], s1  }
0x2c: {  	s1 =	ssub.s32 @!p0 $0x0, s1;
	[sflag:s0] =	ssyncset.done @!p0 $0x0  }
0x2d: {  	[sflag:s0] =	ssyncadd.s32 @!p0 s1  }
0x2e: {  	[bflag:$0x3] =	sbarrier.arrive $0xFFFF  }
0x2f: {  	_ =	shalt  }

// kernel: kernel.35.cloned.1.call-start
scs
__scs_entry_jumppad:
0x0: {  	(pc) =	sbr.rel $0x88, $3  }
0x1: {  	(tag) =	ssettag $0x0;
	lr =	simm.s32 $0x1  }
0x2: {  	[smem:$0x3F89] =	sst lr;
	_ =	strace $0xD0000000  }
0x3: {  	_ = 	snop  }
0x4: {  	_ = 	snop  }
0x5: {  	_ = 	snop  }
0x6: {  	_ = 	snop  }
0x7: {  	_ = 	snop  }
__scs_overlays_trampoline_lowered:
0x8: {  	[smem:$0x3F98] =	sst s0  }
0x9: {  	[smem:$0x3F99] =	sst s1  }
0xa: {  	[smem:$0x3F9A] =	sst s2  }
0xb: {  	[smem:$0x3F9B] =	sst s3  }
0xc: {  	[smem:$0x3F9C] =	sst s4  }
0xd: {  	[smem:$0x3F9D] =	sst s5  }
0xe: {  	[smem:$0x3F9E] =	sst s6  }
0xf: {  	[smem:$0x3F9F] =	sst s7  }
0x10: {  	[smem:$0x3FA0] =	sst s8  }
0x11: {  	[smem:$0x3FA1] =	sst s9;
	s0 =	simm.s32 @!p0 $0x0  }
0x12: {  	s1 =	sld [smem:$0x3F87];
	s0 =	simm.s32 @p0 $0x1  }
0x13: {  	[smem:$0x3FA2] =	sst s0;
	s0 =	simm.s32 @!p1 $0x0  }
0x14: {  	s2 =	sld [smem:$0x3F86];
	s0 =	simm.s32 @p1 $0x1  }
0x15: {  	[smem:$0x3FA3] =	sst s0;
	s0 =	simm.s32 @!p2 $0x0  }
0x16: {  	s3 =	sld [smem:$0x3FDB];
	s0 =	simm.s32 @p2 $0x1  }
0x17: {  	s4 =	simm.s32 $0x1BF5;
	[smem:$0x3FA5] =	sst s0  }
0x18: {  	s0 =	sld [smem:$0x3F88];
	_ =	swait.ge [sflag:s4], $0x0  }
0x19: {  	s7 =	sld [smem:$0x3F89]  }
0x1a: {  	s8 =	sadd.s32 $0xFFFFE003, lr  }
0x1b: {  	s9 =	sadd.s32 $0xFFFFFEF7, lr;
	s5 =	simm.s32 $0xFFFFFFFF;
	p2 =	slt.u32 s8, $0xFFFFF086  }
0x1c: {  	p1 =	slt.u32 s9, $0xF7A;
	s5 =	simm.s32 @!p2 $0x0  }
0x1d: {  	s5 =	simm.s32 @p1 $0x1;
	p0 =	seq.s32 s7, s2  }
0x1e: {  	s7 =	smul.u32 @!p0 $0xF7A, s2;
	p2 =	seq.s32 @!p0 s5, $0x0  }
0x1f: {  	s9 =	smul.u32 $0xF7A, s1;
	s8 =	simm.s32 @!p0 $0x1BF5;
	p2 =	por !p2, p0  }
0x20: {  	[sflag:s8] =	ssyncset.s32 @!p0 $0xFFFFF086;
	s6 =	sadd.s32 @!p0 s3, s7;
	s7 =	simm.s32 @!p0 $0x108  }
0x21: {  	s3 =	sadd.s32 s3, s9;
	s6 =	sadd.s32 @!p0 $0x88, s6;
	s7 =	simm.s32 @p2 $0x1082  }
0x22: {  	[simem:s7], [sflag:s8] =	dma.local @!p0 [hbm:s6], $0xF7A  }
0x23: {  	s9 =	sor.u32 $0xD0000000, s2;
	s6 =	simm.s32 $0x108;
	_ =	swait.ge @!p0 [sflag:s8], $0x0  }
0x24: {  	s3 =	sadd.s32 $0x88, s3;
	s6 =	simm.s32 @!p1 $0x1082;
	[sflag:s4] =	ssyncset.s32 $0xFFFFF086  }
0x25: {  	[simem:s6], [sflag:s4] =	dma.local [hbm:s3], $0xF7A  }
0x26: {  	[smem:$0x3F89] =	sst s1;
	(tag) =	ssettag s2;
	_ =	strace s9  }
0x27: {  	s1 =	sld [smem:$0x3F99]  }
0x28: {  	s2 =	sld [smem:$0x3F9A]  }
0x29: {  	s4 =	sld [smem:$0x3F9C]  }
0x2a: {  	p0 =	seq.s32 s5, $0x0;
	s5 =	sld [smem:$0x3F9D]  }
0x2b: {  	s6 =	sld [smem:$0x3F9E]  }
0x2c: {  	s7 =	sld [smem:$0x3F9F]  }
0x2d: {  	s3 =	simm.s32 $0x108;
	s8 =	sld [smem:$0x3FA0]  }
0x2e: {  	s3 =	simm.s32 @!p0 $0x1082;
	s9 =	sld [smem:$0x3FA1]  }
0x2f: {  	lr =	sadd.s32 s0, s3;
	s0 =	sld [smem:$0x3F98]  }
0x30: {  	s3 =	sld [smem:$0x3F9B]  }
0x31: {  	[smem:$0x3FA4] =	sst s10  }
0x32: {  	s10 =	sld [smem:$0x3FA2];
	_ =	sdelay $0x3  }
0x33: {  	p0 =	seq.s32 s10, $0x1;
	s10 =	sld [smem:$0x3FA4];
	_ =	sdelay $0x3  }
0x34: {  	[smem:$0x3FA4] =	sst s10  }
0x35: {  	s10 =	sld [smem:$0x3FA3];
	_ =	sdelay $0x3  }
0x36: {  	p1 =	seq.s32 s10, $0x1;
	s10 =	sld [smem:$0x3FA4];
	_ =	sdelay $0x3  }
0x37: {  	[smem:$0x3FA4] =	sst s10  }
0x38: {  	s10 =	sld [smem:$0x3FA5]  }
0x39: {  	_ = 	snop;
	(pc) =	sbr.ind lr, $3  }
0x3a: {  	_ = 	snop  }
0x3b: {  	_ = 	snop  }
0x3c: {  	p2 =	seq.s32 s10, $0x1;
	s10 =	sld [smem:$0x3FA4]  }
0x3d: {  	_ =	shalt  }
0x3e: {  	_ =	shalt  }
0x3f: {  	_ =	shalt  }
0x40: {  	_ =	shalt  }
0x41: {  	_ =	shalt  }
0x42: {  	_ =	shalt  }
0x43: {  	_ =	shalt  }
0x44: {  	_ =	shalt  }
0x45: {  	_ =	shalt  }
0x46: {  	_ =	shalt  }
0x47: {  	_ =	shalt  }
0x48: {  	_ =	shalt  }
0x49: {  	_ =	shalt  }
0x4a: {  	_ =	shalt  }
0x4b: {  	_ =	shalt  }
0x4c: {  	_ =	shalt  }
0x4d: {  	_ =	shalt  }
0x4e: {  	_ =	shalt  }
0x4f: {  	_ =	shalt  }
0x50: {  	_ =	shalt  }
0x51: {  	_ =	shalt  }
0x52: {  	_ =	shalt  }
0x53: {  	_ =	shalt  }
0x54: {  	_ =	shalt  }
0x55: {  	_ =	shalt  }
0x56: {  	_ =	shalt  }
0x57: {  	_ =	shalt  }
0x58: {  	_ =	shalt  }
0x59: {  	_ =	shalt  }
0x5a: {  	_ =	shalt  }
0x5b: {  	_ =	shalt  }
0x5c: {  	_ =	shalt  }
0x5d: {  	_ =	shalt  }
0x5e: {  	_ =	shalt  }
0x5f: {  	_ =	shalt  }
0x60: {  	_ =	shalt  }
0x61: {  	_ =	shalt  }
0x62: {  	_ =	shalt  }
0x63: {  	_ =	shalt  }
0x64: {  	_ =	shalt  }
0x65: {  	_ =	shalt  }
0x66: {  	_ =	shalt  }
0x67: {  	_ =	shalt  }
0x68: {  	_ =	shalt  }
0x69: {  	_ =	shalt  }
0x6a: {  	_ =	shalt  }
0x6b: {  	_ =	shalt  }
0x6c: {  	_ =	shalt  }
0x6d: {  	_ =	shalt  }
0x6e: {  	_ =	shalt  }
0x6f: {  	_ =	shalt  }
0x70: {  	_ =	shalt  }
0x71: {  	_ =	shalt  }
0x72: {  	_ =	shalt  }
0x73: {  	_ =	shalt  }
0x74: {  	_ =	shalt  }
0x75: {  	_ =	shalt  }
0x76: {  	_ =	shalt  }
0x77: {  	_ =	shalt  }
0x78: {  	_ =	shalt  }
0x79: {  	_ =	shalt  }
0x7a: {  	_ =	shalt  }
0x7b: {  	_ =	shalt  }
0x7c: {  	_ =	shalt  }
0x7d: {  	_ =	shalt  }
0x7e: {  	_ =	shalt  }
0x7f: {  	_ =	shalt  }
0x80: {  	_ =	shalt  }
0x81: {  	_ =	shalt  }
0x82: {  	_ =	shalt  }
0x83: {  	_ =	shalt  }
0x84: {  	_ =	shalt  }
0x85: {  	_ =	shalt  }
0x86: {  	_ =	shalt  }
0x87: {  	_ =	shalt  }
.Lfunc_end0:
.L_simem_size_0:
called_computation.6_lowered:
.L_overlay_start_0:
0x88: {  	s2 =	sld [smem:$0x3FD9]  }
0x89: {  	s3 =	sld [smem:$0x3FFE];
	_ =	sdelay $0x1  }
0x8a: {  	s1 =	srdreg.scid  }
0x8b: {  	s0 =	sand.u32 $0x1, s1  }
0x8c: {  	s16 =	sshll.u32 s0, $0xA;
	s2 =	sadd.s32 s3, s2  }
0x8d: {  	s2 =	sadd.s32 s2, s16  }
0x8e: {  	[smem:$0x3FB0] =	sst s2  }
0x8f: {  	_ = 	snop  }
0x90: {  	(tm) =	ssettm $0x1  }
0x91: {  	s17 =	sld [smem:$0x3FFB];
	_ =	sdelay $0x3  }
0x92: {  	_ =	strace s17  }
0x93: {  	s2 =	sld [smem:$0x3FFC];
	_ =	sdelay $0x3  }
0x94: {  	_ =	strace s2  }
0x95: {  	s2 =	sld [smem:$0x3FFD];
	_ =	sdelay $0x3  }
0x96: {  	_ =	strace s2  }
0x97: {  	_ =	strace $0x8FFFFFFF  }
0x98: {  	s18 =	sld [smem:$0x3FDB];
	_ =	sdelay $0x1  }
0x99: {  	s19 =	simm.s32 $_scs_section_size  }
0x9a: {  	s4 =	simm.s32 $_size__tile_overlayer_lowered;
	s5 =	simm.s32 $_tile_overlayer_lowered  }
0x9b: {  	s22 =	simm.s32 $0x1BFF;
	s21 =	sshll.u32 s5, $0x1;
	s2 =	sadd.s32 s19, s18  }
0x9c: {  	s6 =	simm.s32 $0x0;
	s20 =	sshll.u32 s4, $0x1;
	s4 =	sadd.s32 s21, s2  }
0x9d: {  	[timem:s6], [sflag:s22] =	dma.local [hbm:s4], s20  }
0x9e: {  	_ =	swait.ge [sflag:s22], s20  }
0x9f: {  	s3 =	ssub.s32 $0x0, s20;
	[sflag:s22] =	ssyncset.done $0x0  }
0xa0: {  	[sflag:s22] =	ssyncadd.s32 s3;
	_ =	sdelay $0x1  }
0xa1: {  	s23 =	simm.s32 $0x1B8B  }
0xa2: {  	_ =	swait.ge [sflag:s23], $0x1  }
0xa3: {  	[sflag:s23] =	ssyncset.done $0x0  }
0xa4: {  	s25 =	simm.s32 $0x1B8E;
	s24 =	sld [smem:$0x3FFE];
	[sflag:s23] =	ssyncadd.s32 $0xFFFFFFFF  }
0xa5: {  	s26 =	simm.s32 $execute0_lowered;
	[smem:$0x3FD2] =	sst s25  }
0xa6: {  	s4 =	sshll.u32 s26, $0x1;
	_ =	strace $0x80000058;
	[dreg:$0x1] =	wrdreg $0xFFFFFFFF  }
0xa7: {  	s28 =	simm.s32 $_size_execute0_lowered;
	s2 =	sadd.s32 s2, s4;
	[dreg:$0x0] =	wrdreg $0x0  }
0xa8: {  	s4 =	sshll.u32 s28, $0x1;
	[dreg:$0x2] =	wrdreg s2  }
0xa9: {  	[dreg:$0x3] =	wrdreg s4  }
0xaa: {  	[dreg:$0x4] =	wrdreg $0xC0  }
0xab: {  	_ =	task [dreg:s6], $0x5FFFF  }
0xac: {  	[dreg:$0x1] =	wrdreg $0xFFFFFFFF  }
0xad: {  	[dreg:$0x0] =	wrdreg $0x60  }
0xae: {  	[dreg:$0x2] =	wrdreg s24  }
0xaf: {  	[dreg:$0x3] =	wrdreg $0x154000  }
0xb0: {  	[dreg:$0x4] =	wrdreg $0x9  }
0xb1: {  	_ =	task.clear_ibuf [dreg:s6], $0x5FFFF;
	_ =	strace $0x90000058  }
0xb2: {  	s29 =	simm.s32 $0x9;
	_ =	strace $0x8000005A  }
0xb3: {  	_ =	swait.ge [sflag:s29], $0x1  }
0xb4: {  	[sflag:s29] =	ssyncadd.s32 $0xFFFFFFFF  }
0xb5: {  	_ =	strace $0x9000005A  }
0xb6: {  	_ =	sfence  }
0xb7: {  	s30 =	sld [smem:$0x0];
	_ =	sdelay $0x2  }
0xb8: {  	s31 =	sshll.u32 s1, $0xD;
	s1 =	sshrl.u32 s1, $0x2  }
0xb9: {  	s3 =	sand.u32 $0x4000, s31;
	s1 =	sadd.s32 s1, s30  }
0xba: {  	s0 =	sor.u32 s3, s0;
	s1 =	sshll.u32 s1, $0x11  }
0xbb: {  	s0 =	sor.u32 s1, s0  }
0xbc: {  	s0 =	sadd.s32 $0x8F2B, s0  }
0xbd: {  	[sflag:s0] =	ssyncadd.remote.s32 $0x1  }
0xbe: {  	_ =	sfence.sel $0xFFFF  }
0xbf: {  	[dreg:$0x0] =	wrdreg $0xFFFFFFFF;
	(pc) =	sbr.abs _section_cstart, $3  }
0xc0: {  	[dreg:$0x1] =	wrdreg $0xFFFFFFFF  }
0xc1: {  	_ =	task.clear_ibuf [dreg:s6], $0x2FFFF;
	_ =	strace $0x9FFFFFFF  }
0xc2: {  	(tm) =	ssettm $0x7FFFFFFF  }
0xc3: {  	_ =	shalt  }
tec
execute0_lowered:
.L_overlay_start_1:
0x0: {  	(tag) =	ssettag $0x1  }
0x1: {  	s1 =	srdreg.scid;
	s6 =	rddreg [dreg:$0x0]  }
0x2: {  	s0 =	stileid.u32;
	s2 =	rddreg [dreg:$0x1];
	s3 =	simm.s32 $0x0  }
0x3: {  	s13 =	simm.s32 $0x0;
	s4 =	sand.u32 $0x1, s1;
	s1 =	rddreg [dreg:$0x2]  }
0x4: {  	s26 =	sshll.u32 s0, $0x1;
	s8 =	smul.u32 $0x2800, s0;
	[smem:$0x7FF] =	sst s3  }
0x5: {  	s31 =	sshll.u32 s0, $0x6;
	s5 =	sor.u32 s4, s26;
	s9 =	smul.u32 $0x28000, s4  }
0x6: {  	_ =	strace $0x80000059;
	s29 =	ssub.s32 $0x2, s4;
	s7 =	smul.u32 $0x2800, s5  }
0x7: {  	s4 =	sadd.s32 $0xF200, s6;
	s5 =	smul.u32 $0x280, s5;
	s30 =	sshrl.u32 s29, $0x1  }
0x8: {  	s12 =	sadd.s32 s8, s2;
	s9 =	sadd.s32 s8, s9;
	s7 =	sadd.s32 s7, s6  }
0x9: {  	s10 =	sadd.s32 s5, s6;
	s28 =	sshrl.u32 s9, $0x3;
	s9 =	ssub.s32 s29, s30  }
0xa: {  	s5 =	sor.u32 $0x1C01, s31;
	s11 =	sadd.s32 s28, s6;
	s6 =	sadd.s32 $0xA200, s10  }
0xb: {  	s7 =	sadd.s32 $0x2ECC00, s7;
	s9 =	smax.u32 s9, $0x1;
	s10 =	sshrl.u32 s12, $0x3  }
0xc: {  	s12 =	simm.s32 $0x80;
	s8 =	sadd.s32 $0xF800, s11;
	s11 =	simm.s32 $0x1  }
.LBB2_1:
0xd: {  	[spmem:s10], [sflag:s5] =	dma.local [hbm:s4], $0x500  }
0xe: {  	_ =	swait.ge [sflag:s11], $0x500  }
0xf: {  	[sflag:s11] =	ssyncset.done $0x0  }
0x10: {  	[sflag:s11] =	ssyncadd.s32 $0xFFFFFB00  }
0x11: {  	[tilespmem:s3], [sflag:$0x1] =	stream.linear.gather [hbm4b:s6+s3], $0x1400, $0x38;
	[tilespmem:$0x17C00] =	vst v63  }
0x12: {  	_ =	swait.ge [sflag:s11], $0x1400  }
0x13: {  	[sflag:s11] =	ssyncset.done $0x0  }
0x14: {  	s14 =	simm.s32 $0x1400;
	[sflag:s11] =	ssyncadd.s32 $0xFFFFEC00  }
0x15: {  	[tilespmem:s14], [sflag:$0x1] =	stream.linear.gather [hbm4b:s7+s3], $0x14000, $0x38;
	[tilespmem:$0x17C00] =	vst v63  }
0x16: {  	_ =	swait.ge [sflag:s11], $0x14000  }
0x17: {  	[sflag:s11] =	ssyncset.done $0x0  }
0x18: {  	[sflag:s11] =	ssyncadd.s32 $0xFFFEC000  }
0x19: {  	s15 =	simm.s32 $0x0;
	[bflag:$0x0] =	sbarrier.arrive $0xFFFF  }
0x1a: {  	[spmem:s2] =	stream.indirect.scatter.add.f32 [tilespmem:s14], [sflag:$0x1], $0x10, s15, s12, $0xb8;
	[tilespmem:$0x17C00] =	vst v63  }
0x1b: {  	_ =	swait.ge [sflag:s11], $0x800  }
0x1c: {  	s15 =	simm.s32 $0x200;
	[sflag:s11] =	ssyncset.done $0x0  }
.LBB2_2:
0x1d: {  	s16 =	sshra.s32 s15, $0x2  }
0x1e: {  	[sflag:s11] =	ssyncadd.s32 $0xFFFFF800;
	s14 =	sadd.s32 $0x800, s14;
	p0 =	sne.s32 s15, $0x4E00  }
0x1f: {  	[spmem:s2] =	stream.indirect.scatter.add.f32 [tilespmem:s14], [sflag:$0x1], $0x10, s16, s12, $0xb8;
	[tilespmem:$0x17C00] =	vst v63  }
.Ltmp0:
0x20: {  	_ = 	snop;
	(pc) =	sbr.rel @p0 .LBB2_2-.Ltmp0, $4  }
0x21: {  	_ = 	snop  }
0x22: {  	s15 =	sadd.s32 $0x200, s15  }
0x23: {  	_ =	swait.ge [sflag:s11], $0x800  }
0x24: {  	[sflag:s11] =	ssyncset.done $0x0  }
0x25: {  	s13 =	sadd.s32 $0x1, s13  }
0x26: {  	[sflag:s11] =	ssyncadd.s32 $0xFFFFF800;
	p0 =	sne.s32 s13, s9  }
.Ltmp1:
0x27: {  	[bflag:$0x0] =	sbarrier.arrive $0xFFFF;
	(pc) =	sbr.rel @p0 .LBB2_1-.Ltmp1, $4  }
0x28: {  	[hbm:s8], [sflag:s5] =	dma.local [spmem:s10], $0x500  }
0x29: {  	_ =	swait.ge [sflag:s11], $0x500  }
0x2a: {  	[sflag:s11] =	ssyncset.done $0x0  }
0x2b: {  	[sflag:s11] =	ssyncadd.s32 $0xFFFFFB00  }
0x2c: {  	_ =	sfence.sel $0x180000  }
0x2d: {  	[bflag:$0x0] =	sbarrier.arrive $0xFFFF  }
0x2e: {  	p0 =	sne.s32 s0, $0x0;
	_ =	strace $0x90000059  }
0x2f: {  	s0 =	sadd.s32 @!p0 $0x100000, s1;
	[bflag:$0x2] =	sbarrier.arrive $0xFFFF  }
0x30: {  	[sflag:s0] =	ssyncadd.tile.s32 @!p0 $0x1;
	_ =	shalt  }
.Lfunc_end2:
_tile_overlayer_lowered:
.L_overlay_start_2:
0x31: {  	(tag) =	ssettag $0x2  }
0x32: {  	s0 =	rddreg [dreg:$0x0];
	s2 =	stileid.u32  }
0x33: {  	s1 =	rddreg [dreg:$0x1];
	p0 =	sne.s32 s2, $0x0  }
0x34: {  	s3 =	rddreg [dreg:$0x2];
	[bflag:$0x3] =	sbarrier.arrive $0xFFFF;
	s2 =	simm.s32 @!p0 $0x1C01  }
0x35: {  	[timem:s3], [sflag:s2] =	dma.local @!p0 [hbm:s0], s1  }
0x36: {  	s0 =	simm.s32 @!p0 $0x1  }
0x37: {  	_ =	swait.ge @!p0 [sflag:s0], s1  }
0x38: {  	s1 =	ssub.s32 @!p0 $0x0, s1;
	[sflag:s0] =	ssyncset.done @!p0 $0x0  }
0x39: {  	[sflag:s0] =	ssyncadd.s32 @!p0 s1  }
0x3a: {  	[bflag:$0x3] =	sbarrier.arrive $0xFFFF  }
0x3b: {  	_ =	shalt  }

</sc_bundles>
